<compile_context>
chip_gen: v7x
topology: tpu7x:2x2x1
jax: 0.10.2.dev20260603
libtpu: 0.0.44.dev20260713+nightly
codegen_flags: <defaults>
</compile_context>

<pallas_src>
import functools

import jax
import jax.numpy as jnp
from jax import lax
from jax.experimental import pallas as pl
from jax.experimental.pallas import tpu as pltpu
from jax.experimental.pallas import tpu_sc as plsc

_NC = 2
_NS = 16
_CH = 125
_K = 5


def _mesh():
    return plsc.VectorSubcoreMesh(core_axis_name="c", subcore_axis_name="s")


@functools.cache
def _make_deg(n, e):
    nch = e // (_NS * _CH)
    rpt = n // _NS
    assert e % (_NS * _CH) == 0 and n % _NS == 0 and nch % _K == 0
    @functools.partial(
        pl.kernel,
        mesh=_mesh(),
        out_type=jax.ShapeDtypeStruct((2, n, 16), jnp.float32),
        compiler_params=pltpu.CompilerParams(use_tc_tiling_on_sc=False),
        scratch_types=[
            pltpu.VMEM((nch, _CH), jnp.int32),
            pltpu.VMEM((_CH, 16), jnp.float32),
            pltpu.VMEM_SHARED((n, 16), jnp.float32),
        ] + [pltpu.SemaphoreType.DMA] * _K,
    )
    def deg_k(ei_hbm, zeros_hbm, ones_hbm, out_hbm, idx_v, ones_v,
              acc_sh, *sems):
        c = lax.axis_index("c")
        s = lax.axis_index("s")
        pltpu.sync_copy(ei_hbm.at[c, s], idx_v)
        pltpu.sync_copy(ones_hbm, ones_v)
        pltpu.sync_copy(zeros_hbm.at[s], acc_sh.at[pl.ds(s * rpt, rpt), :])
        plsc.subcore_barrier()

        def body(i, carry):
            descs = []
            for b in range(_K):
                descs.append(
                    pltpu.async_copy(
                        ones_v, acc_sh.at[idx_v.at[i * _K + b]], sems[b], add=True
                    )
                )
            for b in range(_K):
                descs[b].wait()
            return carry

        lax.fori_loop(0, nch // _K, body, 0)
        plsc.subcore_barrier()
        pltpu.sync_copy(acc_sh.at[pl.ds(s * rpt, rpt), :],
                        out_hbm.at[c, pl.ds(s * rpt, rpt), :])

    return deg_k


@functools.cache
def _make_agg(n, e, d):
    hd = d // _NC
    nch = e // (_NS * _CH)
    rpt = n // _NS
    niter = nch // _K
    assert e % (_NS * _CH) == 0 and d % _NC == 0 and nch % _K == 0

    nwb = rpt // _CH
    assert rpt % _CH == 0

    @functools.partial(
        pl.kernel,
        mesh=_mesh(),
        out_type=jax.ShapeDtypeStruct((_NC * n, hd), jnp.float32),
        compiler_params=pltpu.CompilerParams(use_tc_tiling_on_sc=False),
        scratch_types=[
            pltpu.VMEM((nch, _CH), jnp.int32),
            pltpu.VMEM((nch, _CH), jnp.int32),
            pltpu.VMEM((_K, _CH, hd), jnp.float32),
            pltpu.VMEM((nwb, _CH), jnp.int32),
            pltpu.VMEM_SHARED((n, hd), jnp.float32),
        ] + [pltpu.SemaphoreType.DMA] * (2 * _K),
    )
    def agg_k(h_hbm, si_hbm, ei_hbm, wi_hbm, zeros_hbm, out_hbm,
              sidx, didx, rows, widx, acc_sh, *sems):
        gsem = sems[:_K]
        ssem = sems[_K:]
        c = lax.axis_index("c")
        s = lax.axis_index("s")
        h_view = h_hbm
        d0 = pltpu.async_copy(si_hbm.at[c, s], sidx, gsem[0])
        d1 = pltpu.async_copy(ei_hbm.at[1, s], didx, gsem[1])
        d2 = pltpu.async_copy(wi_hbm.at[c, s], widx, gsem[2])
        d3 = pltpu.async_copy(zeros_hbm.at[s],
                              acc_sh.at[pl.ds(s * rpt, rpt), :], gsem[3])
        d0.wait()
        d1.wait()
        d2.wait()
        d3.wait()
        plsc.subcore_barrier()

        for b in range(_K):
            pltpu.async_copy(h_view.at[sidx.at[b]], rows.at[b], gsem[b])

        def body(i, carry):
            for b in range(_K):
                k = i * _K + b
                pltpu.make_async_copy(
                    h_view.at[sidx.at[k]], rows.at[b], gsem[b]
                ).wait()
                pltpu.async_copy(
                    rows.at[b], acc_sh.at[didx.at[k]], ssem[b], add=True
                )
            for b in range(_K):
                k = i * _K + b
                pltpu.make_async_copy(
                    rows.at[b], acc_sh.at[didx.at[k]], ssem[b]
                ).wait()
                @pl.when(i + 1 < niter)
                def _():
                    pltpu.async_copy(
                        h_view.at[sidx.at[k + _K]], rows.at[b], gsem[b]
                    )
            return carry

        lax.fori_loop(0, niter, body, 0)
        plsc.subcore_barrier()
        for j in range(nwb):
            pltpu.sync_copy(acc_sh.at[pl.ds(s * rpt + j * _CH, _CH), :],
                            rows.at[j])
            pltpu.async_copy(rows.at[j], out_hbm.at[widx.at[j]], gsem[j])
        for j in range(nwb):
            pltpu.make_async_copy(
                rows.at[j], out_hbm.at[widx.at[j]], gsem[j]
            ).wait()

    return agg_k


def _prep_call(x, deg):
    n, d = x.shape

    def body(x_ref, d_ref, o_ref):
        nsrc = lax.rsqrt(jnp.maximum(d_ref[0][:, 0:1], 1.0))
        o_ref[:, :] = x_ref[:, :] * nsrc

    return pl.pallas_call(
        body, out_shape=jax.ShapeDtypeStruct((n, d), jnp.float32)
    )(x, deg)


def _dense_call(p, deg, w, b, g, be, al, split_out):
    n, d = p.shape

    def body(p_ref, d_ref, wr, br, gr, ber, alr, o_ref):
        nd = lax.rsqrt(jnp.maximum(d_ref[1][:, 0:1], 1.0))
        y = jnp.dot(p_ref[:, :] * nd, wr[:, :],
                    preferred_element_type=jnp.float32) + br[:, :]
        m = jnp.mean(y, axis=0, keepdims=True)
        yc = y - m
        v = jnp.mean(yc * yc, axis=0, keepdims=True)
        y = gr[:, :] * yc * lax.rsqrt(v + 1e-5) + ber[:, :]
        y = jnp.where(y >= 0.0, y, alr[0, 0] * y)
        if split_out:
            y = y * lax.rsqrt(jnp.maximum(d_ref[0][:, 0:1], 1.0))
        o_ref[:, :] = y

    return pl.pallas_call(
        body, out_shape=jax.ShapeDtypeStruct((n, d), jnp.float32)
    )(p, deg, w, b, g, be, al)


def kernel(x, edge_index, W1, b1, g1, be1, a1, W2, b2, g2, be2, a2):
    n, d = x.shape
    e = edge_index.shape[1]
    nch = e // (_NS * _CH)
    rpt = n // _NS
    hd = d // _NC

    ei4 = jnp.reshape(edge_index, (2, _NS, nch, _CH))
    s2 = ei4[0] * 2
    si4 = jnp.stack([s2, s2 + 1])
    v2 = 2 * jnp.arange(n, dtype=jnp.int32).reshape(_NS, rpt // _CH, _CH)
    wi4 = jnp.stack([v2, v2 + 1])
    zeros_h = jnp.zeros((_NS, rpt, hd), jnp.float32)
    zeros16 = jnp.zeros((_NS, rpt, 16), jnp.float32)
    ones16 = jnp.ones((_CH, 16), jnp.float32)

    deg = _make_deg(n, e)(ei4, zeros16, ones16)

    b1r, g1r, be1r = b1.reshape(1, d), g1.reshape(1, d), be1.reshape(1, d)
    b2r, g2r, be2r = b2.reshape(1, d), g2.reshape(1, d), be2.reshape(1, d)
    a1r, a2r = a1.reshape(1, 1), a2.reshape(1, 1)

    agg = _make_agg(n, e, d)
    h = _prep_call(x, deg).reshape(_NC * n, hd)
    p = agg(h, si4, ei4, wi4, zeros_h).reshape(n, d)
    h = _dense_call(p, deg, W1, b1r, g1r, be1r, a1r, True).reshape(_NC * n, hd)
    p = agg(h, si4, ei4, wi4, zeros_h).reshape(n, d)
    out = _dense_call(p, deg, W2, b2r, g2r, be2r, a2r, False)
    return out

# --- scband reference (transcript-rebuilt; emitter-appended) ---
"""Pipeline reference for scband-gcn-52226802320176 (READ-ONLY COPY).

The authoritative reference and input builder live on the scoring server;
editing this copy changes nothing except your own understanding.
"""

import jax, jax.numpy as jnp
import numpy as np

N = 10000
E = 320000
D = 128


def setup_inputs(seed: int = 0) -> dict:
    key = jax.random.key(seed)
    ks = jax.random.split(key, 14)
    x = jax.random.normal(ks[0], (N, D), dtype=jnp.float32)
    edge_index = jax.random.randint(ks[1], (2, E), 0, N, dtype=jnp.int32)
    s1 = float(np.sqrt(6.0 / (D + D)))
    W1 = jax.random.uniform(ks[2], (D, D), dtype=jnp.float32, minval=-s1, maxval=s1)
    b1 = jnp.zeros((D,), dtype=jnp.float32)
    g1 = jnp.ones((D,), dtype=jnp.float32)
    be1 = jnp.zeros((D,), dtype=jnp.float32)
    a1 = jnp.full((1,), 0.25, dtype=jnp.float32)
    W2 = jax.random.uniform(ks[3], (D, D), dtype=jnp.float32, minval=-s1, maxval=s1)
    b2 = jnp.zeros((D,), dtype=jnp.float32)
    g2 = jnp.ones((D,), dtype=jnp.float32)
    be2 = jnp.zeros((D,), dtype=jnp.float32)
    a2 = jnp.full((1,), 0.25, dtype=jnp.float32)
    return {"x": x, "edge_index": edge_index, "W1": W1, "b1": b1, "g1": g1, "be1": be1, "a1": a1, "W2": W2, "b2": b2, "g2": g2, "be2": be2, "a2": a2}


def _graph_conv(x, edge_index, W, b):
    # DGL GraphConv, norm='both', allow_zero_in_degree=True
    src = edge_index[0]
    dst = edge_index[1]
    ones = jnp.ones((edge_index.shape[1],), dtype=x.dtype)
    deg_out = jax.ops.segment_sum(ones, src, num_segments=N)
    deg_in = jax.ops.segment_sum(ones, dst, num_segments=N)
    norm_src = jax.lax.rsqrt(jnp.clip(deg_out, 1.0, None))
    norm_dst = jax.lax.rsqrt(jnp.clip(deg_in, 1.0, None))
    h = x * norm_src[:, None]
    msg = jnp.take(h, src, axis=0)
    agg = jax.ops.segment_sum(msg, dst, num_segments=N)
    agg = agg * norm_dst[:, None]
    return agg @ W + b


def _batch_norm(x, gamma, beta, eps=1e-5):
    m = jnp.mean(x, axis=0)
    v = jnp.var(x, axis=0)
    return gamma * (x - m) / jnp.sqrt(v + eps) + beta


def _prelu(x, a):
    return jnp.where(x >= 0, x, a * x)


def reference(x, edge_index, W1, b1, g1, be1, a1, W2, b2, g2, be2, a2):
    h = _graph_conv(x, edge_index, W1, b1)
    h = _batch_norm(h, g1, be1)
    h = _prelu(h, a1)
    h = _graph_conv(h, edge_index, W2, b2)
    h = _batch_norm(h, g2, be2)
    h = _prelu(h, a2)
    return h

if __name__ == "__main__":
    import jax
    _d = setup_inputs()
    print(jax.jit(kernel)(*tuple(_d.values())))

</pallas_src>

<mosaic_0001>
#map = affine_map<(d0, d1) -> (0, 0, 0, 0)>
#map1 = affine_map<(d0, d1) -> (0, 0, 0)>
#map2 = affine_map<(d0, d1) -> (0, 0)>
module attributes {stable_mosaic.version = 14 : i64} {
  func.func @deg_k(%arg0: i32, %arg1: i32, %arg2: memref<2x16x160x125xi32, #tpu.memory_space<hbm>>, %arg3: memref<16x625x16xf32, #tpu.memory_space<hbm>>, %arg4: memref<125x16xf32, #tpu.memory_space<hbm>>, %arg5: memref<2x10000x16xf32, #tpu.memory_space<hbm>>, %arg6: memref<160x125xi32, #tpu.memory_space<vmem>>, %arg7: memref<125x16xf32, #tpu.memory_space<vmem>>, %arg8: memref<10000x16xf32, #tpu.memory_space<vmem_shared>>, %arg9: memref<!tpu.dma_semaphore, #tpu.memory_space<semaphore_mem>>, %arg10: memref<!tpu.dma_semaphore, #tpu.memory_space<semaphore_mem>>, %arg11: memref<!tpu.dma_semaphore, #tpu.memory_space<semaphore_mem>>, %arg12: memref<!tpu.dma_semaphore, #tpu.memory_space<semaphore_mem>>, %arg13: memref<!tpu.dma_semaphore, #tpu.memory_space<semaphore_mem>>) attributes {dimension_semantics = [#tpu.dimension_semantics<core_parallel>, #tpu.dimension_semantics<subcore_parallel>], iteration_bounds = array<i64: 2, 16>, scalar_prefetch = 0 : i64, scratch_operands = 8 : i64, tpu.core_type = #tpu.core_type<sc_vector_subcore>, window_params = [{transform_indices = #map}, {transform_indices = #map1}, {transform_indices = #map2}, {transform_indices = #map1}]} {
    "tpu.region"() ({
      %run_scoped3A = tpu.sem_alloc : memref<!tpu.dma_semaphore, #tpu.memory_space<semaphore_mem>>
      %dma_start3A = arith.constant 0 : i32
      %dma_start3A_11 = arith.constant 0 : i32
      %dma_start3A_12 = tpu.memref_slice %arg2[%arg0, %arg1, %dma_start3A, %dma_start3A_11] : memref<2x16x160x125xi32, #tpu.memory_space<hbm>> -> memref<1x1x160x125xi32, #tpu.memory_space<hbm>>
      %dma_start3A_13 = tpu.memref_squeeze %dma_start3A_12 : memref<1x1x160x125xi32, #tpu.memory_space<hbm>> -> memref<160x125xi32, #tpu.memory_space<hbm>>
      %dma_start3A_14 = arith.constant 0 : i32
      %dma_start3A_15 = arith.constant 0 : i32
      %dma_start3A_16 = tpu.memref_slice %arg2[%arg0, %arg1, %dma_start3A_14, %dma_start3A_15] : memref<2x16x160x125xi32, #tpu.memory_space<hbm>> -> memref<1x1x160x125xi32, #tpu.memory_space<hbm>>
      %dma_start3A_17 = tpu.memref_squeeze %dma_start3A_16 : memref<1x1x160x125xi32, #tpu.memory_space<hbm>> -> memref<160x125xi32, #tpu.memory_space<hbm>>
      tpu.enqueue_dma source(%dma_start3A_17 : memref<160x125xi32, #tpu.memory_space<hbm>>) target(%arg6 : memref<160x125xi32, #tpu.memory_space<vmem>>) target_semaphore(%run_scoped3A : memref<!tpu.dma_semaphore, #tpu.memory_space<semaphore_mem>>)
      %dma_wait3A = arith.constant 0 : i32
      %dma_wait3A_18 = arith.constant 0 : i32
      %dma_wait3A_19 = tpu.memref_slice %arg2[%arg0, %arg1, %dma_wait3A, %dma_wait3A_18] : memref<2x16x160x125xi32, #tpu.memory_space<hbm>> -> memref<1x1x160x125xi32, #tpu.memory_space<hbm>>
      %dma_wait3A_20 = tpu.memref_squeeze %dma_wait3A_19 : memref<1x1x160x125xi32, #tpu.memory_space<hbm>> -> memref<160x125xi32, #tpu.memory_space<hbm>>
      %dma_wait3A_21 = arith.constant 0 : i32
      %dma_wait3A_22 = arith.constant 0 : i32
      %dma_wait3A_23 = tpu.memref_slice %arg2[%arg0, %arg1, %dma_wait3A_21, %dma_wait3A_22] : memref<2x16x160x125xi32, #tpu.memory_space<hbm>> -> memref<1x1x160x125xi32, #tpu.memory_space<hbm>>
      %dma_wait3A_24 = tpu.memref_squeeze %dma_wait3A_23 : memref<1x1x160x125xi32, #tpu.memory_space<hbm>> -> memref<160x125xi32, #tpu.memory_space<hbm>>
      tpu.wait_dma2 semaphore(%run_scoped3A : memref<!tpu.dma_semaphore, #tpu.memory_space<semaphore_mem>>) src(%dma_wait3A_24 : memref<160x125xi32, #tpu.memory_space<hbm>>) dst(%arg6 : memref<160x125xi32, #tpu.memory_space<vmem>>)
      tpu.yield
    }) : () -> ()
    "tpu.region"() ({
      %run_scoped3A = tpu.sem_alloc : memref<!tpu.dma_semaphore, #tpu.memory_space<semaphore_mem>>
      tpu.enqueue_dma source(%arg4 : memref<125x16xf32, #tpu.memory_space<hbm>>) target(%arg7 : memref<125x16xf32, #tpu.memory_space<vmem>>) target_semaphore(%run_scoped3A : memref<!tpu.dma_semaphore, #tpu.memory_space<semaphore_mem>>)
      tpu.wait_dma2 semaphore(%run_scoped3A : memref<!tpu.dma_semaphore, #tpu.memory_space<semaphore_mem>>) src(%arg4 : memref<125x16xf32, #tpu.memory_space<hbm>>) dst(%arg7 : memref<125x16xf32, #tpu.memory_space<vmem>>)
      tpu.yield
    }) : () -> ()
    %mul3A = arith.constant 625 : i32
    %mul3A_0 = arith.muli %arg1, %mul3A : i32
    "tpu.region"() ({
      %run_scoped3A = tpu.sem_alloc : memref<!tpu.dma_semaphore, #tpu.memory_space<semaphore_mem>>
      %dma_start3A = arith.constant 0 : i32
      %dma_start3A_11 = tpu.memref_slice %arg8[%mul3A_0, %dma_start3A] : memref<10000x16xf32, #tpu.memory_space<vmem_shared>> -> memref<625x16xf32, #tpu.memory_space<vmem_shared>>
      %dma_start3A_12 = arith.constant 0 : i32
      %dma_start3A_13 = arith.constant 0 : i32
      %dma_start3A_14 = tpu.memref_slice %arg3[%arg1, %dma_start3A_12, %dma_start3A_13] : memref<16x625x16xf32, #tpu.memory_space<hbm>> -> memref<1x625x16xf32, #tpu.memory_space<hbm>>
      %dma_start3A_15 = tpu.memref_squeeze %dma_start3A_14 : memref<1x625x16xf32, #tpu.memory_space<hbm>> -> memref<625x16xf32, #tpu.memory_space<hbm>>
      tpu.enqueue_dma source(%dma_start3A_15 : memref<625x16xf32, #tpu.memory_space<hbm>>) target(%dma_start3A_11 : memref<625x16xf32, #tpu.memory_space<vmem_shared>>) target_semaphore(%run_scoped3A : memref<!tpu.dma_semaphore, #tpu.memory_space<semaphore_mem>>)
      %dma_wait3A = arith.constant 0 : i32
      %dma_wait3A_16 = tpu.memref_slice %arg8[%mul3A_0, %dma_wait3A] : memref<10000x16xf32, #tpu.memory_space<vmem_shared>> -> memref<625x16xf32, #tpu.memory_space<vmem_shared>>
      %dma_wait3A_17 = arith.constant 0 : i32
      %dma_wait3A_18 = arith.constant 0 : i32
      %dma_wait3A_19 = tpu.memref_slice %arg3[%arg1, %dma_wait3A_17, %dma_wait3A_18] : memref<16x625x16xf32, #tpu.memory_space<hbm>> -> memref<1x625x16xf32, #tpu.memory_space<hbm>>
      %dma_wait3A_20 = tpu.memref_squeeze %dma_wait3A_19 : memref<1x625x16xf32, #tpu.memory_space<hbm>> -> memref<625x16xf32, #tpu.memory_space<hbm>>
      tpu.wait_dma2 semaphore(%run_scoped3A : memref<!tpu.dma_semaphore, #tpu.memory_space<semaphore_mem>>) src(%dma_wait3A_20 : memref<625x16xf32, #tpu.memory_space<hbm>>) dst(%dma_wait3A_16 : memref<625x16xf32, #tpu.memory_space<vmem_shared>>)
      tpu.yield
    }) : () -> ()
    %barrier3A = arith.constant 0 : index
    tpu.barrier barrier_id(%barrier3A)
    %scan3A = arith.constant 0 : i32
    %scan3A_1 = arith.constant 0 : i32
    %scan3A_2 = arith.constant 32 : i32
    %scan3A_3 = arith.addi %scan3A_1, %scan3A_2 : i32
    %scan3A_4 = arith.constant 1 : i32
    scf.for %scan3A_11 = %scan3A_1 to %scan3A_3 step %scan3A_4  : i32 {
      %mul3A_12 = arith.constant 5 : i32
      %mul3A_13 = arith.muli %scan3A_11, %mul3A_12 : i32
      %add3A = arith.constant 0 : i32
      %add3A_14 = arith.addi %mul3A_13, %add3A : i32
      %dma_start3A = arith.constant 0 : i32
      %dma_start3A_15 = tpu.memref_slice %arg6[%add3A_14, %dma_start3A] : memref<160x125xi32, #tpu.memory_space<vmem>> -> memref<1x125xi32, #tpu.memory_space<vmem>>
      %dma_start3A_16 = tpu.memref_squeeze %dma_start3A_15 : memref<1x125xi32, #tpu.memory_space<vmem>> -> memref<125xi32, #tpu.memory_space<vmem>>
      %dma_start3A_17 = arith.constant 0 : i32
      %dma_start3A_18 = arith.constant 0 : i32
      %dma_start3A_19 = tpu.memref_slice %arg8[%dma_start3A_17, %dma_start3A_18] : memref<10000x16xf32, #tpu.memory_space<vmem_shared>> -> memref<10000x16xf32, #tpu.memory_space<vmem_shared>>
      tpu.enqueue_indirect_dma source(%arg7 : memref<125x16xf32, #tpu.memory_space<vmem>>) target(%dma_start3A_19 : memref<10000x16xf32, #tpu.memory_space<vmem_shared>>) offsets(%dma_start3A_16 : memref<125xi32, #tpu.memory_space<vmem>>) semaphore(%arg9 : memref<!tpu.dma_semaphore, #tpu.memory_space<semaphore_mem>>) {add = true}
      %mul3A_20 = arith.constant 5 : i32
      %mul3A_21 = arith.muli %scan3A_11, %mul3A_20 : i32
      %add3A_22 = arith.constant 1 : i32
      %add3A_23 = arith.addi %mul3A_21, %add3A_22 : i32
      %dma_start3A_24 = arith.constant 0 : i32
      %dma_start3A_25 = tpu.memref_slice %arg6[%add3A_23, %dma_start3A_24] : memref<160x125xi32, #tpu.memory_space<vmem>> -> memref<1x125xi32, #tpu.memory_space<vmem>>
      %dma_start3A_26 = tpu.memref_squeeze %dma_start3A_25 : memref<1x125xi32, #tpu.memory_space<vmem>> -> memref<125xi32, #tpu.memory_space<vmem>>
      %dma_start3A_27 = arith.constant 0 : i32
      %dma_start3A_28 = arith.constant 0 : i32
      %dma_start3A_29 = tpu.memref_slice %arg8[%dma_start3A_27, %dma_start3A_28] : memref<10000x16xf32, #tpu.memory_space<vmem_shared>> -> memref<10000x16xf32, #tpu.memory_space<vmem_shared>>
      tpu.enqueue_indirect_dma source(%arg7 : memref<125x16xf32, #tpu.memory_space<vmem>>) target(%dma_start3A_29 : memref<10000x16xf32, #tpu.memory_space<vmem_shared>>) offsets(%dma_start3A_26 : memref<125xi32, #tpu.memory_space<vmem>>) semaphore(%arg10 : memref<!tpu.dma_semaphore, #tpu.memory_space<semaphore_mem>>) {add = true}
      %mul3A_30 = arith.constant 5 : i32
      %mul3A_31 = arith.muli %scan3A_11, %mul3A_30 : i32
      %add3A_32 = arith.constant 2 : i32
      %add3A_33 = arith.addi %mul3A_31, %add3A_32 : i32
      %dma_start3A_34 = arith.constant 0 : i32
      %dma_start3A_35 = tpu.memref_slice %arg6[%add3A_33, %dma_start3A_34] : memref<160x125xi32, #tpu.memory_space<vmem>> -> memref<1x125xi32, #tpu.memory_space<vmem>>
      %dma_start3A_36 = tpu.memref_squeeze %dma_start3A_35 : memref<1x125xi32, #tpu.memory_space<vmem>> -> memref<125xi32, #tpu.memory_space<vmem>>
      %dma_start3A_37 = arith.constant 0 : i32
      %dma_start3A_38 = arith.constant 0 : i32
      %dma_start3A_39 = tpu.memref_slice %arg8[%dma_start3A_37, %dma_start3A_38] : memref<10000x16xf32, #tpu.memory_space<vmem_shared>> -> memref<10000x16xf32, #tpu.memory_space<vmem_shared>>
      tpu.enqueue_indirect_dma source(%arg7 : memref<125x16xf32, #tpu.memory_space<vmem>>) target(%dma_start3A_39 : memref<10000x16xf32, #tpu.memory_space<vmem_shared>>) offsets(%dma_start3A_36 : memref<125xi32, #tpu.memory_space<vmem>>) semaphore(%arg11 : memref<!tpu.dma_semaphore, #tpu.memory_space<semaphore_mem>>) {add = true}
      %mul3A_40 = arith.constant 5 : i32
      %mul3A_41 = arith.muli %scan3A_11, %mul3A_40 : i32
      %add3A_42 = arith.constant 3 : i32
      %add3A_43 = arith.addi %mul3A_41, %add3A_42 : i32
      %dma_start3A_44 = arith.constant 0 : i32
      %dma_start3A_45 = tpu.memref_slice %arg6[%add3A_43, %dma_start3A_44] : memref<160x125xi32, #tpu.memory_space<vmem>> -> memref<1x125xi32, #tpu.memory_space<vmem>>
      %dma_start3A_46 = tpu.memref_squeeze %dma_start3A_45 : memref<1x125xi32, #tpu.memory_space<vmem>> -> memref<125xi32, #tpu.memory_space<vmem>>
      %dma_start3A_47 = arith.constant 0 : i32
      %dma_start3A_48 = arith.constant 0 : i32
      %dma_start3A_49 = tpu.memref_slice %arg8[%dma_start3A_47, %dma_start3A_48] : memref<10000x16xf32, #tpu.memory_space<vmem_shared>> -> memref<10000x16xf32, #tpu.memory_space<vmem_shared>>
      tpu.enqueue_indirect_dma source(%arg7 : memref<125x16xf32, #tpu.memory_space<vmem>>) target(%dma_start3A_49 : memref<10000x16xf32, #tpu.memory_space<vmem_shared>>) offsets(%dma_start3A_46 : memref<125xi32, #tpu.memory_space<vmem>>) semaphore(%arg12 : memref<!tpu.dma_semaphore, #tpu.memory_space<semaphore_mem>>) {add = true}
      %mul3A_50 = arith.constant 5 : i32
      %mul3A_51 = arith.muli %scan3A_11, %mul3A_50 : i32
      %add3A_52 = arith.constant 4 : i32
      %add3A_53 = arith.addi %mul3A_51, %add3A_52 : i32
      %dma_start3A_54 = arith.constant 0 : i32
      %dma_start3A_55 = tpu.memref_slice %arg6[%add3A_53, %dma_start3A_54] : memref<160x125xi32, #tpu.memory_space<vmem>> -> memref<1x125xi32, #tpu.memory_space<vmem>>
      %dma_start3A_56 = tpu.memref_squeeze %dma_start3A_55 : memref<1x125xi32, #tpu.memory_space<vmem>> -> memref<125xi32, #tpu.memory_space<vmem>>
      %dma_start3A_57 = arith.constant 0 : i32
      %dma_start3A_58 = arith.constant 0 : i32
      %dma_start3A_59 = tpu.memref_slice %arg8[%dma_start3A_57, %dma_start3A_58] : memref<10000x16xf32, #tpu.memory_space<vmem_shared>> -> memref<10000x16xf32, #tpu.memory_space<vmem_shared>>
      tpu.enqueue_indirect_dma source(%arg7 : memref<125x16xf32, #tpu.memory_space<vmem>>) target(%dma_start3A_59 : memref<10000x16xf32, #tpu.memory_space<vmem_shared>>) offsets(%dma_start3A_56 : memref<125xi32, #tpu.memory_space<vmem>>) semaphore(%arg13 : memref<!tpu.dma_semaphore, #tpu.memory_space<semaphore_mem>>) {add = true}
      %dma_wait3A = arith.constant 0 : i32
      %dma_wait3A_60 = tpu.memref_slice %arg6[%add3A_14, %dma_wait3A] : memref<160x125xi32, #tpu.memory_space<vmem>> -> memref<1x125xi32, #tpu.memory_space<vmem>>
      %dma_wait3A_61 = tpu.memref_squeeze %dma_wait3A_60 : memref<1x125xi32, #tpu.memory_space<vmem>> -> memref<125xi32, #tpu.memory_space<vmem>>
      %dma_wait3A_62 = arith.constant 0 : i32
      %dma_wait3A_63 = arith.constant 0 : i32
      %dma_wait3A_64 = tpu.memref_slice %arg8[%dma_wait3A_62, %dma_wait3A_63] : memref<10000x16xf32, #tpu.memory_space<vmem_shared>> -> memref<10000x16xf32, #tpu.memory_space<vmem_shared>>
      tpu.wait_indirect_dma semaphore(%arg9 : memref<!tpu.dma_semaphore, #tpu.memory_space<semaphore_mem>>) src(%arg7 : memref<125x16xf32, #tpu.memory_space<vmem>>) dst(%dma_wait3A_64 : memref<10000x16xf32, #tpu.memory_space<vmem_shared>>)
      %dma_wait3A_65 = arith.constant 0 : i32
      %dma_wait3A_66 = tpu.memref_slice %arg6[%add3A_23, %dma_wait3A_65] : memref<160x125xi32, #tpu.memory_space<vmem>> -> memref<1x125xi32, #tpu.memory_space<vmem>>
      %dma_wait3A_67 = tpu.memref_squeeze %dma_wait3A_66 : memref<1x125xi32, #tpu.memory_space<vmem>> -> memref<125xi32, #tpu.memory_space<vmem>>
      %dma_wait3A_68 = arith.constant 0 : i32
      %dma_wait3A_69 = arith.constant 0 : i32
      %dma_wait3A_70 = tpu.memref_slice %arg8[%dma_wait3A_68, %dma_wait3A_69] : memref<10000x16xf32, #tpu.memory_space<vmem_shared>> -> memref<10000x16xf32, #tpu.memory_space<vmem_shared>>
      tpu.wait_indirect_dma semaphore(%arg10 : memref<!tpu.dma_semaphore, #tpu.memory_space<semaphore_mem>>) src(%arg7 : memref<125x16xf32, #tpu.memory_space<vmem>>) dst(%dma_wait3A_70 : memref<10000x16xf32, #tpu.memory_space<vmem_shared>>)
      %dma_wait3A_71 = arith.constant 0 : i32
      %dma_wait3A_72 = tpu.memref_slice %arg6[%add3A_33, %dma_wait3A_71] : memref<160x125xi32, #tpu.memory_space<vmem>> -> memref<1x125xi32, #tpu.memory_space<vmem>>
      %dma_wait3A_73 = tpu.memref_squeeze %dma_wait3A_72 : memref<1x125xi32, #tpu.memory_space<vmem>> -> memref<125xi32, #tpu.memory_space<vmem>>
      %dma_wait3A_74 = arith.constant 0 : i32
      %dma_wait3A_75 = arith.constant 0 : i32
      %dma_wait3A_76 = tpu.memref_slice %arg8[%dma_wait3A_74, %dma_wait3A_75] : memref<10000x16xf32, #tpu.memory_space<vmem_shared>> -> memref<10000x16xf32, #tpu.memory_space<vmem_shared>>
      tpu.wait_indirect_dma semaphore(%arg11 : memref<!tpu.dma_semaphore, #tpu.memory_space<semaphore_mem>>) src(%arg7 : memref<125x16xf32, #tpu.memory_space<vmem>>) dst(%dma_wait3A_76 : memref<10000x16xf32, #tpu.memory_space<vmem_shared>>)
      %dma_wait3A_77 = arith.constant 0 : i32
      %dma_wait3A_78 = tpu.memref_slice %arg6[%add3A_43, %dma_wait3A_77] : memref<160x125xi32, #tpu.memory_space<vmem>> -> memref<1x125xi32, #tpu.memory_space<vmem>>
      %dma_wait3A_79 = tpu.memref_squeeze %dma_wait3A_78 : memref<1x125xi32, #tpu.memory_space<vmem>> -> memref<125xi32, #tpu.memory_space<vmem>>
      %dma_wait3A_80 = arith.constant 0 : i32
      %dma_wait3A_81 = arith.constant 0 : i32
      %dma_wait3A_82 = tpu.memref_slice %arg8[%dma_wait3A_80, %dma_wait3A_81] : memref<10000x16xf32, #tpu.memory_space<vmem_shared>> -> memref<10000x16xf32, #tpu.memory_space<vmem_shared>>
      tpu.wait_indirect_dma semaphore(%arg12 : memref<!tpu.dma_semaphore, #tpu.memory_space<semaphore_mem>>) src(%arg7 : memref<125x16xf32, #tpu.memory_space<vmem>>) dst(%dma_wait3A_82 : memref<10000x16xf32, #tpu.memory_space<vmem_shared>>)
      %dma_wait3A_83 = arith.constant 0 : i32
      %dma_wait3A_84 = tpu.memref_slice %arg6[%add3A_53, %dma_wait3A_83] : memref<160x125xi32, #tpu.memory_space<vmem>> -> memref<1x125xi32, #tpu.memory_space<vmem>>
      %dma_wait3A_85 = tpu.memref_squeeze %dma_wait3A_84 : memref<1x125xi32, #tpu.memory_space<vmem>> -> memref<125xi32, #tpu.memory_space<vmem>>
      %dma_wait3A_86 = arith.constant 0 : i32
      %dma_wait3A_87 = arith.constant 0 : i32
      %dma_wait3A_88 = tpu.memref_slice %arg8[%dma_wait3A_86, %dma_wait3A_87] : memref<10000x16xf32, #tpu.memory_space<vmem_shared>> -> memref<10000x16xf32, #tpu.memory_space<vmem_shared>>
      tpu.wait_indirect_dma semaphore(%arg13 : memref<!tpu.dma_semaphore, #tpu.memory_space<semaphore_mem>>) src(%arg7 : memref<125x16xf32, #tpu.memory_space<vmem>>) dst(%dma_wait3A_88 : memref<10000x16xf32, #tpu.memory_space<vmem_shared>>)
    }
    %scan3A_5 = arith.constant 32 : i32
    %barrier3A_6 = arith.constant 0 : index
    tpu.barrier barrier_id(%barrier3A_6)
    %mul3A_7 = arith.constant 625 : i32
    %mul3A_8 = arith.muli %arg1, %mul3A_7 : i32
    %mul3A_9 = arith.constant 625 : i32
    %mul3A_10 = arith.muli %arg1, %mul3A_9 : i32
    "tpu.region"() ({
      %run_scoped3A = tpu.sem_alloc : memref<!tpu.dma_semaphore, #tpu.memory_space<semaphore_mem>>
      %dma_start3A = arith.constant 0 : i32
      %dma_start3A_11 = tpu.memref_slice %arg5[%arg0, %mul3A_10, %dma_start3A] : memref<2x10000x16xf32, #tpu.memory_space<hbm>> -> memref<1x625x16xf32, #tpu.memory_space<hbm>>
      %dma_start3A_12 = tpu.memref_squeeze %dma_start3A_11 : memref<1x625x16xf32, #tpu.memory_space<hbm>> -> memref<625x16xf32, #tpu.memory_space<hbm>>
      %dma_start3A_13 = arith.constant 0 : i32
      %dma_start3A_14 = tpu.memref_slice %arg8[%mul3A_8, %dma_start3A_13] : memref<10000x16xf32, #tpu.memory_space<vmem_shared>> -> memref<625x16xf32, #tpu.memory_space<vmem_shared>>
      tpu.enqueue_dma source(%dma_start3A_14 : memref<625x16xf32, #tpu.memory_space<vmem_shared>>) target(%dma_start3A_12 : memref<625x16xf32, #tpu.memory_space<hbm>>) target_semaphore(%run_scoped3A : memref<!tpu.dma_semaphore, #tpu.memory_space<semaphore_mem>>)
      %dma_wait3A = arith.constant 0 : i32
      %dma_wait3A_15 = tpu.memref_slice %arg5[%arg0, %mul3A_10, %dma_wait3A] : memref<2x10000x16xf32, #tpu.memory_space<hbm>> -> memref<1x625x16xf32, #tpu.memory_space<hbm>>
      %dma_wait3A_16 = tpu.memref_squeeze %dma_wait3A_15 : memref<1x625x16xf32, #tpu.memory_space<hbm>> -> memref<625x16xf32, #tpu.memory_space<hbm>>
      %dma_wait3A_17 = arith.constant 0 : i32
      %dma_wait3A_18 = tpu.memref_slice %arg8[%mul3A_8, %dma_wait3A_17] : memref<10000x16xf32, #tpu.memory_space<vmem_shared>> -> memref<625x16xf32, #tpu.memory_space<vmem_shared>>
      tpu.wait_dma2 semaphore(%run_scoped3A : memref<!tpu.dma_semaphore, #tpu.memory_space<semaphore_mem>>) src(%dma_wait3A_18 : memref<625x16xf32, #tpu.memory_space<vmem_shared>>) dst(%dma_wait3A_16 : memref<625x16xf32, #tpu.memory_space<hbm>>)
      tpu.yield
    }) : () -> ()
    return
  }
}

#map = affine_map<(d0, d1) -> (0, 0)>
#map1 = affine_map<(d0, d1) -> (0, 0, 0, 0)>
#map2 = affine_map<(d0, d1) -> (0, 0, 0)>
module attributes {stable_mosaic.version = 14 : i64} {
  func.func @agg_k(%arg0: i32, %arg1: i32, %arg2: memref<20000x64xf32, #tpu.memory_space<hbm>>, %arg3: memref<2x16x160x125xi32, #tpu.memory_space<hbm>>, %arg4: memref<2x16x160x125xi32, #tpu.memory_space<hbm>>, %arg5: memref<2x16x5x125xi32, #tpu.memory_space<hbm>>, %arg6: memref<16x625x64xf32, #tpu.memory_space<hbm>>, %arg7: memref<20000x64xf32, #tpu.memory_space<hbm>>, %arg8: memref<160x125xi32, #tpu.memory_space<vmem>>, %arg9: memref<160x125xi32, #tpu.memory_space<vmem>>, %arg10: memref<5x125x64xf32, #tpu.memory_space<vmem>>, %arg11: memref<5x125xi32, #tpu.memory_space<vmem>>, %arg12: memref<10000x64xf32, #tpu.memory_space<vmem_shared>>, %arg13: memref<!tpu.dma_semaphore, #tpu.memory_space<semaphore_mem>>, %arg14: memref<!tpu.dma_semaphore, #tpu.memory_space<semaphore_mem>>, %arg15: memref<!tpu.dma_semaphore, #tpu.memory_space<semaphore_mem>>, %arg16: memref<!tpu.dma_semaphore, #tpu.memory_space<semaphore_mem>>, %arg17: memref<!tpu.dma_semaphore, #tpu.memory_space<semaphore_mem>>, %arg18: memref<!tpu.dma_semaphore, #tpu.memory_space<semaphore_mem>>, %arg19: memref<!tpu.dma_semaphore, #tpu.memory_space<semaphore_mem>>, %arg20: memref<!tpu.dma_semaphore, #tpu.memory_space<semaphore_mem>>, %arg21: memref<!tpu.dma_semaphore, #tpu.memory_space<semaphore_mem>>, %arg22: memref<!tpu.dma_semaphore, #tpu.memory_space<semaphore_mem>>) attributes {dimension_semantics = [#tpu.dimension_semantics<core_parallel>, #tpu.dimension_semantics<subcore_parallel>], iteration_bounds = array<i64: 2, 16>, scalar_prefetch = 0 : i64, scratch_operands = 15 : i64, tpu.core_type = #tpu.core_type<sc_vector_subcore>, window_params = [{transform_indices = #map}, {transform_indices = #map1}, {transform_indices = #map1}, {transform_indices = #map1}, {transform_indices = #map2}, {transform_indices = #map}]} {
    %dma_start3A = arith.constant 0 : i32
    %dma_start3A_0 = arith.constant 0 : i32
    %dma_start3A_1 = tpu.memref_slice %arg3[%arg0, %arg1, %dma_start3A, %dma_start3A_0] : memref<2x16x160x125xi32, #tpu.memory_space<hbm>> -> memref<1x1x160x125xi32, #tpu.memory_space<hbm>>
    %dma_start3A_2 = tpu.memref_squeeze %dma_start3A_1 : memref<1x1x160x125xi32, #tpu.memory_space<hbm>> -> memref<160x125xi32, #tpu.memory_space<hbm>>
    %dma_start3A_3 = arith.constant 0 : i32
    %dma_start3A_4 = arith.constant 0 : i32
    %dma_start3A_5 = tpu.memref_slice %arg3[%arg0, %arg1, %dma_start3A_3, %dma_start3A_4] : memref<2x16x160x125xi32, #tpu.memory_space<hbm>> -> memref<1x1x160x125xi32, #tpu.memory_space<hbm>>
    %dma_start3A_6 = tpu.memref_squeeze %dma_start3A_5 : memref<1x1x160x125xi32, #tpu.memory_space<hbm>> -> memref<160x125xi32, #tpu.memory_space<hbm>>
    tpu.enqueue_dma source(%dma_start3A_6 : memref<160x125xi32, #tpu.memory_space<hbm>>) target(%arg8 : memref<160x125xi32, #tpu.memory_space<vmem>>) target_semaphore(%arg13 : memref<!tpu.dma_semaphore, #tpu.memory_space<semaphore_mem>>)
    %dma_start3A_7 = arith.constant 1 : i32
    %dma_start3A_8 = arith.constant 0 : i32
    %dma_start3A_9 = arith.constant 0 : i32
    %dma_start3A_10 = tpu.memref_slice %arg4[%dma_start3A_7, %arg1, %dma_start3A_8, %dma_start3A_9] : memref<2x16x160x125xi32, #tpu.memory_space<hbm>> -> memref<1x1x160x125xi32, #tpu.memory_space<hbm>>
    %dma_start3A_11 = tpu.memref_squeeze %dma_start3A_10 : memref<1x1x160x125xi32, #tpu.memory_space<hbm>> -> memref<160x125xi32, #tpu.memory_space<hbm>>
    %dma_start3A_12 = arith.constant 0 : i32
    %dma_start3A_13 = arith.constant 0 : i32
    %dma_start3A_14 = tpu.memref_slice %arg4[%dma_start3A_7, %arg1, %dma_start3A_12, %dma_start3A_13] : memref<2x16x160x125xi32, #tpu.memory_space<hbm>> -> memref<1x1x160x125xi32, #tpu.memory_space<hbm>>
    %dma_start3A_15 = tpu.memref_squeeze %dma_start3A_14 : memref<1x1x160x125xi32, #tpu.memory_space<hbm>> -> memref<160x125xi32, #tpu.memory_space<hbm>>
    tpu.enqueue_dma source(%dma_start3A_15 : memref<160x125xi32, #tpu.memory_space<hbm>>) target(%arg9 : memref<160x125xi32, #tpu.memory_space<vmem>>) target_semaphore(%arg14 : memref<!tpu.dma_semaphore, #tpu.memory_space<semaphore_mem>>)
    %dma_start3A_16 = arith.constant 0 : i32
    %dma_start3A_17 = arith.constant 0 : i32
    %dma_start3A_18 = tpu.memref_slice %arg5[%arg0, %arg1, %dma_start3A_16, %dma_start3A_17] : memref<2x16x5x125xi32, #tpu.memory_space<hbm>> -> memref<1x1x5x125xi32, #tpu.memory_space<hbm>>
    %dma_start3A_19 = tpu.memref_squeeze %dma_start3A_18 : memref<1x1x5x125xi32, #tpu.memory_space<hbm>> -> memref<5x125xi32, #tpu.memory_space<hbm>>
    %dma_start3A_20 = arith.constant 0 : i32
    %dma_start3A_21 = arith.constant 0 : i32
    %dma_start3A_22 = tpu.memref_slice %arg5[%arg0, %arg1, %dma_start3A_20, %dma_start3A_21] : memref<2x16x5x125xi32, #tpu.memory_space<hbm>> -> memref<1x1x5x125xi32, #tpu.memory_space<hbm>>
    %dma_start3A_23 = tpu.memref_squeeze %dma_start3A_22 : memref<1x1x5x125xi32, #tpu.memory_space<hbm>> -> memref<5x125xi32, #tpu.memory_space<hbm>>
    tpu.enqueue_dma source(%dma_start3A_23 : memref<5x125xi32, #tpu.memory_space<hbm>>) target(%arg11 : memref<5x125xi32, #tpu.memory_space<vmem>>) target_semaphore(%arg15 : memref<!tpu.dma_semaphore, #tpu.memory_space<semaphore_mem>>)
    %mul3A = arith.constant 625 : i32
    %mul3A_24 = arith.muli %arg1, %mul3A : i32
    %dma_start3A_25 = arith.constant 0 : i32
    %dma_start3A_26 = tpu.memref_slice %arg12[%mul3A_24, %dma_start3A_25] : memref<10000x64xf32, #tpu.memory_space<vmem_shared>> -> memref<625x64xf32, #tpu.memory_space<vmem_shared>>
    %dma_start3A_27 = arith.constant 0 : i32
    %dma_start3A_28 = arith.constant 0 : i32
    %dma_start3A_29 = tpu.memref_slice %arg6[%arg1, %dma_start3A_27, %dma_start3A_28] : memref<16x625x64xf32, #tpu.memory_space<hbm>> -> memref<1x625x64xf32, #tpu.memory_space<hbm>>
    %dma_start3A_30 = tpu.memref_squeeze %dma_start3A_29 : memref<1x625x64xf32, #tpu.memory_space<hbm>> -> memref<625x64xf32, #tpu.memory_space<hbm>>
    tpu.enqueue_dma source(%dma_start3A_30 : memref<625x64xf32, #tpu.memory_space<hbm>>) target(%dma_start3A_26 : memref<625x64xf32, #tpu.memory_space<vmem_shared>>) target_semaphore(%arg16 : memref<!tpu.dma_semaphore, #tpu.memory_space<semaphore_mem>>)
    %dma_wait3A = arith.constant 0 : i32
    %dma_wait3A_31 = arith.constant 0 : i32
    %dma_wait3A_32 = tpu.memref_slice %arg3[%arg0, %arg1, %dma_wait3A, %dma_wait3A_31] : memref<2x16x160x125xi32, #tpu.memory_space<hbm>> -> memref<1x1x160x125xi32, #tpu.memory_space<hbm>>
    %dma_wait3A_33 = tpu.memref_squeeze %dma_wait3A_32 : memref<1x1x160x125xi32, #tpu.memory_space<hbm>> -> memref<160x125xi32, #tpu.memory_space<hbm>>
    %dma_wait3A_34 = arith.constant 0 : i32
    %dma_wait3A_35 = arith.constant 0 : i32
    %dma_wait3A_36 = tpu.memref_slice %arg3[%arg0, %arg1, %dma_wait3A_34, %dma_wait3A_35] : memref<2x16x160x125xi32, #tpu.memory_space<hbm>> -> memref<1x1x160x125xi32, #tpu.memory_space<hbm>>
    %dma_wait3A_37 = tpu.memref_squeeze %dma_wait3A_36 : memref<1x1x160x125xi32, #tpu.memory_space<hbm>> -> memref<160x125xi32, #tpu.memory_space<hbm>>
    tpu.wait_dma2 semaphore(%arg13 : memref<!tpu.dma_semaphore, #tpu.memory_space<semaphore_mem>>) src(%dma_wait3A_37 : memref<160x125xi32, #tpu.memory_space<hbm>>) dst(%arg8 : memref<160x125xi32, #tpu.memory_space<vmem>>)
    %dma_wait3A_38 = arith.constant 1 : i32
    %dma_wait3A_39 = arith.constant 0 : i32
    %dma_wait3A_40 = arith.constant 0 : i32
    %dma_wait3A_41 = tpu.memref_slice %arg4[%dma_wait3A_38, %arg1, %dma_wait3A_39, %dma_wait3A_40] : memref<2x16x160x125xi32, #tpu.memory_space<hbm>> -> memref<1x1x160x125xi32, #tpu.memory_space<hbm>>
    %dma_wait3A_42 = tpu.memref_squeeze %dma_wait3A_41 : memref<1x1x160x125xi32, #tpu.memory_space<hbm>> -> memref<160x125xi32, #tpu.memory_space<hbm>>
    %dma_wait3A_43 = arith.constant 0 : i32
    %dma_wait3A_44 = arith.constant 0 : i32
    %dma_wait3A_45 = tpu.memref_slice %arg4[%dma_wait3A_38, %arg1, %dma_wait3A_43, %dma_wait3A_44] : memref<2x16x160x125xi32, #tpu.memory_space<hbm>> -> memref<1x1x160x125xi32, #tpu.memory_space<hbm>>
    %dma_wait3A_46 = tpu.memref_squeeze %dma_wait3A_45 : memref<1x1x160x125xi32, #tpu.memory_space<hbm>> -> memref<160x125xi32, #tpu.memory_space<hbm>>
    tpu.wait_dma2 semaphore(%arg14 : memref<!tpu.dma_semaphore, #tpu.memory_space<semaphore_mem>>) src(%dma_wait3A_46 : memref<160x125xi32, #tpu.memory_space<hbm>>) dst(%arg9 : memref<160x125xi32, #tpu.memory_space<vmem>>)
    %dma_wait3A_47 = arith.constant 0 : i32
    %dma_wait3A_48 = arith.constant 0 : i32
    %dma_wait3A_49 = tpu.memref_slice %arg5[%arg0, %arg1, %dma_wait3A_47, %dma_wait3A_48] : memref<2x16x5x125xi32, #tpu.memory_space<hbm>> -> memref<1x1x5x125xi32, #tpu.memory_space<hbm>>
    %dma_wait3A_50 = tpu.memref_squeeze %dma_wait3A_49 : memref<1x1x5x125xi32, #tpu.memory_space<hbm>> -> memref<5x125xi32, #tpu.memory_space<hbm>>
    %dma_wait3A_51 = arith.constant 0 : i32
    %dma_wait3A_52 = arith.constant 0 : i32
    %dma_wait3A_53 = tpu.memref_slice %arg5[%arg0, %arg1, %dma_wait3A_51, %dma_wait3A_52] : memref<2x16x5x125xi32, #tpu.memory_space<hbm>> -> memref<1x1x5x125xi32, #tpu.memory_space<hbm>>
    %dma_wait3A_54 = tpu.memref_squeeze %dma_wait3A_53 : memref<1x1x5x125xi32, #tpu.memory_space<hbm>> -> memref<5x125xi32, #tpu.memory_space<hbm>>
    tpu.wait_dma2 semaphore(%arg15 : memref<!tpu.dma_semaphore, #tpu.memory_space<semaphore_mem>>) src(%dma_wait3A_54 : memref<5x125xi32, #tpu.memory_space<hbm>>) dst(%arg11 : memref<5x125xi32, #tpu.memory_space<vmem>>)
    %dma_wait3A_55 = arith.constant 0 : i32
    %dma_wait3A_56 = tpu.memref_slice %arg12[%mul3A_24, %dma_wait3A_55] : memref<10000x64xf32, #tpu.memory_space<vmem_shared>> -> memref<625x64xf32, #tpu.memory_space<vmem_shared>>
    %dma_wait3A_57 = arith.constant 0 : i32
    %dma_wait3A_58 = arith.constant 0 : i32
    %dma_wait3A_59 = tpu.memref_slice %arg6[%arg1, %dma_wait3A_57, %dma_wait3A_58] : memref<16x625x64xf32, #tpu.memory_space<hbm>> -> memref<1x625x64xf32, #tpu.memory_space<hbm>>
    %dma_wait3A_60 = tpu.memref_squeeze %dma_wait3A_59 : memref<1x625x64xf32, #tpu.memory_space<hbm>> -> memref<625x64xf32, #tpu.memory_space<hbm>>
    tpu.wait_dma2 semaphore(%arg16 : memref<!tpu.dma_semaphore, #tpu.memory_space<semaphore_mem>>) src(%dma_wait3A_60 : memref<625x64xf32, #tpu.memory_space<hbm>>) dst(%dma_wait3A_56 : memref<625x64xf32, #tpu.memory_space<vmem_shared>>)
    %barrier3A = arith.constant 0 : index
    tpu.barrier barrier_id(%barrier3A)
    %dma_start3A_61 = arith.constant 0 : i32
    %dma_start3A_62 = arith.constant 0 : i32
    %dma_start3A_63 = arith.constant 0 : i32
    %dma_start3A_64 = arith.constant 0 : i32
    %dma_start3A_65 = tpu.memref_slice %arg10[%dma_start3A_62, %dma_start3A_63, %dma_start3A_64] : memref<5x125x64xf32, #tpu.memory_space<vmem>> -> memref<1x125x64xf32, #tpu.memory_space<vmem>>
    %dma_start3A_66 = tpu.memref_squeeze %dma_start3A_65 : memref<1x125x64xf32, #tpu.memory_space<vmem>> -> memref<125x64xf32, #tpu.memory_space<vmem>>
    %dma_start3A_67 = arith.constant 0 : i32
    %dma_start3A_68 = tpu.memref_slice %arg8[%dma_start3A_61, %dma_start3A_67] : memref<160x125xi32, #tpu.memory_space<vmem>> -> memref<1x125xi32, #tpu.memory_space<vmem>>
    %dma_start3A_69 = tpu.memref_squeeze %dma_start3A_68 : memref<1x125xi32, #tpu.memory_space<vmem>> -> memref<125xi32, #tpu.memory_space<vmem>>
    %dma_start3A_70 = arith.constant 0 : i32
    %dma_start3A_71 = arith.constant 0 : i32
    %dma_start3A_72 = tpu.memref_slice %arg2[%dma_start3A_70, %dma_start3A_71] : memref<20000x64xf32, #tpu.memory_space<hbm>> -> memref<20000x64xf32, #tpu.memory_space<hbm>>
    tpu.enqueue_indirect_dma source(%dma_start3A_72 : memref<20000x64xf32, #tpu.memory_space<hbm>>) target(%dma_start3A_66 : memref<125x64xf32, #tpu.memory_space<vmem>>) offsets(%dma_start3A_69 : memref<125xi32, #tpu.memory_space<vmem>>) semaphore(%arg13 : memref<!tpu.dma_semaphore, #tpu.memory_space<semaphore_mem>>)
    %dma_start3A_73 = arith.constant 1 : i32
    %dma_start3A_74 = arith.constant 1 : i32
    %dma_start3A_75 = arith.constant 0 : i32
    %dma_start3A_76 = arith.constant 0 : i32
    %dma_start3A_77 = tpu.memref_slice %arg10[%dma_start3A_74, %dma_start3A_75, %dma_start3A_76] : memref<5x125x64xf32, #tpu.memory_space<vmem>> -> memref<1x125x64xf32, #tpu.memory_space<vmem>>
    %dma_start3A_78 = tpu.memref_squeeze %dma_start3A_77 : memref<1x125x64xf32, #tpu.memory_space<vmem>> -> memref<125x64xf32, #tpu.memory_space<vmem>>
    %dma_start3A_79 = arith.constant 0 : i32
    %dma_start3A_80 = tpu.memref_slice %arg8[%dma_start3A_73, %dma_start3A_79] : memref<160x125xi32, #tpu.memory_space<vmem>> -> memref<1x125xi32, #tpu.memory_space<vmem>>
    %dma_start3A_81 = tpu.memref_squeeze %dma_start3A_80 : memref<1x125xi32, #tpu.memory_space<vmem>> -> memref<125xi32, #tpu.memory_space<vmem>>
    %dma_start3A_82 = arith.constant 0 : i32
    %dma_start3A_83 = arith.constant 0 : i32
    %dma_start3A_84 = tpu.memref_slice %arg2[%dma_start3A_82, %dma_start3A_83] : memref<20000x64xf32, #tpu.memory_space<hbm>> -> memref<20000x64xf32, #tpu.memory_space<hbm>>
    tpu.enqueue_indirect_dma source(%dma_start3A_84 : memref<20000x64xf32, #tpu.memory_space<hbm>>) target(%dma_start3A_78 : memref<125x64xf32, #tpu.memory_space<vmem>>) offsets(%dma_start3A_81 : memref<125xi32, #tpu.memory_space<vmem>>) semaphore(%arg14 : memref<!tpu.dma_semaphore, #tpu.memory_space<semaphore_mem>>)
    %dma_start3A_85 = arith.constant 2 : i32
    %dma_start3A_86 = arith.constant 2 : i32
    %dma_start3A_87 = arith.constant 0 : i32
    %dma_start3A_88 = arith.constant 0 : i32
    %dma_start3A_89 = tpu.memref_slice %arg10[%dma_start3A_86, %dma_start3A_87, %dma_start3A_88] : memref<5x125x64xf32, #tpu.memory_space<vmem>> -> memref<1x125x64xf32, #tpu.memory_space<vmem>>
    %dma_start3A_90 = tpu.memref_squeeze %dma_start3A_89 : memref<1x125x64xf32, #tpu.memory_space<vmem>> -> memref<125x64xf32, #tpu.memory_space<vmem>>
    %dma_start3A_91 = arith.constant 0 : i32
    %dma_start3A_92 = tpu.memref_slice %arg8[%dma_start3A_85, %dma_start3A_91] : memref<160x125xi32, #tpu.memory_space<vmem>> -> memref<1x125xi32, #tpu.memory_space<vmem>>
    %dma_start3A_93 = tpu.memref_squeeze %dma_start3A_92 : memref<1x125xi32, #tpu.memory_space<vmem>> -> memref<125xi32, #tpu.memory_space<vmem>>
    %dma_start3A_94 = arith.constant 0 : i32
    %dma_start3A_95 = arith.constant 0 : i32
    %dma_start3A_96 = tpu.memref_slice %arg2[%dma_start3A_94, %dma_start3A_95] : memref<20000x64xf32, #tpu.memory_space<hbm>> -> memref<20000x64xf32, #tpu.memory_space<hbm>>
    tpu.enqueue_indirect_dma source(%dma_start3A_96 : memref<20000x64xf32, #tpu.memory_space<hbm>>) target(%dma_start3A_90 : memref<125x64xf32, #tpu.memory_space<vmem>>) offsets(%dma_start3A_93 : memref<125xi32, #tpu.memory_space<vmem>>) semaphore(%arg15 : memref<!tpu.dma_semaphore, #tpu.memory_space<semaphore_mem>>)
    %dma_start3A_97 = arith.constant 3 : i32
    %dma_start3A_98 = arith.constant 3 : i32
    %dma_start3A_99 = arith.constant 0 : i32
    %dma_start3A_100 = arith.constant 0 : i32
    %dma_start3A_101 = tpu.memref_slice %arg10[%dma_start3A_98, %dma_start3A_99, %dma_start3A_100] : memref<5x125x64xf32, #tpu.memory_space<vmem>> -> memref<1x125x64xf32, #tpu.memory_space<vmem>>
    %dma_start3A_102 = tpu.memref_squeeze %dma_start3A_101 : memref<1x125x64xf32, #tpu.memory_space<vmem>> -> memref<125x64xf32, #tpu.memory_space<vmem>>
    %dma_start3A_103 = arith.constant 0 : i32
    %dma_start3A_104 = tpu.memref_slice %arg8[%dma_start3A_97, %dma_start3A_103] : memref<160x125xi32, #tpu.memory_space<vmem>> -> memref<1x125xi32, #tpu.memory_space<vmem>>
    %dma_start3A_105 = tpu.memref_squeeze %dma_start3A_104 : memref<1x125xi32, #tpu.memory_space<vmem>> -> memref<125xi32, #tpu.memory_space<vmem>>
    %dma_start3A_106 = arith.constant 0 : i32
    %dma_start3A_107 = arith.constant 0 : i32
    %dma_start3A_108 = tpu.memref_slice %arg2[%dma_start3A_106, %dma_start3A_107] : memref<20000x64xf32, #tpu.memory_space<hbm>> -> memref<20000x64xf32, #tpu.memory_space<hbm>>
    tpu.enqueue_indirect_dma source(%dma_start3A_108 : memref<20000x64xf32, #tpu.memory_space<hbm>>) target(%dma_start3A_102 : memref<125x64xf32, #tpu.memory_space<vmem>>) offsets(%dma_start3A_105 : memref<125xi32, #tpu.memory_space<vmem>>) semaphore(%arg16 : memref<!tpu.dma_semaphore, #tpu.memory_space<semaphore_mem>>)
    %dma_start3A_109 = arith.constant 4 : i32
    %dma_start3A_110 = arith.constant 4 : i32
    %dma_start3A_111 = arith.constant 0 : i32
    %dma_start3A_112 = arith.constant 0 : i32
    %dma_start3A_113 = tpu.memref_slice %arg10[%dma_start3A_110, %dma_start3A_111, %dma_start3A_112] : memref<5x125x64xf32, #tpu.memory_space<vmem>> -> memref<1x125x64xf32, #tpu.memory_space<vmem>>
    %dma_start3A_114 = tpu.memref_squeeze %dma_start3A_113 : memref<1x125x64xf32, #tpu.memory_space<vmem>> -> memref<125x64xf32, #tpu.memory_space<vmem>>
    %dma_start3A_115 = arith.constant 0 : i32
    %dma_start3A_116 = tpu.memref_slice %arg8[%dma_start3A_109, %dma_start3A_115] : memref<160x125xi32, #tpu.memory_space<vmem>> -> memref<1x125xi32, #tpu.memory_space<vmem>>
    %dma_start3A_117 = tpu.memref_squeeze %dma_start3A_116 : memref<1x125xi32, #tpu.memory_space<vmem>> -> memref<125xi32, #tpu.memory_space<vmem>>
    %dma_start3A_118 = arith.constant 0 : i32
    %dma_start3A_119 = arith.constant 0 : i32
    %dma_start3A_120 = tpu.memref_slice %arg2[%dma_start3A_118, %dma_start3A_119] : memref<20000x64xf32, #tpu.memory_space<hbm>> -> memref<20000x64xf32, #tpu.memory_space<hbm>>
    tpu.enqueue_indirect_dma source(%dma_start3A_120 : memref<20000x64xf32, #tpu.memory_space<hbm>>) target(%dma_start3A_114 : memref<125x64xf32, #tpu.memory_space<vmem>>) offsets(%dma_start3A_117 : memref<125xi32, #tpu.memory_space<vmem>>) semaphore(%arg17 : memref<!tpu.dma_semaphore, #tpu.memory_space<semaphore_mem>>)
    %scan3A = arith.constant 0 : i32
    %scan3A_121 = arith.constant 0 : i32
    %scan3A_122 = arith.constant 32 : i32
    %scan3A_123 = arith.addi %scan3A_121, %scan3A_122 : i32
    %scan3A_124 = arith.constant 1 : i32
    scf.for %scan3A_270 = %scan3A_121 to %scan3A_123 step %scan3A_124  : i32 {
      %mul3A_271 = arith.constant 5 : i32
      %mul3A_272 = arith.muli %scan3A_270, %mul3A_271 : i32
      %add3A_273 = arith.constant 0 : i32
      %add3A_274 = arith.addi %mul3A_272, %add3A_273 : i32
      %dma_wait3A_275 = arith.constant 0 : i32
      %dma_wait3A_276 = arith.constant 0 : i32
      %dma_wait3A_277 = arith.constant 0 : i32
      %dma_wait3A_278 = tpu.memref_slice %arg10[%dma_wait3A_275, %dma_wait3A_276, %dma_wait3A_277] : memref<5x125x64xf32, #tpu.memory_space<vmem>> -> memref<1x125x64xf32, #tpu.memory_space<vmem>>
      %dma_wait3A_279 = tpu.memref_squeeze %dma_wait3A_278 : memref<1x125x64xf32, #tpu.memory_space<vmem>> -> memref<125x64xf32, #tpu.memory_space<vmem>>
      %dma_wait3A_280 = arith.constant 0 : i32
      %dma_wait3A_281 = tpu.memref_slice %arg8[%add3A_274, %dma_wait3A_280] : memref<160x125xi32, #tpu.memory_space<vmem>> -> memref<1x125xi32, #tpu.memory_space<vmem>>
      %dma_wait3A_282 = tpu.memref_squeeze %dma_wait3A_281 : memref<1x125xi32, #tpu.memory_space<vmem>> -> memref<125xi32, #tpu.memory_space<vmem>>
      %dma_wait3A_283 = arith.constant 0 : i32
      %dma_wait3A_284 = arith.constant 0 : i32
      %dma_wait3A_285 = tpu.memref_slice %arg2[%dma_wait3A_283, %dma_wait3A_284] : memref<20000x64xf32, #tpu.memory_space<hbm>> -> memref<20000x64xf32, #tpu.memory_space<hbm>>
      tpu.wait_indirect_dma semaphore(%arg13 : memref<!tpu.dma_semaphore, #tpu.memory_space<semaphore_mem>>) src(%dma_wait3A_285 : memref<20000x64xf32, #tpu.memory_space<hbm>>) dst(%dma_wait3A_279 : memref<125x64xf32, #tpu.memory_space<vmem>>)
      %dma_start3A_286 = arith.constant 0 : i32
      %dma_start3A_287 = arith.constant 0 : i32
      %dma_start3A_288 = arith.constant 0 : i32
      %dma_start3A_289 = tpu.memref_slice %arg10[%dma_start3A_286, %dma_start3A_287, %dma_start3A_288] : memref<5x125x64xf32, #tpu.memory_space<vmem>> -> memref<1x125x64xf32, #tpu.memory_space<vmem>>
      %dma_start3A_290 = tpu.memref_squeeze %dma_start3A_289 : memref<1x125x64xf32, #tpu.memory_space<vmem>> -> memref<125x64xf32, #tpu.memory_space<vmem>>
      %dma_start3A_291 = arith.constant 0 : i32
      %dma_start3A_292 = tpu.memref_slice %arg9[%add3A_274, %dma_start3A_291] : memref<160x125xi32, #tpu.memory_space<vmem>> -> memref<1x125xi32, #tpu.memory_space<vmem>>
      %dma_start3A_293 = tpu.memref_squeeze %dma_start3A_292 : memref<1x125xi32, #tpu.memory_space<vmem>> -> memref<125xi32, #tpu.memory_space<vmem>>
      %dma_start3A_294 = arith.constant 0 : i32
      %dma_start3A_295 = arith.constant 0 : i32
      %dma_start3A_296 = tpu.memref_slice %arg12[%dma_start3A_294, %dma_start3A_295] : memref<10000x64xf32, #tpu.memory_space<vmem_shared>> -> memref<10000x64xf32, #tpu.memory_space<vmem_shared>>
      tpu.enqueue_indirect_dma source(%dma_start3A_290 : memref<125x64xf32, #tpu.memory_space<vmem>>) target(%dma_start3A_296 : memref<10000x64xf32, #tpu.memory_space<vmem_shared>>) offsets(%dma_start3A_293 : memref<125xi32, #tpu.memory_space<vmem>>) semaphore(%arg18 : memref<!tpu.dma_semaphore, #tpu.memory_space<semaphore_mem>>) {add = true}
      %mul3A_297 = arith.constant 5 : i32
      %mul3A_298 = arith.muli %scan3A_270, %mul3A_297 : i32
      %add3A_299 = arith.constant 1 : i32
      %add3A_300 = arith.addi %mul3A_298, %add3A_299 : i32
      %dma_wait3A_301 = arith.constant 1 : i32
      %dma_wait3A_302 = arith.constant 0 : i32
      %dma_wait3A_303 = arith.constant 0 : i32
      %dma_wait3A_304 = tpu.memref_slice %arg10[%dma_wait3A_301, %dma_wait3A_302, %dma_wait3A_303] : memref<5x125x64xf32, #tpu.memory_space<vmem>> -> memref<1x125x64xf32, #tpu.memory_space<vmem>>
      %dma_wait3A_305 = tpu.memref_squeeze %dma_wait3A_304 : memref<1x125x64xf32, #tpu.memory_space<vmem>> -> memref<125x64xf32, #tpu.memory_space<vmem>>
      %dma_wait3A_306 = arith.constant 0 : i32
      %dma_wait3A_307 = tpu.memref_slice %arg8[%add3A_300, %dma_wait3A_306] : memref<160x125xi32, #tpu.memory_space<vmem>> -> memref<1x125xi32, #tpu.memory_space<vmem>>
      %dma_wait3A_308 = tpu.memref_squeeze %dma_wait3A_307 : memref<1x125xi32, #tpu.memory_space<vmem>> -> memref<125xi32, #tpu.memory_space<vmem>>
      %dma_wait3A_309 = arith.constant 0 : i32
      %dma_wait3A_310 = arith.constant 0 : i32
      %dma_wait3A_311 = tpu.memref_slice %arg2[%dma_wait3A_309, %dma_wait3A_310] : memref<20000x64xf32, #tpu.memory_space<hbm>> -> memref<20000x64xf32, #tpu.memory_space<hbm>>
      tpu.wait_indirect_dma semaphore(%arg14 : memref<!tpu.dma_semaphore, #tpu.memory_space<semaphore_mem>>) src(%dma_wait3A_311 : memref<20000x64xf32, #tpu.memory_space<hbm>>) dst(%dma_wait3A_305 : memref<125x64xf32, #tpu.memory_space<vmem>>)
      %dma_start3A_312 = arith.constant 1 : i32
      %dma_start3A_313 = arith.constant 0 : i32
      %dma_start3A_314 = arith.constant 0 : i32
      %dma_start3A_315 = tpu.memref_slice %arg10[%dma_start3A_312, %dma_start3A_313, %dma_start3A_314] : memref<5x125x64xf32, #tpu.memory_space<vmem>> -> memref<1x125x64xf32, #tpu.memory_space<vmem>>
      %dma_start3A_316 = tpu.memref_squeeze %dma_start3A_315 : memref<1x125x64xf32, #tpu.memory_space<vmem>> -> memref<125x64xf32, #tpu.memory_space<vmem>>
      %dma_start3A_317 = arith.constant 0 : i32
      %dma_start3A_318 = tpu.memref_slice %arg9[%add3A_300, %dma_start3A_317] : memref<160x125xi32, #tpu.memory_space<vmem>> -> memref<1x125xi32, #tpu.memory_space<vmem>>
      %dma_start3A_319 = tpu.memref_squeeze %dma_start3A_318 : memref<1x125xi32, #tpu.memory_space<vmem>> -> memref<125xi32, #tpu.memory_space<vmem>>
      %dma_start3A_320 = arith.constant 0 : i32
      %dma_start3A_321 = arith.constant 0 : i32
      %dma_start3A_322 = tpu.memref_slice %arg12[%dma_start3A_320, %dma_start3A_321] : memref<10000x64xf32, #tpu.memory_space<vmem_shared>> -> memref<10000x64xf32, #tpu.memory_space<vmem_shared>>
      tpu.enqueue_indirect_dma source(%dma_start3A_316 : memref<125x64xf32, #tpu.memory_space<vmem>>) target(%dma_start3A_322 : memref<10000x64xf32, #tpu.memory_space<vmem_shared>>) offsets(%dma_start3A_319 : memref<125xi32, #tpu.memory_space<vmem>>) semaphore(%arg19 : memref<!tpu.dma_semaphore, #tpu.memory_space<semaphore_mem>>) {add = true}
      %mul3A_323 = arith.constant 5 : i32
      %mul3A_324 = arith.muli %scan3A_270, %mul3A_323 : i32
      %add3A_325 = arith.constant 2 : i32
      %add3A_326 = arith.addi %mul3A_324, %add3A_325 : i32
      %dma_wait3A_327 = arith.constant 2 : i32
      %dma_wait3A_328 = arith.constant 0 : i32
      %dma_wait3A_329 = arith.constant 0 : i32
      %dma_wait3A_330 = tpu.memref_slice %arg10[%dma_wait3A_327, %dma_wait3A_328, %dma_wait3A_329] : memref<5x125x64xf32, #tpu.memory_space<vmem>> -> memref<1x125x64xf32, #tpu.memory_space<vmem>>
      %dma_wait3A_331 = tpu.memref_squeeze %dma_wait3A_330 : memref<1x125x64xf32, #tpu.memory_space<vmem>> -> memref<125x64xf32, #tpu.memory_space<vmem>>
      %dma_wait3A_332 = arith.constant 0 : i32
      %dma_wait3A_333 = tpu.memref_slice %arg8[%add3A_326, %dma_wait3A_332] : memref<160x125xi32, #tpu.memory_space<vmem>> -> memref<1x125xi32, #tpu.memory_space<vmem>>
      %dma_wait3A_334 = tpu.memref_squeeze %dma_wait3A_333 : memref<1x125xi32, #tpu.memory_space<vmem>> -> memref<125xi32, #tpu.memory_space<vmem>>
      %dma_wait3A_335 = arith.constant 0 : i32
      %dma_wait3A_336 = arith.constant 0 : i32
      %dma_wait3A_337 = tpu.memref_slice %arg2[%dma_wait3A_335, %dma_wait3A_336] : memref<20000x64xf32, #tpu.memory_space<hbm>> -> memref<20000x64xf32, #tpu.memory_space<hbm>>
      tpu.wait_indirect_dma semaphore(%arg15 : memref<!tpu.dma_semaphore, #tpu.memory_space<semaphore_mem>>) src(%dma_wait3A_337 : memref<20000x64xf32, #tpu.memory_space<hbm>>) dst(%dma_wait3A_331 : memref<125x64xf32, #tpu.memory_space<vmem>>)
      %dma_start3A_338 = arith.constant 2 : i32
      %dma_start3A_339 = arith.constant 0 : i32
      %dma_start3A_340 = arith.constant 0 : i32
      %dma_start3A_341 = tpu.memref_slice %arg10[%dma_start3A_338, %dma_start3A_339, %dma_start3A_340] : memref<5x125x64xf32, #tpu.memory_space<vmem>> -> memref<1x125x64xf32, #tpu.memory_space<vmem>>
      %dma_start3A_342 = tpu.memref_squeeze %dma_start3A_341 : memref<1x125x64xf32, #tpu.memory_space<vmem>> -> memref<125x64xf32, #tpu.memory_space<vmem>>
      %dma_start3A_343 = arith.constant 0 : i32
      %dma_start3A_344 = tpu.memref_slice %arg9[%add3A_326, %dma_start3A_343] : memref<160x125xi32, #tpu.memory_space<vmem>> -> memref<1x125xi32, #tpu.memory_space<vmem>>
      %dma_start3A_345 = tpu.memref_squeeze %dma_start3A_344 : memref<1x125xi32, #tpu.memory_space<vmem>> -> memref<125xi32, #tpu.memory_space<vmem>>
      %dma_start3A_346 = arith.constant 0 : i32
      %dma_start3A_347 = arith.constant 0 : i32
      %dma_start3A_348 = tpu.memref_slice %arg12[%dma_start3A_346, %dma_start3A_347] : memref<10000x64xf32, #tpu.memory_space<vmem_shared>> -> memref<10000x64xf32, #tpu.memory_space<vmem_shared>>
      tpu.enqueue_indirect_dma source(%dma_start3A_342 : memref<125x64xf32, #tpu.memory_space<vmem>>) target(%dma_start3A_348 : memref<10000x64xf32, #tpu.memory_space<vmem_shared>>) offsets(%dma_start3A_345 : memref<125xi32, #tpu.memory_space<vmem>>) semaphore(%arg20 : memref<!tpu.dma_semaphore, #tpu.memory_space<semaphore_mem>>) {add = true}
      %mul3A_349 = arith.constant 5 : i32
      %mul3A_350 = arith.muli %scan3A_270, %mul3A_349 : i32
      %add3A_351 = arith.constant 3 : i32
      %add3A_352 = arith.addi %mul3A_350, %add3A_351 : i32
      %dma_wait3A_353 = arith.constant 3 : i32
      %dma_wait3A_354 = arith.constant 0 : i32
      %dma_wait3A_355 = arith.constant 0 : i32
      %dma_wait3A_356 = tpu.memref_slice %arg10[%dma_wait3A_353, %dma_wait3A_354, %dma_wait3A_355] : memref<5x125x64xf32, #tpu.memory_space<vmem>> -> memref<1x125x64xf32, #tpu.memory_space<vmem>>
      %dma_wait3A_357 = tpu.memref_squeeze %dma_wait3A_356 : memref<1x125x64xf32, #tpu.memory_space<vmem>> -> memref<125x64xf32, #tpu.memory_space<vmem>>
      %dma_wait3A_358 = arith.constant 0 : i32
      %dma_wait3A_359 = tpu.memref_slice %arg8[%add3A_352, %dma_wait3A_358] : memref<160x125xi32, #tpu.memory_space<vmem>> -> memref<1x125xi32, #tpu.memory_space<vmem>>
      %dma_wait3A_360 = tpu.memref_squeeze %dma_wait3A_359 : memref<1x125xi32, #tpu.memory_space<vmem>> -> memref<125xi32, #tpu.memory_space<vmem>>
      %dma_wait3A_361 = arith.constant 0 : i32
      %dma_wait3A_362 = arith.constant 0 : i32
      %dma_wait3A_363 = tpu.memref_slice %arg2[%dma_wait3A_361, %dma_wait3A_362] : memref<20000x64xf32, #tpu.memory_space<hbm>> -> memref<20000x64xf32, #tpu.memory_space<hbm>>
      tpu.wait_indirect_dma semaphore(%arg16 : memref<!tpu.dma_semaphore, #tpu.memory_space<semaphore_mem>>) src(%dma_wait3A_363 : memref<20000x64xf32, #tpu.memory_space<hbm>>) dst(%dma_wait3A_357 : memref<125x64xf32, #tpu.memory_space<vmem>>)
      %dma_start3A_364 = arith.constant 3 : i32
      %dma_start3A_365 = arith.constant 0 : i32
      %dma_start3A_366 = arith.constant 0 : i32
      %dma_start3A_367 = tpu.memref_slice %arg10[%dma_start3A_364, %dma_start3A_365, %dma_start3A_366] : memref<5x125x64xf32, #tpu.memory_space<vmem>> -> memref<1x125x64xf32, #tpu.memory_space<vmem>>
      %dma_start3A_368 = tpu.memref_squeeze %dma_start3A_367 : memref<1x125x64xf32, #tpu.memory_space<vmem>> -> memref<125x64xf32, #tpu.memory_space<vmem>>
      %dma_start3A_369 = arith.constant 0 : i32
      %dma_start3A_370 = tpu.memref_slice %arg9[%add3A_352, %dma_start3A_369] : memref<160x125xi32, #tpu.memory_space<vmem>> -> memref<1x125xi32, #tpu.memory_space<vmem>>
      %dma_start3A_371 = tpu.memref_squeeze %dma_start3A_370 : memref<1x125xi32, #tpu.memory_space<vmem>> -> memref<125xi32, #tpu.memory_space<vmem>>
      %dma_start3A_372 = arith.constant 0 : i32
      %dma_start3A_373 = arith.constant 0 : i32
      %dma_start3A_374 = tpu.memref_slice %arg12[%dma_start3A_372, %dma_start3A_373] : memref<10000x64xf32, #tpu.memory_space<vmem_shared>> -> memref<10000x64xf32, #tpu.memory_space<vmem_shared>>
      tpu.enqueue_indirect_dma source(%dma_start3A_368 : memref<125x64xf32, #tpu.memory_space<vmem>>) target(%dma_start3A_374 : memref<10000x64xf32, #tpu.memory_space<vmem_shared>>) offsets(%dma_start3A_371 : memref<125xi32, #tpu.memory_space<vmem>>) semaphore(%arg21 : memref<!tpu.dma_semaphore, #tpu.memory_space<semaphore_mem>>) {add = true}
      %mul3A_375 = arith.constant 5 : i32
      %mul3A_376 = arith.muli %scan3A_270, %mul3A_375 : i32
      %add3A_377 = arith.constant 4 : i32
      %add3A_378 = arith.addi %mul3A_376, %add3A_377 : i32
      %dma_wait3A_379 = arith.constant 4 : i32
      %dma_wait3A_380 = arith.constant 0 : i32
      %dma_wait3A_381 = arith.constant 0 : i32
      %dma_wait3A_382 = tpu.memref_slice %arg10[%dma_wait3A_379, %dma_wait3A_380, %dma_wait3A_381] : memref<5x125x64xf32, #tpu.memory_space<vmem>> -> memref<1x125x64xf32, #tpu.memory_space<vmem>>
      %dma_wait3A_383 = tpu.memref_squeeze %dma_wait3A_382 : memref<1x125x64xf32, #tpu.memory_space<vmem>> -> memref<125x64xf32, #tpu.memory_space<vmem>>
      %dma_wait3A_384 = arith.constant 0 : i32
      %dma_wait3A_385 = tpu.memref_slice %arg8[%add3A_378, %dma_wait3A_384] : memref<160x125xi32, #tpu.memory_space<vmem>> -> memref<1x125xi32, #tpu.memory_space<vmem>>
      %dma_wait3A_386 = tpu.memref_squeeze %dma_wait3A_385 : memref<1x125xi32, #tpu.memory_space<vmem>> -> memref<125xi32, #tpu.memory_space<vmem>>
      %dma_wait3A_387 = arith.constant 0 : i32
      %dma_wait3A_388 = arith.constant 0 : i32
      %dma_wait3A_389 = tpu.memref_slice %arg2[%dma_wait3A_387, %dma_wait3A_388] : memref<20000x64xf32, #tpu.memory_space<hbm>> -> memref<20000x64xf32, #tpu.memory_space<hbm>>
      tpu.wait_indirect_dma semaphore(%arg17 : memref<!tpu.dma_semaphore, #tpu.memory_space<semaphore_mem>>) src(%dma_wait3A_389 : memref<20000x64xf32, #tpu.memory_space<hbm>>) dst(%dma_wait3A_383 : memref<125x64xf32, #tpu.memory_space<vmem>>)
      %dma_start3A_390 = arith.constant 4 : i32
      %dma_start3A_391 = arith.constant 0 : i32
      %dma_start3A_392 = arith.constant 0 : i32
      %dma_start3A_393 = tpu.memref_slice %arg10[%dma_start3A_390, %dma_start3A_391, %dma_start3A_392] : memref<5x125x64xf32, #tpu.memory_space<vmem>> -> memref<1x125x64xf32, #tpu.memory_space<vmem>>
      %dma_start3A_394 = tpu.memref_squeeze %dma_start3A_393 : memref<1x125x64xf32, #tpu.memory_space<vmem>> -> memref<125x64xf32, #tpu.memory_space<vmem>>
      %dma_start3A_395 = arith.constant 0 : i32
      %dma_start3A_396 = tpu.memref_slice %arg9[%add3A_378, %dma_start3A_395] : memref<160x125xi32, #tpu.memory_space<vmem>> -> memref<1x125xi32, #tpu.memory_space<vmem>>
      %dma_start3A_397 = tpu.memref_squeeze %dma_start3A_396 : memref<1x125xi32, #tpu.memory_space<vmem>> -> memref<125xi32, #tpu.memory_space<vmem>>
      %dma_start3A_398 = arith.constant 0 : i32
      %dma_start3A_399 = arith.constant 0 : i32
      %dma_start3A_400 = tpu.memref_slice %arg12[%dma_start3A_398, %dma_start3A_399] : memref<10000x64xf32, #tpu.memory_space<vmem_shared>> -> memref<10000x64xf32, #tpu.memory_space<vmem_shared>>
      tpu.enqueue_indirect_dma source(%dma_start3A_394 : memref<125x64xf32, #tpu.memory_space<vmem>>) target(%dma_start3A_400 : memref<10000x64xf32, #tpu.memory_space<vmem_shared>>) offsets(%dma_start3A_397 : memref<125xi32, #tpu.memory_space<vmem>>) semaphore(%arg22 : memref<!tpu.dma_semaphore, #tpu.memory_space<semaphore_mem>>) {add = true}
      %mul3A_401 = arith.constant 5 : i32
      %mul3A_402 = arith.muli %scan3A_270, %mul3A_401 : i32
      %add3A_403 = arith.constant 0 : i32
      %add3A_404 = arith.addi %mul3A_402, %add3A_403 : i32
      %dma_wait3A_405 = arith.constant 0 : i32
      %dma_wait3A_406 = arith.constant 0 : i32
      %dma_wait3A_407 = arith.constant 0 : i32
      %dma_wait3A_408 = tpu.memref_slice %arg10[%dma_wait3A_405, %dma_wait3A_406, %dma_wait3A_407] : memref<5x125x64xf32, #tpu.memory_space<vmem>> -> memref<1x125x64xf32, #tpu.memory_space<vmem>>
      %dma_wait3A_409 = tpu.memref_squeeze %dma_wait3A_408 : memref<1x125x64xf32, #tpu.memory_space<vmem>> -> memref<125x64xf32, #tpu.memory_space<vmem>>
      %dma_wait3A_410 = arith.constant 0 : i32
      %dma_wait3A_411 = tpu.memref_slice %arg9[%add3A_404, %dma_wait3A_410] : memref<160x125xi32, #tpu.memory_space<vmem>> -> memref<1x125xi32, #tpu.memory_space<vmem>>
      %dma_wait3A_412 = tpu.memref_squeeze %dma_wait3A_411 : memref<1x125xi32, #tpu.memory_space<vmem>> -> memref<125xi32, #tpu.memory_space<vmem>>
      %dma_wait3A_413 = arith.constant 0 : i32
      %dma_wait3A_414 = arith.constant 0 : i32
      %dma_wait3A_415 = tpu.memref_slice %arg12[%dma_wait3A_413, %dma_wait3A_414] : memref<10000x64xf32, #tpu.memory_space<vmem_shared>> -> memref<10000x64xf32, #tpu.memory_space<vmem_shared>>
      tpu.wait_indirect_dma semaphore(%arg18 : memref<!tpu.dma_semaphore, #tpu.memory_space<semaphore_mem>>) src(%dma_wait3A_409 : memref<125x64xf32, #tpu.memory_space<vmem>>) dst(%dma_wait3A_415 : memref<10000x64xf32, #tpu.memory_space<vmem_shared>>)
      %add3A_416 = arith.constant 1 : i32
      %add3A_417 = arith.addi %scan3A_270, %add3A_416 : i32
      %lt3A = arith.constant 32 : i32
      %lt3A_418 = arith.cmpi slt, %add3A_417, %lt3A : i32
      %convert_element_type3A = arith.extui %lt3A_418 : i1 to i32
      %cond3A = arith.constant 0 : i32
      %cond3A_419 = arith.cmpi ne, %convert_element_type3A, %cond3A : i32
      scf.if %cond3A_419 {
        %add3A_508 = arith.constant 5 : i32
        %add3A_509 = arith.addi %add3A_404, %add3A_508 : i32
        %dma_start3A_510 = arith.constant 0 : i32
        %dma_start3A_511 = arith.constant 0 : i32
        %dma_start3A_512 = arith.constant 0 : i32
        %dma_start3A_513 = tpu.memref_slice %arg10[%dma_start3A_510, %dma_start3A_511, %dma_start3A_512] : memref<5x125x64xf32, #tpu.memory_space<vmem>> -> memref<1x125x64xf32, #tpu.memory_space<vmem>>
        %dma_start3A_514 = tpu.memref_squeeze %dma_start3A_513 : memref<1x125x64xf32, #tpu.memory_space<vmem>> -> memref<125x64xf32, #tpu.memory_space<vmem>>
        %dma_start3A_515 = arith.constant 0 : i32
        %dma_start3A_516 = tpu.memref_slice %arg8[%add3A_509, %dma_start3A_515] : memref<160x125xi32, #tpu.memory_space<vmem>> -> memref<1x125xi32, #tpu.memory_space<vmem>>
        %dma_start3A_517 = tpu.memref_squeeze %dma_start3A_516 : memref<1x125xi32, #tpu.memory_space<vmem>> -> memref<125xi32, #tpu.memory_space<vmem>>
        %dma_start3A_518 = arith.constant 0 : i32
        %dma_start3A_519 = arith.constant 0 : i32
        %dma_start3A_520 = tpu.memref_slice %arg2[%dma_start3A_518, %dma_start3A_519] : memref<20000x64xf32, #tpu.memory_space<hbm>> -> memref<20000x64xf32, #tpu.memory_space<hbm>>
        tpu.enqueue_indirect_dma source(%dma_start3A_520 : memref<20000x64xf32, #tpu.memory_space<hbm>>) target(%dma_start3A_514 : memref<125x64xf32, #tpu.memory_space<vmem>>) offsets(%dma_start3A_517 : memref<125xi32, #tpu.memory_space<vmem>>) semaphore(%arg13 : memref<!tpu.dma_semaphore, #tpu.memory_space<semaphore_mem>>)
      } else {
      }
      %mul3A_420 = arith.constant 5 : i32
      %mul3A_421 = arith.muli %scan3A_270, %mul3A_420 : i32
      %add3A_422 = arith.constant 1 : i32
      %add3A_423 = arith.addi %mul3A_421, %add3A_422 : i32
      %dma_wait3A_424 = arith.constant 1 : i32
      %dma_wait3A_425 = arith.constant 0 : i32
      %dma_wait3A_426 = arith.constant 0 : i32
      %dma_wait3A_427 = tpu.memref_slice %arg10[%dma_wait3A_424, %dma_wait3A_425, %dma_wait3A_426] : memref<5x125x64xf32, #tpu.memory_space<vmem>> -> memref<1x125x64xf32, #tpu.memory_space<vmem>>
      %dma_wait3A_428 = tpu.memref_squeeze %dma_wait3A_427 : memref<1x125x64xf32, #tpu.memory_space<vmem>> -> memref<125x64xf32, #tpu.memory_space<vmem>>
      %dma_wait3A_429 = arith.constant 0 : i32
      %dma_wait3A_430 = tpu.memref_slice %arg9[%add3A_423, %dma_wait3A_429] : memref<160x125xi32, #tpu.memory_space<vmem>> -> memref<1x125xi32, #tpu.memory_space<vmem>>
      %dma_wait3A_431 = tpu.memref_squeeze %dma_wait3A_430 : memref<1x125xi32, #tpu.memory_space<vmem>> -> memref<125xi32, #tpu.memory_space<vmem>>
      %dma_wait3A_432 = arith.constant 0 : i32
      %dma_wait3A_433 = arith.constant 0 : i32
      %dma_wait3A_434 = tpu.memref_slice %arg12[%dma_wait3A_432, %dma_wait3A_433] : memref<10000x64xf32, #tpu.memory_space<vmem_shared>> -> memref<10000x64xf32, #tpu.memory_space<vmem_shared>>
      tpu.wait_indirect_dma semaphore(%arg19 : memref<!tpu.dma_semaphore, #tpu.memory_space<semaphore_mem>>) src(%dma_wait3A_428 : memref<125x64xf32, #tpu.memory_space<vmem>>) dst(%dma_wait3A_434 : memref<10000x64xf32, #tpu.memory_space<vmem_shared>>)
      %add3A_435 = arith.constant 1 : i32
      %add3A_436 = arith.addi %scan3A_270, %add3A_435 : i32
      %lt3A_437 = arith.constant 32 : i32
      %lt3A_438 = arith.cmpi slt, %add3A_436, %lt3A_437 : i32
      %convert_element_type3A_439 = arith.extui %lt3A_438 : i1 to i32
      %cond3A_440 = arith.constant 0 : i32
      %cond3A_441 = arith.cmpi ne, %convert_element_type3A_439, %cond3A_440 : i32
      scf.if %cond3A_441 {
        %add3A_508 = arith.constant 5 : i32
        %add3A_509 = arith.addi %add3A_423, %add3A_508 : i32
        %dma_start3A_510 = arith.constant 1 : i32
        %dma_start3A_511 = arith.constant 0 : i32
        %dma_start3A_512 = arith.constant 0 : i32
        %dma_start3A_513 = tpu.memref_slice %arg10[%dma_start3A_510, %dma_start3A_511, %dma_start3A_512] : memref<5x125x64xf32, #tpu.memory_space<vmem>> -> memref<1x125x64xf32, #tpu.memory_space<vmem>>
        %dma_start3A_514 = tpu.memref_squeeze %dma_start3A_513 : memref<1x125x64xf32, #tpu.memory_space<vmem>> -> memref<125x64xf32, #tpu.memory_space<vmem>>
        %dma_start3A_515 = arith.constant 0 : i32
        %dma_start3A_516 = tpu.memref_slice %arg8[%add3A_509, %dma_start3A_515] : memref<160x125xi32, #tpu.memory_space<vmem>> -> memref<1x125xi32, #tpu.memory_space<vmem>>
        %dma_start3A_517 = tpu.memref_squeeze %dma_start3A_516 : memref<1x125xi32, #tpu.memory_space<vmem>> -> memref<125xi32, #tpu.memory_space<vmem>>
        %dma_start3A_518 = arith.constant 0 : i32
        %dma_start3A_519 = arith.constant 0 : i32
        %dma_start3A_520 = tpu.memref_slice %arg2[%dma_start3A_518, %dma_start3A_519] : memref<20000x64xf32, #tpu.memory_space<hbm>> -> memref<20000x64xf32, #tpu.memory_space<hbm>>
        tpu.enqueue_indirect_dma source(%dma_start3A_520 : memref<20000x64xf32, #tpu.memory_space<hbm>>) target(%dma_start3A_514 : memref<125x64xf32, #tpu.memory_space<vmem>>) offsets(%dma_start3A_517 : memref<125xi32, #tpu.memory_space<vmem>>) semaphore(%arg14 : memref<!tpu.dma_semaphore, #tpu.memory_space<semaphore_mem>>)
      } else {
      }
      %mul3A_442 = arith.constant 5 : i32
      %mul3A_443 = arith.muli %scan3A_270, %mul3A_442 : i32
      %add3A_444 = arith.constant 2 : i32
      %add3A_445 = arith.addi %mul3A_443, %add3A_444 : i32
      %dma_wait3A_446 = arith.constant 2 : i32
      %dma_wait3A_447 = arith.constant 0 : i32
      %dma_wait3A_448 = arith.constant 0 : i32
      %dma_wait3A_449 = tpu.memref_slice %arg10[%dma_wait3A_446, %dma_wait3A_447, %dma_wait3A_448] : memref<5x125x64xf32, #tpu.memory_space<vmem>> -> memref<1x125x64xf32, #tpu.memory_space<vmem>>
      %dma_wait3A_450 = tpu.memref_squeeze %dma_wait3A_449 : memref<1x125x64xf32, #tpu.memory_space<vmem>> -> memref<125x64xf32, #tpu.memory_space<vmem>>
      %dma_wait3A_451 = arith.constant 0 : i32
      %dma_wait3A_452 = tpu.memref_slice %arg9[%add3A_445, %dma_wait3A_451] : memref<160x125xi32, #tpu.memory_space<vmem>> -> memref<1x125xi32, #tpu.memory_space<vmem>>
      %dma_wait3A_453 = tpu.memref_squeeze %dma_wait3A_452 : memref<1x125xi32, #tpu.memory_space<vmem>> -> memref<125xi32, #tpu.memory_space<vmem>>
      %dma_wait3A_454 = arith.constant 0 : i32
      %dma_wait3A_455 = arith.constant 0 : i32
      %dma_wait3A_456 = tpu.memref_slice %arg12[%dma_wait3A_454, %dma_wait3A_455] : memref<10000x64xf32, #tpu.memory_space<vmem_shared>> -> memref<10000x64xf32, #tpu.memory_space<vmem_shared>>
      tpu.wait_indirect_dma semaphore(%arg20 : memref<!tpu.dma_semaphore, #tpu.memory_space<semaphore_mem>>) src(%dma_wait3A_450 : memref<125x64xf32, #tpu.memory_space<vmem>>) dst(%dma_wait3A_456 : memref<10000x64xf32, #tpu.memory_space<vmem_shared>>)
      %add3A_457 = arith.constant 1 : i32
      %add3A_458 = arith.addi %scan3A_270, %add3A_457 : i32
      %lt3A_459 = arith.constant 32 : i32
      %lt3A_460 = arith.cmpi slt, %add3A_458, %lt3A_459 : i32
      %convert_element_type3A_461 = arith.extui %lt3A_460 : i1 to i32
      %cond3A_462 = arith.constant 0 : i32
      %cond3A_463 = arith.cmpi ne, %convert_element_type3A_461, %cond3A_462 : i32
      scf.if %cond3A_463 {
        %add3A_508 = arith.constant 5 : i32
        %add3A_509 = arith.addi %add3A_445, %add3A_508 : i32
        %dma_start3A_510 = arith.constant 2 : i32
        %dma_start3A_511 = arith.constant 0 : i32
        %dma_start3A_512 = arith.constant 0 : i32
        %dma_start3A_513 = tpu.memref_slice %arg10[%dma_start3A_510, %dma_start3A_511, %dma_start3A_512] : memref<5x125x64xf32, #tpu.memory_space<vmem>> -> memref<1x125x64xf32, #tpu.memory_space<vmem>>
        %dma_start3A_514 = tpu.memref_squeeze %dma_start3A_513 : memref<1x125x64xf32, #tpu.memory_space<vmem>> -> memref<125x64xf32, #tpu.memory_space<vmem>>
        %dma_start3A_515 = arith.constant 0 : i32
        %dma_start3A_516 = tpu.memref_slice %arg8[%add3A_509, %dma_start3A_515] : memref<160x125xi32, #tpu.memory_space<vmem>> -> memref<1x125xi32, #tpu.memory_space<vmem>>
        %dma_start3A_517 = tpu.memref_squeeze %dma_start3A_516 : memref<1x125xi32, #tpu.memory_space<vmem>> -> memref<125xi32, #tpu.memory_space<vmem>>
        %dma_start3A_518 = arith.constant 0 : i32
        %dma_start3A_519 = arith.constant 0 : i32
        %dma_start3A_520 = tpu.memref_slice %arg2[%dma_start3A_518, %dma_start3A_519] : memref<20000x64xf32, #tpu.memory_space<hbm>> -> memref<20000x64xf32, #tpu.memory_space<hbm>>
        tpu.enqueue_indirect_dma source(%dma_start3A_520 : memref<20000x64xf32, #tpu.memory_space<hbm>>) target(%dma_start3A_514 : memref<125x64xf32, #tpu.memory_space<vmem>>) offsets(%dma_start3A_517 : memref<125xi32, #tpu.memory_space<vmem>>) semaphore(%arg15 : memref<!tpu.dma_semaphore, #tpu.memory_space<semaphore_mem>>)
      } else {
      }
      %mul3A_464 = arith.constant 5 : i32
      %mul3A_465 = arith.muli %scan3A_270, %mul3A_464 : i32
      %add3A_466 = arith.constant 3 : i32
      %add3A_467 = arith.addi %mul3A_465, %add3A_466 : i32
      %dma_wait3A_468 = arith.constant 3 : i32
      %dma_wait3A_469 = arith.constant 0 : i32
      %dma_wait3A_470 = arith.constant 0 : i32
      %dma_wait3A_471 = tpu.memref_slice %arg10[%dma_wait3A_468, %dma_wait3A_469, %dma_wait3A_470] : memref<5x125x64xf32, #tpu.memory_space<vmem>> -> memref<1x125x64xf32, #tpu.memory_space<vmem>>
      %dma_wait3A_472 = tpu.memref_squeeze %dma_wait3A_471 : memref<1x125x64xf32, #tpu.memory_space<vmem>> -> memref<125x64xf32, #tpu.memory_space<vmem>>
      %dma_wait3A_473 = arith.constant 0 : i32
      %dma_wait3A_474 = tpu.memref_slice %arg9[%add3A_467, %dma_wait3A_473] : memref<160x125xi32, #tpu.memory_space<vmem>> -> memref<1x125xi32, #tpu.memory_space<vmem>>
      %dma_wait3A_475 = tpu.memref_squeeze %dma_wait3A_474 : memref<1x125xi32, #tpu.memory_space<vmem>> -> memref<125xi32, #tpu.memory_space<vmem>>
      %dma_wait3A_476 = arith.constant 0 : i32
      %dma_wait3A_477 = arith.constant 0 : i32
      %dma_wait3A_478 = tpu.memref_slice %arg12[%dma_wait3A_476, %dma_wait3A_477] : memref<10000x64xf32, #tpu.memory_space<vmem_shared>> -> memref<10000x64xf32, #tpu.memory_space<vmem_shared>>
      tpu.wait_indirect_dma semaphore(%arg21 : memref<!tpu.dma_semaphore, #tpu.memory_space<semaphore_mem>>) src(%dma_wait3A_472 : memref<125x64xf32, #tpu.memory_space<vmem>>) dst(%dma_wait3A_478 : memref<10000x64xf32, #tpu.memory_space<vmem_shared>>)
      %add3A_479 = arith.constant 1 : i32
      %add3A_480 = arith.addi %scan3A_270, %add3A_479 : i32
      %lt3A_481 = arith.constant 32 : i32
      %lt3A_482 = arith.cmpi slt, %add3A_480, %lt3A_481 : i32
      %convert_element_type3A_483 = arith.extui %lt3A_482 : i1 to i32
      %cond3A_484 = arith.constant 0 : i32
      %cond3A_485 = arith.cmpi ne, %convert_element_type3A_483, %cond3A_484 : i32
      scf.if %cond3A_485 {
        %add3A_508 = arith.constant 5 : i32
        %add3A_509 = arith.addi %add3A_467, %add3A_508 : i32
        %dma_start3A_510 = arith.constant 3 : i32
        %dma_start3A_511 = arith.constant 0 : i32
        %dma_start3A_512 = arith.constant 0 : i32
        %dma_start3A_513 = tpu.memref_slice %arg10[%dma_start3A_510, %dma_start3A_511, %dma_start3A_512] : memref<5x125x64xf32, #tpu.memory_space<vmem>> -> memref<1x125x64xf32, #tpu.memory_space<vmem>>
        %dma_start3A_514 = tpu.memref_squeeze %dma_start3A_513 : memref<1x125x64xf32, #tpu.memory_space<vmem>> -> memref<125x64xf32, #tpu.memory_space<vmem>>
        %dma_start3A_515 = arith.constant 0 : i32
        %dma_start3A_516 = tpu.memref_slice %arg8[%add3A_509, %dma_start3A_515] : memref<160x125xi32, #tpu.memory_space<vmem>> -> memref<1x125xi32, #tpu.memory_space<vmem>>
        %dma_start3A_517 = tpu.memref_squeeze %dma_start3A_516 : memref<1x125xi32, #tpu.memory_space<vmem>> -> memref<125xi32, #tpu.memory_space<vmem>>
        %dma_start3A_518 = arith.constant 0 : i32
        %dma_start3A_519 = arith.constant 0 : i32
        %dma_start3A_520 = tpu.memref_slice %arg2[%dma_start3A_518, %dma_start3A_519] : memref<20000x64xf32, #tpu.memory_space<hbm>> -> memref<20000x64xf32, #tpu.memory_space<hbm>>
        tpu.enqueue_indirect_dma source(%dma_start3A_520 : memref<20000x64xf32, #tpu.memory_space<hbm>>) target(%dma_start3A_514 : memref<125x64xf32, #tpu.memory_space<vmem>>) offsets(%dma_start3A_517 : memref<125xi32, #tpu.memory_space<vmem>>) semaphore(%arg16 : memref<!tpu.dma_semaphore, #tpu.memory_space<semaphore_mem>>)
      } else {
      }
      %mul3A_486 = arith.constant 5 : i32
      %mul3A_487 = arith.muli %scan3A_270, %mul3A_486 : i32
      %add3A_488 = arith.constant 4 : i32
      %add3A_489 = arith.addi %mul3A_487, %add3A_488 : i32
      %dma_wait3A_490 = arith.constant 4 : i32
      %dma_wait3A_491 = arith.constant 0 : i32
      %dma_wait3A_492 = arith.constant 0 : i32
      %dma_wait3A_493 = tpu.memref_slice %arg10[%dma_wait3A_490, %dma_wait3A_491, %dma_wait3A_492] : memref<5x125x64xf32, #tpu.memory_space<vmem>> -> memref<1x125x64xf32, #tpu.memory_space<vmem>>
      %dma_wait3A_494 = tpu.memref_squeeze %dma_wait3A_493 : memref<1x125x64xf32, #tpu.memory_space<vmem>> -> memref<125x64xf32, #tpu.memory_space<vmem>>
      %dma_wait3A_495 = arith.constant 0 : i32
      %dma_wait3A_496 = tpu.memref_slice %arg9[%add3A_489, %dma_wait3A_495] : memref<160x125xi32, #tpu.memory_space<vmem>> -> memref<1x125xi32, #tpu.memory_space<vmem>>
      %dma_wait3A_497 = tpu.memref_squeeze %dma_wait3A_496 : memref<1x125xi32, #tpu.memory_space<vmem>> -> memref<125xi32, #tpu.memory_space<vmem>>
      %dma_wait3A_498 = arith.constant 0 : i32
      %dma_wait3A_499 = arith.constant 0 : i32
      %dma_wait3A_500 = tpu.memref_slice %arg12[%dma_wait3A_498, %dma_wait3A_499] : memref<10000x64xf32, #tpu.memory_space<vmem_shared>> -> memref<10000x64xf32, #tpu.memory_space<vmem_shared>>
      tpu.wait_indirect_dma semaphore(%arg22 : memref<!tpu.dma_semaphore, #tpu.memory_space<semaphore_mem>>) src(%dma_wait3A_494 : memref<125x64xf32, #tpu.memory_space<vmem>>) dst(%dma_wait3A_500 : memref<10000x64xf32, #tpu.memory_space<vmem_shared>>)
      %add3A_501 = arith.constant 1 : i32
      %add3A_502 = arith.addi %scan3A_270, %add3A_501 : i32
      %lt3A_503 = arith.constant 32 : i32
      %lt3A_504 = arith.cmpi slt, %add3A_502, %lt3A_503 : i32
      %convert_element_type3A_505 = arith.extui %lt3A_504 : i1 to i32
      %cond3A_506 = arith.constant 0 : i32
      %cond3A_507 = arith.cmpi ne, %convert_element_type3A_505, %cond3A_506 : i32
      scf.if %cond3A_507 {
        %add3A_508 = arith.constant 5 : i32
        %add3A_509 = arith.addi %add3A_489, %add3A_508 : i32
        %dma_start3A_510 = arith.constant 4 : i32
        %dma_start3A_511 = arith.constant 0 : i32
        %dma_start3A_512 = arith.constant 0 : i32
        %dma_start3A_513 = tpu.memref_slice %arg10[%dma_start3A_510, %dma_start3A_511, %dma_start3A_512] : memref<5x125x64xf32, #tpu.memory_space<vmem>> -> memref<1x125x64xf32, #tpu.memory_space<vmem>>
        %dma_start3A_514 = tpu.memref_squeeze %dma_start3A_513 : memref<1x125x64xf32, #tpu.memory_space<vmem>> -> memref<125x64xf32, #tpu.memory_space<vmem>>
        %dma_start3A_515 = arith.constant 0 : i32
        %dma_start3A_516 = tpu.memref_slice %arg8[%add3A_509, %dma_start3A_515] : memref<160x125xi32, #tpu.memory_space<vmem>> -> memref<1x125xi32, #tpu.memory_space<vmem>>
        %dma_start3A_517 = tpu.memref_squeeze %dma_start3A_516 : memref<1x125xi32, #tpu.memory_space<vmem>> -> memref<125xi32, #tpu.memory_space<vmem>>
        %dma_start3A_518 = arith.constant 0 : i32
        %dma_start3A_519 = arith.constant 0 : i32
        %dma_start3A_520 = tpu.memref_slice %arg2[%dma_start3A_518, %dma_start3A_519] : memref<20000x64xf32, #tpu.memory_space<hbm>> -> memref<20000x64xf32, #tpu.memory_space<hbm>>
        tpu.enqueue_indirect_dma source(%dma_start3A_520 : memref<20000x64xf32, #tpu.memory_space<hbm>>) target(%dma_start3A_514 : memref<125x64xf32, #tpu.memory_space<vmem>>) offsets(%dma_start3A_517 : memref<125xi32, #tpu.memory_space<vmem>>) semaphore(%arg17 : memref<!tpu.dma_semaphore, #tpu.memory_space<semaphore_mem>>)
      } else {
      }
    }
    %scan3A_125 = arith.constant 32 : i32
    %barrier3A_126 = arith.constant 0 : index
    tpu.barrier barrier_id(%barrier3A_126)
    %mul3A_127 = arith.constant 625 : i32
    %mul3A_128 = arith.muli %arg1, %mul3A_127 : i32
    %add3A = arith.constant 0 : i32
    %add3A_129 = arith.addi %mul3A_128, %add3A : i32
    %run_scoped3A = arith.constant 0 : i32
    "tpu.region"() ({
      %run_scoped3A_270 = tpu.sem_alloc : memref<!tpu.dma_semaphore, #tpu.memory_space<semaphore_mem>>
      %dma_start3A_271 = arith.constant 0 : i32
      %dma_start3A_272 = arith.constant 0 : i32
      %dma_start3A_273 = tpu.memref_slice %arg10[%run_scoped3A, %dma_start3A_271, %dma_start3A_272] : memref<5x125x64xf32, #tpu.memory_space<vmem>> -> memref<1x125x64xf32, #tpu.memory_space<vmem>>
      %dma_start3A_274 = tpu.memref_squeeze %dma_start3A_273 : memref<1x125x64xf32, #tpu.memory_space<vmem>> -> memref<125x64xf32, #tpu.memory_space<vmem>>
      %dma_start3A_275 = arith.constant 0 : i32
      %dma_start3A_276 = tpu.memref_slice %arg12[%add3A_129, %dma_start3A_275] : memref<10000x64xf32, #tpu.memory_space<vmem_shared>> -> memref<125x64xf32, #tpu.memory_space<vmem_shared>>
      %dma_start3A_277 = arith.constant 0 : i32
      %dma_start3A_278 = arith.constant 0 : i32
      %dma_start3A_279 = tpu.memref_slice %arg10[%run_scoped3A, %dma_start3A_277, %dma_start3A_278] : memref<5x125x64xf32, #tpu.memory_space<vmem>> -> memref<1x125x64xf32, #tpu.memory_space<vmem>>
      %dma_start3A_280 = tpu.memref_squeeze %dma_start3A_279 : memref<1x125x64xf32, #tpu.memory_space<vmem>> -> memref<125x64xf32, #tpu.memory_space<vmem>>
      %dma_start3A_281 = arith.constant 0 : i32
      %dma_start3A_282 = tpu.memref_slice %arg12[%add3A_129, %dma_start3A_281] : memref<10000x64xf32, #tpu.memory_space<vmem_shared>> -> memref<125x64xf32, #tpu.memory_space<vmem_shared>>
      tpu.enqueue_dma source(%dma_start3A_282 : memref<125x64xf32, #tpu.memory_space<vmem_shared>>) target(%dma_start3A_280 : memref<125x64xf32, #tpu.memory_space<vmem>>) target_semaphore(%run_scoped3A_270 : memref<!tpu.dma_semaphore, #tpu.memory_space<semaphore_mem>>)
      %dma_wait3A_283 = arith.constant 0 : i32
      %dma_wait3A_284 = arith.constant 0 : i32
      %dma_wait3A_285 = tpu.memref_slice %arg10[%run_scoped3A, %dma_wait3A_283, %dma_wait3A_284] : memref<5x125x64xf32, #tpu.memory_space<vmem>> -> memref<1x125x64xf32, #tpu.memory_space<vmem>>
      %dma_wait3A_286 = tpu.memref_squeeze %dma_wait3A_285 : memref<1x125x64xf32, #tpu.memory_space<vmem>> -> memref<125x64xf32, #tpu.memory_space<vmem>>
      %dma_wait3A_287 = arith.constant 0 : i32
      %dma_wait3A_288 = tpu.memref_slice %arg12[%add3A_129, %dma_wait3A_287] : memref<10000x64xf32, #tpu.memory_space<vmem_shared>> -> memref<125x64xf32, #tpu.memory_space<vmem_shared>>
      %dma_wait3A_289 = arith.constant 0 : i32
      %dma_wait3A_290 = arith.constant 0 : i32
      %dma_wait3A_291 = tpu.memref_slice %arg10[%run_scoped3A, %dma_wait3A_289, %dma_wait3A_290] : memref<5x125x64xf32, #tpu.memory_space<vmem>> -> memref<1x125x64xf32, #tpu.memory_space<vmem>>
      %dma_wait3A_292 = tpu.memref_squeeze %dma_wait3A_291 : memref<1x125x64xf32, #tpu.memory_space<vmem>> -> memref<125x64xf32, #tpu.memory_space<vmem>>
      %dma_wait3A_293 = arith.constant 0 : i32
      %dma_wait3A_294 = tpu.memref_slice %arg12[%add3A_129, %dma_wait3A_293] : memref<10000x64xf32, #tpu.memory_space<vmem_shared>> -> memref<125x64xf32, #tpu.memory_space<vmem_shared>>
      tpu.wait_dma2 semaphore(%run_scoped3A_270 : memref<!tpu.dma_semaphore, #tpu.memory_space<semaphore_mem>>) src(%dma_wait3A_294 : memref<125x64xf32, #tpu.memory_space<vmem_shared>>) dst(%dma_wait3A_292 : memref<125x64xf32, #tpu.memory_space<vmem>>)
      tpu.yield
    }) : () -> ()
    %dma_start3A_130 = arith.constant 0 : i32
    %dma_start3A_131 = arith.constant 0 : i32
    %dma_start3A_132 = arith.constant 0 : i32
    %dma_start3A_133 = arith.constant 0 : i32
    %dma_start3A_134 = tpu.memref_slice %arg10[%dma_start3A_130, %dma_start3A_132, %dma_start3A_133] : memref<5x125x64xf32, #tpu.memory_space<vmem>> -> memref<1x125x64xf32, #tpu.memory_space<vmem>>
    %dma_start3A_135 = tpu.memref_squeeze %dma_start3A_134 : memref<1x125x64xf32, #tpu.memory_space<vmem>> -> memref<125x64xf32, #tpu.memory_space<vmem>>
    %dma_start3A_136 = arith.constant 0 : i32
    %dma_start3A_137 = tpu.memref_slice %arg11[%dma_start3A_131, %dma_start3A_136] : memref<5x125xi32, #tpu.memory_space<vmem>> -> memref<1x125xi32, #tpu.memory_space<vmem>>
    %dma_start3A_138 = tpu.memref_squeeze %dma_start3A_137 : memref<1x125xi32, #tpu.memory_space<vmem>> -> memref<125xi32, #tpu.memory_space<vmem>>
    %dma_start3A_139 = arith.constant 0 : i32
    %dma_start3A_140 = arith.constant 0 : i32
    %dma_start3A_141 = tpu.memref_slice %arg7[%dma_start3A_139, %dma_start3A_140] : memref<20000x64xf32, #tpu.memory_space<hbm>> -> memref<20000x64xf32, #tpu.memory_space<hbm>>
    tpu.enqueue_indirect_dma source(%dma_start3A_135 : memref<125x64xf32, #tpu.memory_space<vmem>>) target(%dma_start3A_141 : memref<20000x64xf32, #tpu.memory_space<hbm>>) offsets(%dma_start3A_138 : memref<125xi32, #tpu.memory_space<vmem>>) semaphore(%arg13 : memref<!tpu.dma_semaphore, #tpu.memory_space<semaphore_mem>>)
    %mul3A_142 = arith.constant 625 : i32
    %mul3A_143 = arith.muli %arg1, %mul3A_142 : i32
    %add3A_144 = arith.constant 125 : i32
    %add3A_145 = arith.addi %mul3A_143, %add3A_144 : i32
    %run_scoped3A_146 = arith.constant 1 : i32
    "tpu.region"() ({
      %run_scoped3A_270 = tpu.sem_alloc : memref<!tpu.dma_semaphore, #tpu.memory_space<semaphore_mem>>
      %dma_start3A_271 = arith.constant 0 : i32
      %dma_start3A_272 = arith.constant 0 : i32
      %dma_start3A_273 = tpu.memref_slice %arg10[%run_scoped3A_146, %dma_start3A_271, %dma_start3A_272] : memref<5x125x64xf32, #tpu.memory_space<vmem>> -> memref<1x125x64xf32, #tpu.memory_space<vmem>>
      %dma_start3A_274 = tpu.memref_squeeze %dma_start3A_273 : memref<1x125x64xf32, #tpu.memory_space<vmem>> -> memref<125x64xf32, #tpu.memory_space<vmem>>
      %dma_start3A_275 = arith.constant 0 : i32
      %dma_start3A_276 = tpu.memref_slice %arg12[%add3A_145, %dma_start3A_275] : memref<10000x64xf32, #tpu.memory_space<vmem_shared>> -> memref<125x64xf32, #tpu.memory_space<vmem_shared>>
      %dma_start3A_277 = arith.constant 0 : i32
      %dma_start3A_278 = arith.constant 0 : i32
      %dma_start3A_279 = tpu.memref_slice %arg10[%run_scoped3A_146, %dma_start3A_277, %dma_start3A_278] : memref<5x125x64xf32, #tpu.memory_space<vmem>> -> memref<1x125x64xf32, #tpu.memory_space<vmem>>
      %dma_start3A_280 = tpu.memref_squeeze %dma_start3A_279 : memref<1x125x64xf32, #tpu.memory_space<vmem>> -> memref<125x64xf32, #tpu.memory_space<vmem>>
      %dma_start3A_281 = arith.constant 0 : i32
      %dma_start3A_282 = tpu.memref_slice %arg12[%add3A_145, %dma_start3A_281] : memref<10000x64xf32, #tpu.memory_space<vmem_shared>> -> memref<125x64xf32, #tpu.memory_space<vmem_shared>>
      tpu.enqueue_dma source(%dma_start3A_282 : memref<125x64xf32, #tpu.memory_space<vmem_shared>>) target(%dma_start3A_280 : memref<125x64xf32, #tpu.memory_space<vmem>>) target_semaphore(%run_scoped3A_270 : memref<!tpu.dma_semaphore, #tpu.memory_space<semaphore_mem>>)
      %dma_wait3A_283 = arith.constant 0 : i32
      %dma_wait3A_284 = arith.constant 0 : i32
      %dma_wait3A_285 = tpu.memref_slice %arg10[%run_scoped3A_146, %dma_wait3A_283, %dma_wait3A_284] : memref<5x125x64xf32, #tpu.memory_space<vmem>> -> memref<1x125x64xf32, #tpu.memory_space<vmem>>
      %dma_wait3A_286 = tpu.memref_squeeze %dma_wait3A_285 : memref<1x125x64xf32, #tpu.memory_space<vmem>> -> memref<125x64xf32, #tpu.memory_space<vmem>>
      %dma_wait3A_287 = arith.constant 0 : i32
      %dma_wait3A_288 = tpu.memref_slice %arg12[%add3A_145, %dma_wait3A_287] : memref<10000x64xf32, #tpu.memory_space<vmem_shared>> -> memref<125x64xf32, #tpu.memory_space<vmem_shared>>
      %dma_wait3A_289 = arith.constant 0 : i32
      %dma_wait3A_290 = arith.constant 0 : i32
      %dma_wait3A_291 = tpu.memref_slice %arg10[%run_scoped3A_146, %dma_wait3A_289, %dma_wait3A_290] : memref<5x125x64xf32, #tpu.memory_space<vmem>> -> memref<1x125x64xf32, #tpu.memory_space<vmem>>
      %dma_wait3A_292 = tpu.memref_squeeze %dma_wait3A_291 : memref<1x125x64xf32, #tpu.memory_space<vmem>> -> memref<125x64xf32, #tpu.memory_space<vmem>>
      %dma_wait3A_293 = arith.constant 0 : i32
      %dma_wait3A_294 = tpu.memref_slice %arg12[%add3A_145, %dma_wait3A_293] : memref<10000x64xf32, #tpu.memory_space<vmem_shared>> -> memref<125x64xf32, #tpu.memory_space<vmem_shared>>
      tpu.wait_dma2 semaphore(%run_scoped3A_270 : memref<!tpu.dma_semaphore, #tpu.memory_space<semaphore_mem>>) src(%dma_wait3A_294 : memref<125x64xf32, #tpu.memory_space<vmem_shared>>) dst(%dma_wait3A_292 : memref<125x64xf32, #tpu.memory_space<vmem>>)
      tpu.yield
    }) : () -> ()
    %dma_start3A_147 = arith.constant 1 : i32
    %dma_start3A_148 = arith.constant 1 : i32
    %dma_start3A_149 = arith.constant 0 : i32
    %dma_start3A_150 = arith.constant 0 : i32
    %dma_start3A_151 = tpu.memref_slice %arg10[%dma_start3A_147, %dma_start3A_149, %dma_start3A_150] : memref<5x125x64xf32, #tpu.memory_space<vmem>> -> memref<1x125x64xf32, #tpu.memory_space<vmem>>
    %dma_start3A_152 = tpu.memref_squeeze %dma_start3A_151 : memref<1x125x64xf32, #tpu.memory_space<vmem>> -> memref<125x64xf32, #tpu.memory_space<vmem>>
    %dma_start3A_153 = arith.constant 0 : i32
    %dma_start3A_154 = tpu.memref_slice %arg11[%dma_start3A_148, %dma_start3A_153] : memref<5x125xi32, #tpu.memory_space<vmem>> -> memref<1x125xi32, #tpu.memory_space<vmem>>
    %dma_start3A_155 = tpu.memref_squeeze %dma_start3A_154 : memref<1x125xi32, #tpu.memory_space<vmem>> -> memref<125xi32, #tpu.memory_space<vmem>>
    %dma_start3A_156 = arith.constant 0 : i32
    %dma_start3A_157 = arith.constant 0 : i32
    %dma_start3A_158 = tpu.memref_slice %arg7[%dma_start3A_156, %dma_start3A_157] : memref<20000x64xf32, #tpu.memory_space<hbm>> -> memref<20000x64xf32, #tpu.memory_space<hbm>>
    tpu.enqueue_indirect_dma source(%dma_start3A_152 : memref<125x64xf32, #tpu.memory_space<vmem>>) target(%dma_start3A_158 : memref<20000x64xf32, #tpu.memory_space<hbm>>) offsets(%dma_start3A_155 : memref<125xi32, #tpu.memory_space<vmem>>) semaphore(%arg14 : memref<!tpu.dma_semaphore, #tpu.memory_space<semaphore_mem>>)
    %mul3A_159 = arith.constant 625 : i32
    %mul3A_160 = arith.muli %arg1, %mul3A_159 : i32
    %add3A_161 = arith.constant 250 : i32
    %add3A_162 = arith.addi %mul3A_160, %add3A_161 : i32
    %run_scoped3A_163 = arith.constant 2 : i32
    "tpu.region"() ({
      %run_scoped3A_270 = tpu.sem_alloc : memref<!tpu.dma_semaphore, #tpu.memory_space<semaphore_mem>>
      %dma_start3A_271 = arith.constant 0 : i32
      %dma_start3A_272 = arith.constant 0 : i32
      %dma_start3A_273 = tpu.memref_slice %arg10[%run_scoped3A_163, %dma_start3A_271, %dma_start3A_272] : memref<5x125x64xf32, #tpu.memory_space<vmem>> -> memref<1x125x64xf32, #tpu.memory_space<vmem>>
      %dma_start3A_274 = tpu.memref_squeeze %dma_start3A_273 : memref<1x125x64xf32, #tpu.memory_space<vmem>> -> memref<125x64xf32, #tpu.memory_space<vmem>>
      %dma_start3A_275 = arith.constant 0 : i32
      %dma_start3A_276 = tpu.memref_slice %arg12[%add3A_162, %dma_start3A_275] : memref<10000x64xf32, #tpu.memory_space<vmem_shared>> -> memref<125x64xf32, #tpu.memory_space<vmem_shared>>
      %dma_start3A_277 = arith.constant 0 : i32
      %dma_start3A_278 = arith.constant 0 : i32
      %dma_start3A_279 = tpu.memref_slice %arg10[%run_scoped3A_163, %dma_start3A_277, %dma_start3A_278] : memref<5x125x64xf32, #tpu.memory_space<vmem>> -> memref<1x125x64xf32, #tpu.memory_space<vmem>>
      %dma_start3A_280 = tpu.memref_squeeze %dma_start3A_279 : memref<1x125x64xf32, #tpu.memory_space<vmem>> -> memref<125x64xf32, #tpu.memory_space<vmem>>
      %dma_start3A_281 = arith.constant 0 : i32
      %dma_start3A_282 = tpu.memref_slice %arg12[%add3A_162, %dma_start3A_281] : memref<10000x64xf32, #tpu.memory_space<vmem_shared>> -> memref<125x64xf32, #tpu.memory_space<vmem_shared>>
      tpu.enqueue_dma source(%dma_start3A_282 : memref<125x64xf32, #tpu.memory_space<vmem_shared>>) target(%dma_start3A_280 : memref<125x64xf32, #tpu.memory_space<vmem>>) target_semaphore(%run_scoped3A_270 : memref<!tpu.dma_semaphore, #tpu.memory_space<semaphore_mem>>)
      %dma_wait3A_283 = arith.constant 0 : i32
      %dma_wait3A_284 = arith.constant 0 : i32
      %dma_wait3A_285 = tpu.memref_slice %arg10[%run_scoped3A_163, %dma_wait3A_283, %dma_wait3A_284] : memref<5x125x64xf32, #tpu.memory_space<vmem>> -> memref<1x125x64xf32, #tpu.memory_space<vmem>>
      %dma_wait3A_286 = tpu.memref_squeeze %dma_wait3A_285 : memref<1x125x64xf32, #tpu.memory_space<vmem>> -> memref<125x64xf32, #tpu.memory_space<vmem>>
      %dma_wait3A_287 = arith.constant 0 : i32
      %dma_wait3A_288 = tpu.memref_slice %arg12[%add3A_162, %dma_wait3A_287] : memref<10000x64xf32, #tpu.memory_space<vmem_shared>> -> memref<125x64xf32, #tpu.memory_space<vmem_shared>>
      %dma_wait3A_289 = arith.constant 0 : i32
      %dma_wait3A_290 = arith.constant 0 : i32
      %dma_wait3A_291 = tpu.memref_slice %arg10[%run_scoped3A_163, %dma_wait3A_289, %dma_wait3A_290] : memref<5x125x64xf32, #tpu.memory_space<vmem>> -> memref<1x125x64xf32, #tpu.memory_space<vmem>>
      %dma_wait3A_292 = tpu.memref_squeeze %dma_wait3A_291 : memref<1x125x64xf32, #tpu.memory_space<vmem>> -> memref<125x64xf32, #tpu.memory_space<vmem>>
      %dma_wait3A_293 = arith.constant 0 : i32
      %dma_wait3A_294 = tpu.memref_slice %arg12[%add3A_162, %dma_wait3A_293] : memref<10000x64xf32, #tpu.memory_space<vmem_shared>> -> memref<125x64xf32, #tpu.memory_space<vmem_shared>>
      tpu.wait_dma2 semaphore(%run_scoped3A_270 : memref<!tpu.dma_semaphore, #tpu.memory_space<semaphore_mem>>) src(%dma_wait3A_294 : memref<125x64xf32, #tpu.memory_space<vmem_shared>>) dst(%dma_wait3A_292 : memref<125x64xf32, #tpu.memory_space<vmem>>)
      tpu.yield
    }) : () -> ()
    %dma_start3A_164 = arith.constant 2 : i32
    %dma_start3A_165 = arith.constant 2 : i32
    %dma_start3A_166 = arith.constant 0 : i32
    %dma_start3A_167 = arith.constant 0 : i32
    %dma_start3A_168 = tpu.memref_slice %arg10[%dma_start3A_164, %dma_start3A_166, %dma_start3A_167] : memref<5x125x64xf32, #tpu.memory_space<vmem>> -> memref<1x125x64xf32, #tpu.memory_space<vmem>>
    %dma_start3A_169 = tpu.memref_squeeze %dma_start3A_168 : memref<1x125x64xf32, #tpu.memory_space<vmem>> -> memref<125x64xf32, #tpu.memory_space<vmem>>
    %dma_start3A_170 = arith.constant 0 : i32
    %dma_start3A_171 = tpu.memref_slice %arg11[%dma_start3A_165, %dma_start3A_170] : memref<5x125xi32, #tpu.memory_space<vmem>> -> memref<1x125xi32, #tpu.memory_space<vmem>>
    %dma_start3A_172 = tpu.memref_squeeze %dma_start3A_171 : memref<1x125xi32, #tpu.memory_space<vmem>> -> memref<125xi32, #tpu.memory_space<vmem>>
    %dma_start3A_173 = arith.constant 0 : i32
    %dma_start3A_174 = arith.constant 0 : i32
    %dma_start3A_175 = tpu.memref_slice %arg7[%dma_start3A_173, %dma_start3A_174] : memref<20000x64xf32, #tpu.memory_space<hbm>> -> memref<20000x64xf32, #tpu.memory_space<hbm>>
    tpu.enqueue_indirect_dma source(%dma_start3A_169 : memref<125x64xf32, #tpu.memory_space<vmem>>) target(%dma_start3A_175 : memref<20000x64xf32, #tpu.memory_space<hbm>>) offsets(%dma_start3A_172 : memref<125xi32, #tpu.memory_space<vmem>>) semaphore(%arg15 : memref<!tpu.dma_semaphore, #tpu.memory_space<semaphore_mem>>)
    %mul3A_176 = arith.constant 625 : i32
    %mul3A_177 = arith.muli %arg1, %mul3A_176 : i32
    %add3A_178 = arith.constant 375 : i32
    %add3A_179 = arith.addi %mul3A_177, %add3A_178 : i32
    %run_scoped3A_180 = arith.constant 3 : i32
    "tpu.region"() ({
      %run_scoped3A_270 = tpu.sem_alloc : memref<!tpu.dma_semaphore, #tpu.memory_space<semaphore_mem>>
      %dma_start3A_271 = arith.constant 0 : i32
      %dma_start3A_272 = arith.constant 0 : i32
      %dma_start3A_273 = tpu.memref_slice %arg10[%run_scoped3A_180, %dma_start3A_271, %dma_start3A_272] : memref<5x125x64xf32, #tpu.memory_space<vmem>> -> memref<1x125x64xf32, #tpu.memory_space<vmem>>
      %dma_start3A_274 = tpu.memref_squeeze %dma_start3A_273 : memref<1x125x64xf32, #tpu.memory_space<vmem>> -> memref<125x64xf32, #tpu.memory_space<vmem>>
      %dma_start3A_275 = arith.constant 0 : i32
      %dma_start3A_276 = tpu.memref_slice %arg12[%add3A_179, %dma_start3A_275] : memref<10000x64xf32, #tpu.memory_space<vmem_shared>> -> memref<125x64xf32, #tpu.memory_space<vmem_shared>>
      %dma_start3A_277 = arith.constant 0 : i32
      %dma_start3A_278 = arith.constant 0 : i32
      %dma_start3A_279 = tpu.memref_slice %arg10[%run_scoped3A_180, %dma_start3A_277, %dma_start3A_278] : memref<5x125x64xf32, #tpu.memory_space<vmem>> -> memref<1x125x64xf32, #tpu.memory_space<vmem>>
      %dma_start3A_280 = tpu.memref_squeeze %dma_start3A_279 : memref<1x125x64xf32, #tpu.memory_space<vmem>> -> memref<125x64xf32, #tpu.memory_space<vmem>>
      %dma_start3A_281 = arith.constant 0 : i32
      %dma_start3A_282 = tpu.memref_slice %arg12[%add3A_179, %dma_start3A_281] : memref<10000x64xf32, #tpu.memory_space<vmem_shared>> -> memref<125x64xf32, #tpu.memory_space<vmem_shared>>
      tpu.enqueue_dma source(%dma_start3A_282 : memref<125x64xf32, #tpu.memory_space<vmem_shared>>) target(%dma_start3A_280 : memref<125x64xf32, #tpu.memory_space<vmem>>) target_semaphore(%run_scoped3A_270 : memref<!tpu.dma_semaphore, #tpu.memory_space<semaphore_mem>>)
      %dma_wait3A_283 = arith.constant 0 : i32
      %dma_wait3A_284 = arith.constant 0 : i32
      %dma_wait3A_285 = tpu.memref_slice %arg10[%run_scoped3A_180, %dma_wait3A_283, %dma_wait3A_284] : memref<5x125x64xf32, #tpu.memory_space<vmem>> -> memref<1x125x64xf32, #tpu.memory_space<vmem>>
      %dma_wait3A_286 = tpu.memref_squeeze %dma_wait3A_285 : memref<1x125x64xf32, #tpu.memory_space<vmem>> -> memref<125x64xf32, #tpu.memory_space<vmem>>
      %dma_wait3A_287 = arith.constant 0 : i32
      %dma_wait3A_288 = tpu.memref_slice %arg12[%add3A_179, %dma_wait3A_287] : memref<10000x64xf32, #tpu.memory_space<vmem_shared>> -> memref<125x64xf32, #tpu.memory_space<vmem_shared>>
      %dma_wait3A_289 = arith.constant 0 : i32
      %dma_wait3A_290 = arith.constant 0 : i32
      %dma_wait3A_291 = tpu.memref_slice %arg10[%run_scoped3A_180, %dma_wait3A_289, %dma_wait3A_290] : memref<5x125x64xf32, #tpu.memory_space<vmem>> -> memref<1x125x64xf32, #tpu.memory_space<vmem>>
      %dma_wait3A_292 = tpu.memref_squeeze %dma_wait3A_291 : memref<1x125x64xf32, #tpu.memory_space<vmem>> -> memref<125x64xf32, #tpu.memory_space<vmem>>
      %dma_wait3A_293 = arith.constant 0 : i32
      %dma_wait3A_294 = tpu.memref_slice %arg12[%add3A_179, %dma_wait3A_293] : memref<10000x64xf32, #tpu.memory_space<vmem_shared>> -> memref<125x64xf32, #tpu.memory_space<vmem_shared>>
      tpu.wait_dma2 semaphore(%run_scoped3A_270 : memref<!tpu.dma_semaphore, #tpu.memory_space<semaphore_mem>>) src(%dma_wait3A_294 : memref<125x64xf32, #tpu.memory_space<vmem_shared>>) dst(%dma_wait3A_292 : memref<125x64xf32, #tpu.memory_space<vmem>>)
      tpu.yield
    }) : () -> ()
    %dma_start3A_181 = arith.constant 3 : i32
    %dma_start3A_182 = arith.constant 3 : i32
    %dma_start3A_183 = arith.constant 0 : i32
    %dma_start3A_184 = arith.constant 0 : i32
    %dma_start3A_185 = tpu.memref_slice %arg10[%dma_start3A_181, %dma_start3A_183, %dma_start3A_184] : memref<5x125x64xf32, #tpu.memory_space<vmem>> -> memref<1x125x64xf32, #tpu.memory_space<vmem>>
    %dma_start3A_186 = tpu.memref_squeeze %dma_start3A_185 : memref<1x125x64xf32, #tpu.memory_space<vmem>> -> memref<125x64xf32, #tpu.memory_space<vmem>>
    %dma_start3A_187 = arith.constant 0 : i32
    %dma_start3A_188 = tpu.memref_slice %arg11[%dma_start3A_182, %dma_start3A_187] : memref<5x125xi32, #tpu.memory_space<vmem>> -> memref<1x125xi32, #tpu.memory_space<vmem>>
    %dma_start3A_189 = tpu.memref_squeeze %dma_start3A_188 : memref<1x125xi32, #tpu.memory_space<vmem>> -> memref<125xi32, #tpu.memory_space<vmem>>
    %dma_start3A_190 = arith.constant 0 : i32
    %dma_start3A_191 = arith.constant 0 : i32
    %dma_start3A_192 = tpu.memref_slice %arg7[%dma_start3A_190, %dma_start3A_191] : memref<20000x64xf32, #tpu.memory_space<hbm>> -> memref<20000x64xf32, #tpu.memory_space<hbm>>
    tpu.enqueue_indirect_dma source(%dma_start3A_186 : memref<125x64xf32, #tpu.memory_space<vmem>>) target(%dma_start3A_192 : memref<20000x64xf32, #tpu.memory_space<hbm>>) offsets(%dma_start3A_189 : memref<125xi32, #tpu.memory_space<vmem>>) semaphore(%arg16 : memref<!tpu.dma_semaphore, #tpu.memory_space<semaphore_mem>>)
    %mul3A_193 = arith.constant 625 : i32
    %mul3A_194 = arith.muli %arg1, %mul3A_193 : i32
    %add3A_195 = arith.constant 500 : i32
    %add3A_196 = arith.addi %mul3A_194, %add3A_195 : i32
    %run_scoped3A_197 = arith.constant 4 : i32
    "tpu.region"() ({
      %run_scoped3A_270 = tpu.sem_alloc : memref<!tpu.dma_semaphore, #tpu.memory_space<semaphore_mem>>
      %dma_start3A_271 = arith.constant 0 : i32
      %dma_start3A_272 = arith.constant 0 : i32
      %dma_start3A_273 = tpu.memref_slice %arg10[%run_scoped3A_197, %dma_start3A_271, %dma_start3A_272] : memref<5x125x64xf32, #tpu.memory_space<vmem>> -> memref<1x125x64xf32, #tpu.memory_space<vmem>>
      %dma_start3A_274 = tpu.memref_squeeze %dma_start3A_273 : memref<1x125x64xf32, #tpu.memory_space<vmem>> -> memref<125x64xf32, #tpu.memory_space<vmem>>
      %dma_start3A_275 = arith.constant 0 : i32
      %dma_start3A_276 = tpu.memref_slice %arg12[%add3A_196, %dma_start3A_275] : memref<10000x64xf32, #tpu.memory_space<vmem_shared>> -> memref<125x64xf32, #tpu.memory_space<vmem_shared>>
      %dma_start3A_277 = arith.constant 0 : i32
      %dma_start3A_278 = arith.constant 0 : i32
      %dma_start3A_279 = tpu.memref_slice %arg10[%run_scoped3A_197, %dma_start3A_277, %dma_start3A_278] : memref<5x125x64xf32, #tpu.memory_space<vmem>> -> memref<1x125x64xf32, #tpu.memory_space<vmem>>
      %dma_start3A_280 = tpu.memref_squeeze %dma_start3A_279 : memref<1x125x64xf32, #tpu.memory_space<vmem>> -> memref<125x64xf32, #tpu.memory_space<vmem>>
      %dma_start3A_281 = arith.constant 0 : i32
      %dma_start3A_282 = tpu.memref_slice %arg12[%add3A_196, %dma_start3A_281] : memref<10000x64xf32, #tpu.memory_space<vmem_shared>> -> memref<125x64xf32, #tpu.memory_space<vmem_shared>>
      tpu.enqueue_dma source(%dma_start3A_282 : memref<125x64xf32, #tpu.memory_space<vmem_shared>>) target(%dma_start3A_280 : memref<125x64xf32, #tpu.memory_space<vmem>>) target_semaphore(%run_scoped3A_270 : memref<!tpu.dma_semaphore, #tpu.memory_space<semaphore_mem>>)
      %dma_wait3A_283 = arith.constant 0 : i32
      %dma_wait3A_284 = arith.constant 0 : i32
      %dma_wait3A_285 = tpu.memref_slice %arg10[%run_scoped3A_197, %dma_wait3A_283, %dma_wait3A_284] : memref<5x125x64xf32, #tpu.memory_space<vmem>> -> memref<1x125x64xf32, #tpu.memory_space<vmem>>
      %dma_wait3A_286 = tpu.memref_squeeze %dma_wait3A_285 : memref<1x125x64xf32, #tpu.memory_space<vmem>> -> memref<125x64xf32, #tpu.memory_space<vmem>>
      %dma_wait3A_287 = arith.constant 0 : i32
      %dma_wait3A_288 = tpu.memref_slice %arg12[%add3A_196, %dma_wait3A_287] : memref<10000x64xf32, #tpu.memory_space<vmem_shared>> -> memref<125x64xf32, #tpu.memory_space<vmem_shared>>
      %dma_wait3A_289 = arith.constant 0 : i32
      %dma_wait3A_290 = arith.constant 0 : i32
      %dma_wait3A_291 = tpu.memref_slice %arg10[%run_scoped3A_197, %dma_wait3A_289, %dma_wait3A_290] : memref<5x125x64xf32, #tpu.memory_space<vmem>> -> memref<1x125x64xf32, #tpu.memory_space<vmem>>
      %dma_wait3A_292 = tpu.memref_squeeze %dma_wait3A_291 : memref<1x125x64xf32, #tpu.memory_space<vmem>> -> memref<125x64xf32, #tpu.memory_space<vmem>>
      %dma_wait3A_293 = arith.constant 0 : i32
      %dma_wait3A_294 = tpu.memref_slice %arg12[%add3A_196, %dma_wait3A_293] : memref<10000x64xf32, #tpu.memory_space<vmem_shared>> -> memref<125x64xf32, #tpu.memory_space<vmem_shared>>
      tpu.wait_dma2 semaphore(%run_scoped3A_270 : memref<!tpu.dma_semaphore, #tpu.memory_space<semaphore_mem>>) src(%dma_wait3A_294 : memref<125x64xf32, #tpu.memory_space<vmem_shared>>) dst(%dma_wait3A_292 : memref<125x64xf32, #tpu.memory_space<vmem>>)
      tpu.yield
    }) : () -> ()
    %dma_start3A_198 = arith.constant 4 : i32
    %dma_start3A_199 = arith.constant 4 : i32
    %dma_start3A_200 = arith.constant 0 : i32
    %dma_start3A_201 = arith.constant 0 : i32
    %dma_start3A_202 = tpu.memref_slice %arg10[%dma_start3A_198, %dma_start3A_200, %dma_start3A_201] : memref<5x125x64xf32, #tpu.memory_space<vmem>> -> memref<1x125x64xf32, #tpu.memory_space<vmem>>
    %dma_start3A_203 = tpu.memref_squeeze %dma_start3A_202 : memref<1x125x64xf32, #tpu.memory_space<vmem>> -> memref<125x64xf32, #tpu.memory_space<vmem>>
    %dma_start3A_204 = arith.constant 0 : i32
    %dma_start3A_205 = tpu.memref_slice %arg11[%dma_start3A_199, %dma_start3A_204] : memref<5x125xi32, #tpu.memory_space<vmem>> -> memref<1x125xi32, #tpu.memory_space<vmem>>
    %dma_start3A_206 = tpu.memref_squeeze %dma_start3A_205 : memref<1x125xi32, #tpu.memory_space<vmem>> -> memref<125xi32, #tpu.memory_space<vmem>>
    %dma_start3A_207 = arith.constant 0 : i32
    %dma_start3A_208 = arith.constant 0 : i32
    %dma_start3A_209 = tpu.memref_slice %arg7[%dma_start3A_207, %dma_start3A_208] : memref<20000x64xf32, #tpu.memory_space<hbm>> -> memref<20000x64xf32, #tpu.memory_space<hbm>>
    tpu.enqueue_indirect_dma source(%dma_start3A_203 : memref<125x64xf32, #tpu.memory_space<vmem>>) target(%dma_start3A_209 : memref<20000x64xf32, #tpu.memory_space<hbm>>) offsets(%dma_start3A_206 : memref<125xi32, #tpu.memory_space<vmem>>) semaphore(%arg17 : memref<!tpu.dma_semaphore, #tpu.memory_space<semaphore_mem>>)
    %dma_wait3A_210 = arith.constant 0 : i32
    %dma_wait3A_211 = arith.constant 0 : i32
    %dma_wait3A_212 = arith.constant 0 : i32
    %dma_wait3A_213 = arith.constant 0 : i32
    %dma_wait3A_214 = tpu.memref_slice %arg10[%dma_wait3A_210, %dma_wait3A_212, %dma_wait3A_213] : memref<5x125x64xf32, #tpu.memory_space<vmem>> -> memref<1x125x64xf32, #tpu.memory_space<vmem>>
    %dma_wait3A_215 = tpu.memref_squeeze %dma_wait3A_214 : memref<1x125x64xf32, #tpu.memory_space<vmem>> -> memref<125x64xf32, #tpu.memory_space<vmem>>
    %dma_wait3A_216 = arith.constant 0 : i32
    %dma_wait3A_217 = tpu.memref_slice %arg11[%dma_wait3A_211, %dma_wait3A_216] : memref<5x125xi32, #tpu.memory_space<vmem>> -> memref<1x125xi32, #tpu.memory_space<vmem>>
    %dma_wait3A_218 = tpu.memref_squeeze %dma_wait3A_217 : memref<1x125xi32, #tpu.memory_space<vmem>> -> memref<125xi32, #tpu.memory_space<vmem>>
    %dma_wait3A_219 = arith.constant 0 : i32
    %dma_wait3A_220 = arith.constant 0 : i32
    %dma_wait3A_221 = tpu.memref_slice %arg7[%dma_wait3A_219, %dma_wait3A_220] : memref<20000x64xf32, #tpu.memory_space<hbm>> -> memref<20000x64xf32, #tpu.memory_space<hbm>>
    tpu.wait_indirect_dma semaphore(%arg13 : memref<!tpu.dma_semaphore, #tpu.memory_space<semaphore_mem>>) src(%dma_wait3A_215 : memref<125x64xf32, #tpu.memory_space<vmem>>) dst(%dma_wait3A_221 : memref<20000x64xf32, #tpu.memory_space<hbm>>)
    %dma_wait3A_222 = arith.constant 1 : i32
    %dma_wait3A_223 = arith.constant 1 : i32
    %dma_wait3A_224 = arith.constant 0 : i32
    %dma_wait3A_225 = arith.constant 0 : i32
    %dma_wait3A_226 = tpu.memref_slice %arg10[%dma_wait3A_222, %dma_wait3A_224, %dma_wait3A_225] : memref<5x125x64xf32, #tpu.memory_space<vmem>> -> memref<1x125x64xf32, #tpu.memory_space<vmem>>
    %dma_wait3A_227 = tpu.memref_squeeze %dma_wait3A_226 : memref<1x125x64xf32, #tpu.memory_space<vmem>> -> memref<125x64xf32, #tpu.memory_space<vmem>>
    %dma_wait3A_228 = arith.constant 0 : i32
    %dma_wait3A_229 = tpu.memref_slice %arg11[%dma_wait3A_223, %dma_wait3A_228] : memref<5x125xi32, #tpu.memory_space<vmem>> -> memref<1x125xi32, #tpu.memory_space<vmem>>
    %dma_wait3A_230 = tpu.memref_squeeze %dma_wait3A_229 : memref<1x125xi32, #tpu.memory_space<vmem>> -> memref<125xi32, #tpu.memory_space<vmem>>
    %dma_wait3A_231 = arith.constant 0 : i32
    %dma_wait3A_232 = arith.constant 0 : i32
    %dma_wait3A_233 = tpu.memref_slice %arg7[%dma_wait3A_231, %dma_wait3A_232] : memref<20000x64xf32, #tpu.memory_space<hbm>> -> memref<20000x64xf32, #tpu.memory_space<hbm>>
    tpu.wait_indirect_dma semaphore(%arg14 : memref<!tpu.dma_semaphore, #tpu.memory_space<semaphore_mem>>) src(%dma_wait3A_227 : memref<125x64xf32, #tpu.memory_space<vmem>>) dst(%dma_wait3A_233 : memref<20000x64xf32, #tpu.memory_space<hbm>>)
    %dma_wait3A_234 = arith.constant 2 : i32
    %dma_wait3A_235 = arith.constant 2 : i32
    %dma_wait3A_236 = arith.constant 0 : i32
    %dma_wait3A_237 = arith.constant 0 : i32
    %dma_wait3A_238 = tpu.memref_slice %arg10[%dma_wait3A_234, %dma_wait3A_236, %dma_wait3A_237] : memref<5x125x64xf32, #tpu.memory_space<vmem>> -> memref<1x125x64xf32, #tpu.memory_space<vmem>>
    %dma_wait3A_239 = tpu.memref_squeeze %dma_wait3A_238 : memref<1x125x64xf32, #tpu.memory_space<vmem>> -> memref<125x64xf32, #tpu.memory_space<vmem>>
    %dma_wait3A_240 = arith.constant 0 : i32
    %dma_wait3A_241 = tpu.memref_slice %arg11[%dma_wait3A_235, %dma_wait3A_240] : memref<5x125xi32, #tpu.memory_space<vmem>> -> memref<1x125xi32, #tpu.memory_space<vmem>>
    %dma_wait3A_242 = tpu.memref_squeeze %dma_wait3A_241 : memref<1x125xi32, #tpu.memory_space<vmem>> -> memref<125xi32, #tpu.memory_space<vmem>>
    %dma_wait3A_243 = arith.constant 0 : i32
    %dma_wait3A_244 = arith.constant 0 : i32
    %dma_wait3A_245 = tpu.memref_slice %arg7[%dma_wait3A_243, %dma_wait3A_244] : memref<20000x64xf32, #tpu.memory_space<hbm>> -> memref<20000x64xf32, #tpu.memory_space<hbm>>
    tpu.wait_indirect_dma semaphore(%arg15 : memref<!tpu.dma_semaphore, #tpu.memory_space<semaphore_mem>>) src(%dma_wait3A_239 : memref<125x64xf32, #tpu.memory_space<vmem>>) dst(%dma_wait3A_245 : memref<20000x64xf32, #tpu.memory_space<hbm>>)
    %dma_wait3A_246 = arith.constant 3 : i32
    %dma_wait3A_247 = arith.constant 3 : i32
    %dma_wait3A_248 = arith.constant 0 : i32
    %dma_wait3A_249 = arith.constant 0 : i32
    %dma_wait3A_250 = tpu.memref_slice %arg10[%dma_wait3A_246, %dma_wait3A_248, %dma_wait3A_249] : memref<5x125x64xf32, #tpu.memory_space<vmem>> -> memref<1x125x64xf32, #tpu.memory_space<vmem>>
    %dma_wait3A_251 = tpu.memref_squeeze %dma_wait3A_250 : memref<1x125x64xf32, #tpu.memory_space<vmem>> -> memref<125x64xf32, #tpu.memory_space<vmem>>
    %dma_wait3A_252 = arith.constant 0 : i32
    %dma_wait3A_253 = tpu.memref_slice %arg11[%dma_wait3A_247, %dma_wait3A_252] : memref<5x125xi32, #tpu.memory_space<vmem>> -> memref<1x125xi32, #tpu.memory_space<vmem>>
    %dma_wait3A_254 = tpu.memref_squeeze %dma_wait3A_253 : memref<1x125xi32, #tpu.memory_space<vmem>> -> memref<125xi32, #tpu.memory_space<vmem>>
    %dma_wait3A_255 = arith.constant 0 : i32
    %dma_wait3A_256 = arith.constant 0 : i32
    %dma_wait3A_257 = tpu.memref_slice %arg7[%dma_wait3A_255, %dma_wait3A_256] : memref<20000x64xf32, #tpu.memory_space<hbm>> -> memref<20000x64xf32, #tpu.memory_space<hbm>>
    tpu.wait_indirect_dma semaphore(%arg16 : memref<!tpu.dma_semaphore, #tpu.memory_space<semaphore_mem>>) src(%dma_wait3A_251 : memref<125x64xf32, #tpu.memory_space<vmem>>) dst(%dma_wait3A_257 : memref<20000x64xf32, #tpu.memory_space<hbm>>)
    %dma_wait3A_258 = arith.constant 4 : i32
    %dma_wait3A_259 = arith.constant 4 : i32
    %dma_wait3A_260 = arith.constant 0 : i32
    %dma_wait3A_261 = arith.constant 0 : i32
    %dma_wait3A_262 = tpu.memref_slice %arg10[%dma_wait3A_258, %dma_wait3A_260, %dma_wait3A_261] : memref<5x125x64xf32, #tpu.memory_space<vmem>> -> memref<1x125x64xf32, #tpu.memory_space<vmem>>
    %dma_wait3A_263 = tpu.memref_squeeze %dma_wait3A_262 : memref<1x125x64xf32, #tpu.memory_space<vmem>> -> memref<125x64xf32, #tpu.memory_space<vmem>>
    %dma_wait3A_264 = arith.constant 0 : i32
    %dma_wait3A_265 = tpu.memref_slice %arg11[%dma_wait3A_259, %dma_wait3A_264] : memref<5x125xi32, #tpu.memory_space<vmem>> -> memref<1x125xi32, #tpu.memory_space<vmem>>
    %dma_wait3A_266 = tpu.memref_squeeze %dma_wait3A_265 : memref<1x125xi32, #tpu.memory_space<vmem>> -> memref<125xi32, #tpu.memory_space<vmem>>
    %dma_wait3A_267 = arith.constant 0 : i32
    %dma_wait3A_268 = arith.constant 0 : i32
    %dma_wait3A_269 = tpu.memref_slice %arg7[%dma_wait3A_267, %dma_wait3A_268] : memref<20000x64xf32, #tpu.memory_space<hbm>> -> memref<20000x64xf32, #tpu.memory_space<hbm>>
    tpu.wait_indirect_dma semaphore(%arg17 : memref<!tpu.dma_semaphore, #tpu.memory_space<semaphore_mem>>) src(%dma_wait3A_263 : memref<125x64xf32, #tpu.memory_space<vmem>>) dst(%dma_wait3A_269 : memref<20000x64xf32, #tpu.memory_space<hbm>>)
    return
  }
}

#map = affine_map<(d0, d1) -> (0, 0)>
#map1 = affine_map<(d0, d1) -> (0, 0, 0, 0)>
#map2 = affine_map<(d0, d1) -> (0, 0, 0)>
module attributes {stable_mosaic.version = 14 : i64} {
  func.func @agg_k(%arg0: i32, %arg1: i32, %arg2: memref<20000x64xf32, #tpu.memory_space<hbm>>, %arg3: memref<2x16x160x125xi32, #tpu.memory_space<hbm>>, %arg4: memref<2x16x160x125xi32, #tpu.memory_space<hbm>>, %arg5: memref<2x16x5x125xi32, #tpu.memory_space<hbm>>, %arg6: memref<16x625x64xf32, #tpu.memory_space<hbm>>, %arg7: memref<20000x64xf32, #tpu.memory_space<hbm>>, %arg8: memref<160x125xi32, #tpu.memory_space<vmem>>, %arg9: memref<160x125xi32, #tpu.memory_space<vmem>>, %arg10: memref<5x125x64xf32, #tpu.memory_space<vmem>>, %arg11: memref<5x125xi32, #tpu.memory_space<vmem>>, %arg12: memref<10000x64xf32, #tpu.memory_space<vmem_shared>>, %arg13: memref<!tpu.dma_semaphore, #tpu.memory_space<semaphore_mem>>, %arg14: memref<!tpu.dma_semaphore, #tpu.memory_space<semaphore_mem>>, %arg15: memref<!tpu.dma_semaphore, #tpu.memory_space<semaphore_mem>>, %arg16: memref<!tpu.dma_semaphore, #tpu.memory_space<semaphore_mem>>, %arg17: memref<!tpu.dma_semaphore, #tpu.memory_space<semaphore_mem>>, %arg18: memref<!tpu.dma_semaphore, #tpu.memory_space<semaphore_mem>>, %arg19: memref<!tpu.dma_semaphore, #tpu.memory_space<semaphore_mem>>, %arg20: memref<!tpu.dma_semaphore, #tpu.memory_space<semaphore_mem>>, %arg21: memref<!tpu.dma_semaphore, #tpu.memory_space<semaphore_mem>>, %arg22: memref<!tpu.dma_semaphore, #tpu.memory_space<semaphore_mem>>) attributes {dimension_semantics = [#tpu.dimension_semantics<core_parallel>, #tpu.dimension_semantics<subcore_parallel>], iteration_bounds = array<i64: 2, 16>, scalar_prefetch = 0 : i64, scratch_operands = 15 : i64, tpu.core_type = #tpu.core_type<sc_vector_subcore>, window_params = [{transform_indices = #map}, {transform_indices = #map1}, {transform_indices = #map1}, {transform_indices = #map1}, {transform_indices = #map2}, {transform_indices = #map}]} {
    %dma_start3A = arith.constant 0 : i32
    %dma_start3A_0 = arith.constant 0 : i32
    %dma_start3A_1 = tpu.memref_slice %arg3[%arg0, %arg1, %dma_start3A, %dma_start3A_0] : memref<2x16x160x125xi32, #tpu.memory_space<hbm>> -> memref<1x1x160x125xi32, #tpu.memory_space<hbm>>
    %dma_start3A_2 = tpu.memref_squeeze %dma_start3A_1 : memref<1x1x160x125xi32, #tpu.memory_space<hbm>> -> memref<160x125xi32, #tpu.memory_space<hbm>>
    %dma_start3A_3 = arith.constant 0 : i32
    %dma_start3A_4 = arith.constant 0 : i32
    %dma_start3A_5 = tpu.memref_slice %arg3[%arg0, %arg1, %dma_start3A_3, %dma_start3A_4] : memref<2x16x160x125xi32, #tpu.memory_space<hbm>> -> memref<1x1x160x125xi32, #tpu.memory_space<hbm>>
    %dma_start3A_6 = tpu.memref_squeeze %dma_start3A_5 : memref<1x1x160x125xi32, #tpu.memory_space<hbm>> -> memref<160x125xi32, #tpu.memory_space<hbm>>
    tpu.enqueue_dma source(%dma_start3A_6 : memref<160x125xi32, #tpu.memory_space<hbm>>) target(%arg8 : memref<160x125xi32, #tpu.memory_space<vmem>>) target_semaphore(%arg13 : memref<!tpu.dma_semaphore, #tpu.memory_space<semaphore_mem>>)
    %dma_start3A_7 = arith.constant 1 : i32
    %dma_start3A_8 = arith.constant 0 : i32
    %dma_start3A_9 = arith.constant 0 : i32
    %dma_start3A_10 = tpu.memref_slice %arg4[%dma_start3A_7, %arg1, %dma_start3A_8, %dma_start3A_9] : memref<2x16x160x125xi32, #tpu.memory_space<hbm>> -> memref<1x1x160x125xi32, #tpu.memory_space<hbm>>
    %dma_start3A_11 = tpu.memref_squeeze %dma_start3A_10 : memref<1x1x160x125xi32, #tpu.memory_space<hbm>> -> memref<160x125xi32, #tpu.memory_space<hbm>>
    %dma_start3A_12 = arith.constant 0 : i32
    %dma_start3A_13 = arith.constant 0 : i32
    %dma_start3A_14 = tpu.memref_slice %arg4[%dma_start3A_7, %arg1, %dma_start3A_12, %dma_start3A_13] : memref<2x16x160x125xi32, #tpu.memory_space<hbm>> -> memref<1x1x160x125xi32, #tpu.memory_space<hbm>>
    %dma_start3A_15 = tpu.memref_squeeze %dma_start3A_14 : memref<1x1x160x125xi32, #tpu.memory_space<hbm>> -> memref<160x125xi32, #tpu.memory_space<hbm>>
    tpu.enqueue_dma source(%dma_start3A_15 : memref<160x125xi32, #tpu.memory_space<hbm>>) target(%arg9 : memref<160x125xi32, #tpu.memory_space<vmem>>) target_semaphore(%arg14 : memref<!tpu.dma_semaphore, #tpu.memory_space<semaphore_mem>>)
    %dma_start3A_16 = arith.constant 0 : i32
    %dma_start3A_17 = arith.constant 0 : i32
    %dma_start3A_18 = tpu.memref_slice %arg5[%arg0, %arg1, %dma_start3A_16, %dma_start3A_17] : memref<2x16x5x125xi32, #tpu.memory_space<hbm>> -> memref<1x1x5x125xi32, #tpu.memory_space<hbm>>
    %dma_start3A_19 = tpu.memref_squeeze %dma_start3A_18 : memref<1x1x5x125xi32, #tpu.memory_space<hbm>> -> memref<5x125xi32, #tpu.memory_space<hbm>>
    %dma_start3A_20 = arith.constant 0 : i32
    %dma_start3A_21 = arith.constant 0 : i32
    %dma_start3A_22 = tpu.memref_slice %arg5[%arg0, %arg1, %dma_start3A_20, %dma_start3A_21] : memref<2x16x5x125xi32, #tpu.memory_space<hbm>> -> memref<1x1x5x125xi32, #tpu.memory_space<hbm>>
    %dma_start3A_23 = tpu.memref_squeeze %dma_start3A_22 : memref<1x1x5x125xi32, #tpu.memory_space<hbm>> -> memref<5x125xi32, #tpu.memory_space<hbm>>
    tpu.enqueue_dma source(%dma_start3A_23 : memref<5x125xi32, #tpu.memory_space<hbm>>) target(%arg11 : memref<5x125xi32, #tpu.memory_space<vmem>>) target_semaphore(%arg15 : memref<!tpu.dma_semaphore, #tpu.memory_space<semaphore_mem>>)
    %mul3A = arith.constant 625 : i32
    %mul3A_24 = arith.muli %arg1, %mul3A : i32
    %dma_start3A_25 = arith.constant 0 : i32
    %dma_start3A_26 = tpu.memref_slice %arg12[%mul3A_24, %dma_start3A_25] : memref<10000x64xf32, #tpu.memory_space<vmem_shared>> -> memref<625x64xf32, #tpu.memory_space<vmem_shared>>
    %dma_start3A_27 = arith.constant 0 : i32
    %dma_start3A_28 = arith.constant 0 : i32
    %dma_start3A_29 = tpu.memref_slice %arg6[%arg1, %dma_start3A_27, %dma_start3A_28] : memref<16x625x64xf32, #tpu.memory_space<hbm>> -> memref<1x625x64xf32, #tpu.memory_space<hbm>>
    %dma_start3A_30 = tpu.memref_squeeze %dma_start3A_29 : memref<1x625x64xf32, #tpu.memory_space<hbm>> -> memref<625x64xf32, #tpu.memory_space<hbm>>
    tpu.enqueue_dma source(%dma_start3A_30 : memref<625x64xf32, #tpu.memory_space<hbm>>) target(%dma_start3A_26 : memref<625x64xf32, #tpu.memory_space<vmem_shared>>) target_semaphore(%arg16 : memref<!tpu.dma_semaphore, #tpu.memory_space<semaphore_mem>>)
    %dma_wait3A = arith.constant 0 : i32
    %dma_wait3A_31 = arith.constant 0 : i32
    %dma_wait3A_32 = tpu.memref_slice %arg3[%arg0, %arg1, %dma_wait3A, %dma_wait3A_31] : memref<2x16x160x125xi32, #tpu.memory_space<hbm>> -> memref<1x1x160x125xi32, #tpu.memory_space<hbm>>
    %dma_wait3A_33 = tpu.memref_squeeze %dma_wait3A_32 : memref<1x1x160x125xi32, #tpu.memory_space<hbm>> -> memref<160x125xi32, #tpu.memory_space<hbm>>
    %dma_wait3A_34 = arith.constant 0 : i32
    %dma_wait3A_35 = arith.constant 0 : i32
    %dma_wait3A_36 = tpu.memref_slice %arg3[%arg0, %arg1, %dma_wait3A_34, %dma_wait3A_35] : memref<2x16x160x125xi32, #tpu.memory_space<hbm>> -> memref<1x1x160x125xi32, #tpu.memory_space<hbm>>
    %dma_wait3A_37 = tpu.memref_squeeze %dma_wait3A_36 : memref<1x1x160x125xi32, #tpu.memory_space<hbm>> -> memref<160x125xi32, #tpu.memory_space<hbm>>
    tpu.wait_dma2 semaphore(%arg13 : memref<!tpu.dma_semaphore, #tpu.memory_space<semaphore_mem>>) src(%dma_wait3A_37 : memref<160x125xi32, #tpu.memory_space<hbm>>) dst(%arg8 : memref<160x125xi32, #tpu.memory_space<vmem>>)
    %dma_wait3A_38 = arith.constant 1 : i32
    %dma_wait3A_39 = arith.constant 0 : i32
    %dma_wait3A_40 = arith.constant 0 : i32
    %dma_wait3A_41 = tpu.memref_slice %arg4[%dma_wait3A_38, %arg1, %dma_wait3A_39, %dma_wait3A_40] : memref<2x16x160x125xi32, #tpu.memory_space<hbm>> -> memref<1x1x160x125xi32, #tpu.memory_space<hbm>>
    %dma_wait3A_42 = tpu.memref_squeeze %dma_wait3A_41 : memref<1x1x160x125xi32, #tpu.memory_space<hbm>> -> memref<160x125xi32, #tpu.memory_space<hbm>>
    %dma_wait3A_43 = arith.constant 0 : i32
    %dma_wait3A_44 = arith.constant 0 : i32
    %dma_wait3A_45 = tpu.memref_slice %arg4[%dma_wait3A_38, %arg1, %dma_wait3A_43, %dma_wait3A_44] : memref<2x16x160x125xi32, #tpu.memory_space<hbm>> -> memref<1x1x160x125xi32, #tpu.memory_space<hbm>>
    %dma_wait3A_46 = tpu.memref_squeeze %dma_wait3A_45 : memref<1x1x160x125xi32, #tpu.memory_space<hbm>> -> memref<160x125xi32, #tpu.memory_space<hbm>>
    tpu.wait_dma2 semaphore(%arg14 : memref<!tpu.dma_semaphore, #tpu.memory_space<semaphore_mem>>) src(%dma_wait3A_46 : memref<160x125xi32, #tpu.memory_space<hbm>>) dst(%arg9 : memref<160x125xi32, #tpu.memory_space<vmem>>)
    %dma_wait3A_47 = arith.constant 0 : i32
    %dma_wait3A_48 = arith.constant 0 : i32
    %dma_wait3A_49 = tpu.memref_slice %arg5[%arg0, %arg1, %dma_wait3A_47, %dma_wait3A_48] : memref<2x16x5x125xi32, #tpu.memory_space<hbm>> -> memref<1x1x5x125xi32, #tpu.memory_space<hbm>>
    %dma_wait3A_50 = tpu.memref_squeeze %dma_wait3A_49 : memref<1x1x5x125xi32, #tpu.memory_space<hbm>> -> memref<5x125xi32, #tpu.memory_space<hbm>>
    %dma_wait3A_51 = arith.constant 0 : i32
    %dma_wait3A_52 = arith.constant 0 : i32
    %dma_wait3A_53 = tpu.memref_slice %arg5[%arg0, %arg1, %dma_wait3A_51, %dma_wait3A_52] : memref<2x16x5x125xi32, #tpu.memory_space<hbm>> -> memref<1x1x5x125xi32, #tpu.memory_space<hbm>>
    %dma_wait3A_54 = tpu.memref_squeeze %dma_wait3A_53 : memref<1x1x5x125xi32, #tpu.memory_space<hbm>> -> memref<5x125xi32, #tpu.memory_space<hbm>>
    tpu.wait_dma2 semaphore(%arg15 : memref<!tpu.dma_semaphore, #tpu.memory_space<semaphore_mem>>) src(%dma_wait3A_54 : memref<5x125xi32, #tpu.memory_space<hbm>>) dst(%arg11 : memref<5x125xi32, #tpu.memory_space<vmem>>)
    %dma_wait3A_55 = arith.constant 0 : i32
    %dma_wait3A_56 = tpu.memref_slice %arg12[%mul3A_24, %dma_wait3A_55] : memref<10000x64xf32, #tpu.memory_space<vmem_shared>> -> memref<625x64xf32, #tpu.memory_space<vmem_shared>>
    %dma_wait3A_57 = arith.constant 0 : i32
    %dma_wait3A_58 = arith.constant 0 : i32
    %dma_wait3A_59 = tpu.memref_slice %arg6[%arg1, %dma_wait3A_57, %dma_wait3A_58] : memref<16x625x64xf32, #tpu.memory_space<hbm>> -> memref<1x625x64xf32, #tpu.memory_space<hbm>>
    %dma_wait3A_60 = tpu.memref_squeeze %dma_wait3A_59 : memref<1x625x64xf32, #tpu.memory_space<hbm>> -> memref<625x64xf32, #tpu.memory_space<hbm>>
    tpu.wait_dma2 semaphore(%arg16 : memref<!tpu.dma_semaphore, #tpu.memory_space<semaphore_mem>>) src(%dma_wait3A_60 : memref<625x64xf32, #tpu.memory_space<hbm>>) dst(%dma_wait3A_56 : memref<625x64xf32, #tpu.memory_space<vmem_shared>>)
    %barrier3A = arith.constant 0 : index
    tpu.barrier barrier_id(%barrier3A)
    %dma_start3A_61 = arith.constant 0 : i32
    %dma_start3A_62 = arith.constant 0 : i32
    %dma_start3A_63 = arith.constant 0 : i32
    %dma_start3A_64 = arith.constant 0 : i32
    %dma_start3A_65 = tpu.memref_slice %arg10[%dma_start3A_62, %dma_start3A_63, %dma_start3A_64] : memref<5x125x64xf32, #tpu.memory_space<vmem>> -> memref<1x125x64xf32, #tpu.memory_space<vmem>>
    %dma_start3A_66 = tpu.memref_squeeze %dma_start3A_65 : memref<1x125x64xf32, #tpu.memory_space<vmem>> -> memref<125x64xf32, #tpu.memory_space<vmem>>
    %dma_start3A_67 = arith.constant 0 : i32
    %dma_start3A_68 = tpu.memref_slice %arg8[%dma_start3A_61, %dma_start3A_67] : memref<160x125xi32, #tpu.memory_space<vmem>> -> memref<1x125xi32, #tpu.memory_space<vmem>>
    %dma_start3A_69 = tpu.memref_squeeze %dma_start3A_68 : memref<1x125xi32, #tpu.memory_space<vmem>> -> memref<125xi32, #tpu.memory_space<vmem>>
    %dma_start3A_70 = arith.constant 0 : i32
    %dma_start3A_71 = arith.constant 0 : i32
    %dma_start3A_72 = tpu.memref_slice %arg2[%dma_start3A_70, %dma_start3A_71] : memref<20000x64xf32, #tpu.memory_space<hbm>> -> memref<20000x64xf32, #tpu.memory_space<hbm>>
    tpu.enqueue_indirect_dma source(%dma_start3A_72 : memref<20000x64xf32, #tpu.memory_space<hbm>>) target(%dma_start3A_66 : memref<125x64xf32, #tpu.memory_space<vmem>>) offsets(%dma_start3A_69 : memref<125xi32, #tpu.memory_space<vmem>>) semaphore(%arg13 : memref<!tpu.dma_semaphore, #tpu.memory_space<semaphore_mem>>)
    %dma_start3A_73 = arith.constant 1 : i32
    %dma_start3A_74 = arith.constant 1 : i32
    %dma_start3A_75 = arith.constant 0 : i32
    %dma_start3A_76 = arith.constant 0 : i32
    %dma_start3A_77 = tpu.memref_slice %arg10[%dma_start3A_74, %dma_start3A_75, %dma_start3A_76] : memref<5x125x64xf32, #tpu.memory_space<vmem>> -> memref<1x125x64xf32, #tpu.memory_space<vmem>>
    %dma_start3A_78 = tpu.memref_squeeze %dma_start3A_77 : memref<1x125x64xf32, #tpu.memory_space<vmem>> -> memref<125x64xf32, #tpu.memory_space<vmem>>
    %dma_start3A_79 = arith.constant 0 : i32
    %dma_start3A_80 = tpu.memref_slice %arg8[%dma_start3A_73, %dma_start3A_79] : memref<160x125xi32, #tpu.memory_space<vmem>> -> memref<1x125xi32, #tpu.memory_space<vmem>>
    %dma_start3A_81 = tpu.memref_squeeze %dma_start3A_80 : memref<1x125xi32, #tpu.memory_space<vmem>> -> memref<125xi32, #tpu.memory_space<vmem>>
    %dma_start3A_82 = arith.constant 0 : i32
    %dma_start3A_83 = arith.constant 0 : i32
    %dma_start3A_84 = tpu.memref_slice %arg2[%dma_start3A_82, %dma_start3A_83] : memref<20000x64xf32, #tpu.memory_space<hbm>> -> memref<20000x64xf32, #tpu.memory_space<hbm>>
    tpu.enqueue_indirect_dma source(%dma_start3A_84 : memref<20000x64xf32, #tpu.memory_space<hbm>>) target(%dma_start3A_78 : memref<125x64xf32, #tpu.memory_space<vmem>>) offsets(%dma_start3A_81 : memref<125xi32, #tpu.memory_space<vmem>>) semaphore(%arg14 : memref<!tpu.dma_semaphore, #tpu.memory_space<semaphore_mem>>)
    %dma_start3A_85 = arith.constant 2 : i32
    %dma_start3A_86 = arith.constant 2 : i32
    %dma_start3A_87 = arith.constant 0 : i32
    %dma_start3A_88 = arith.constant 0 : i32
    %dma_start3A_89 = tpu.memref_slice %arg10[%dma_start3A_86, %dma_start3A_87, %dma_start3A_88] : memref<5x125x64xf32, #tpu.memory_space<vmem>> -> memref<1x125x64xf32, #tpu.memory_space<vmem>>
    %dma_start3A_90 = tpu.memref_squeeze %dma_start3A_89 : memref<1x125x64xf32, #tpu.memory_space<vmem>> -> memref<125x64xf32, #tpu.memory_space<vmem>>
    %dma_start3A_91 = arith.constant 0 : i32
    %dma_start3A_92 = tpu.memref_slice %arg8[%dma_start3A_85, %dma_start3A_91] : memref<160x125xi32, #tpu.memory_space<vmem>> -> memref<1x125xi32, #tpu.memory_space<vmem>>
    %dma_start3A_93 = tpu.memref_squeeze %dma_start3A_92 : memref<1x125xi32, #tpu.memory_space<vmem>> -> memref<125xi32, #tpu.memory_space<vmem>>
    %dma_start3A_94 = arith.constant 0 : i32
    %dma_start3A_95 = arith.constant 0 : i32
    %dma_start3A_96 = tpu.memref_slice %arg2[%dma_start3A_94, %dma_start3A_95] : memref<20000x64xf32, #tpu.memory_space<hbm>> -> memref<20000x64xf32, #tpu.memory_space<hbm>>
    tpu.enqueue_indirect_dma source(%dma_start3A_96 : memref<20000x64xf32, #tpu.memory_space<hbm>>) target(%dma_start3A_90 : memref<125x64xf32, #tpu.memory_space<vmem>>) offsets(%dma_start3A_93 : memref<125xi32, #tpu.memory_space<vmem>>) semaphore(%arg15 : memref<!tpu.dma_semaphore, #tpu.memory_space<semaphore_mem>>)
    %dma_start3A_97 = arith.constant 3 : i32
    %dma_start3A_98 = arith.constant 3 : i32
    %dma_start3A_99 = arith.constant 0 : i32
    %dma_start3A_100 = arith.constant 0 : i32
    %dma_start3A_101 = tpu.memref_slice %arg10[%dma_start3A_98, %dma_start3A_99, %dma_start3A_100] : memref<5x125x64xf32, #tpu.memory_space<vmem>> -> memref<1x125x64xf32, #tpu.memory_space<vmem>>
    %dma_start3A_102 = tpu.memref_squeeze %dma_start3A_101 : memref<1x125x64xf32, #tpu.memory_space<vmem>> -> memref<125x64xf32, #tpu.memory_space<vmem>>
    %dma_start3A_103 = arith.constant 0 : i32
    %dma_start3A_104 = tpu.memref_slice %arg8[%dma_start3A_97, %dma_start3A_103] : memref<160x125xi32, #tpu.memory_space<vmem>> -> memref<1x125xi32, #tpu.memory_space<vmem>>
    %dma_start3A_105 = tpu.memref_squeeze %dma_start3A_104 : memref<1x125xi32, #tpu.memory_space<vmem>> -> memref<125xi32, #tpu.memory_space<vmem>>
    %dma_start3A_106 = arith.constant 0 : i32
    %dma_start3A_107 = arith.constant 0 : i32
    %dma_start3A_108 = tpu.memref_slice %arg2[%dma_start3A_106, %dma_start3A_107] : memref<20000x64xf32, #tpu.memory_space<hbm>> -> memref<20000x64xf32, #tpu.memory_space<hbm>>
    tpu.enqueue_indirect_dma source(%dma_start3A_108 : memref<20000x64xf32, #tpu.memory_space<hbm>>) target(%dma_start3A_102 : memref<125x64xf32, #tpu.memory_space<vmem>>) offsets(%dma_start3A_105 : memref<125xi32, #tpu.memory_space<vmem>>) semaphore(%arg16 : memref<!tpu.dma_semaphore, #tpu.memory_space<semaphore_mem>>)
    %dma_start3A_109 = arith.constant 4 : i32
    %dma_start3A_110 = arith.constant 4 : i32
    %dma_start3A_111 = arith.constant 0 : i32
    %dma_start3A_112 = arith.constant 0 : i32
    %dma_start3A_113 = tpu.memref_slice %arg10[%dma_start3A_110, %dma_start3A_111, %dma_start3A_112] : memref<5x125x64xf32, #tpu.memory_space<vmem>> -> memref<1x125x64xf32, #tpu.memory_space<vmem>>
    %dma_start3A_114 = tpu.memref_squeeze %dma_start3A_113 : memref<1x125x64xf32, #tpu.memory_space<vmem>> -> memref<125x64xf32, #tpu.memory_space<vmem>>
    %dma_start3A_115 = arith.constant 0 : i32
    %dma_start3A_116 = tpu.memref_slice %arg8[%dma_start3A_109, %dma_start3A_115] : memref<160x125xi32, #tpu.memory_space<vmem>> -> memref<1x125xi32, #tpu.memory_space<vmem>>
    %dma_start3A_117 = tpu.memref_squeeze %dma_start3A_116 : memref<1x125xi32, #tpu.memory_space<vmem>> -> memref<125xi32, #tpu.memory_space<vmem>>
    %dma_start3A_118 = arith.constant 0 : i32
    %dma_start3A_119 = arith.constant 0 : i32
    %dma_start3A_120 = tpu.memref_slice %arg2[%dma_start3A_118, %dma_start3A_119] : memref<20000x64xf32, #tpu.memory_space<hbm>> -> memref<20000x64xf32, #tpu.memory_space<hbm>>
    tpu.enqueue_indirect_dma source(%dma_start3A_120 : memref<20000x64xf32, #tpu.memory_space<hbm>>) target(%dma_start3A_114 : memref<125x64xf32, #tpu.memory_space<vmem>>) offsets(%dma_start3A_117 : memref<125xi32, #tpu.memory_space<vmem>>) semaphore(%arg17 : memref<!tpu.dma_semaphore, #tpu.memory_space<semaphore_mem>>)
    %scan3A = arith.constant 0 : i32
    %scan3A_121 = arith.constant 0 : i32
    %scan3A_122 = arith.constant 32 : i32
    %scan3A_123 = arith.addi %scan3A_121, %scan3A_122 : i32
    %scan3A_124 = arith.constant 1 : i32
    scf.for %scan3A_270 = %scan3A_121 to %scan3A_123 step %scan3A_124  : i32 {
      %mul3A_271 = arith.constant 5 : i32
      %mul3A_272 = arith.muli %scan3A_270, %mul3A_271 : i32
      %add3A_273 = arith.constant 0 : i32
      %add3A_274 = arith.addi %mul3A_272, %add3A_273 : i32
      %dma_wait3A_275 = arith.constant 0 : i32
      %dma_wait3A_276 = arith.constant 0 : i32
      %dma_wait3A_277 = arith.constant 0 : i32
      %dma_wait3A_278 = tpu.memref_slice %arg10[%dma_wait3A_275, %dma_wait3A_276, %dma_wait3A_277] : memref<5x125x64xf32, #tpu.memory_space<vmem>> -> memref<1x125x64xf32, #tpu.memory_space<vmem>>
      %dma_wait3A_279 = tpu.memref_squeeze %dma_wait3A_278 : memref<1x125x64xf32, #tpu.memory_space<vmem>> -> memref<125x64xf32, #tpu.memory_space<vmem>>
      %dma_wait3A_280 = arith.constant 0 : i32
      %dma_wait3A_281 = tpu.memref_slice %arg8[%add3A_274, %dma_wait3A_280] : memref<160x125xi32, #tpu.memory_space<vmem>> -> memref<1x125xi32, #tpu.memory_space<vmem>>
      %dma_wait3A_282 = tpu.memref_squeeze %dma_wait3A_281 : memref<1x125xi32, #tpu.memory_space<vmem>> -> memref<125xi32, #tpu.memory_space<vmem>>
      %dma_wait3A_283 = arith.constant 0 : i32
      %dma_wait3A_284 = arith.constant 0 : i32
      %dma_wait3A_285 = tpu.memref_slice %arg2[%dma_wait3A_283, %dma_wait3A_284] : memref<20000x64xf32, #tpu.memory_space<hbm>> -> memref<20000x64xf32, #tpu.memory_space<hbm>>
      tpu.wait_indirect_dma semaphore(%arg13 : memref<!tpu.dma_semaphore, #tpu.memory_space<semaphore_mem>>) src(%dma_wait3A_285 : memref<20000x64xf32, #tpu.memory_space<hbm>>) dst(%dma_wait3A_279 : memref<125x64xf32, #tpu.memory_space<vmem>>)
      %dma_start3A_286 = arith.constant 0 : i32
      %dma_start3A_287 = arith.constant 0 : i32
      %dma_start3A_288 = arith.constant 0 : i32
      %dma_start3A_289 = tpu.memref_slice %arg10[%dma_start3A_286, %dma_start3A_287, %dma_start3A_288] : memref<5x125x64xf32, #tpu.memory_space<vmem>> -> memref<1x125x64xf32, #tpu.memory_space<vmem>>
      %dma_start3A_290 = tpu.memref_squeeze %dma_start3A_289 : memref<1x125x64xf32, #tpu.memory_space<vmem>> -> memref<125x64xf32, #tpu.memory_space<vmem>>
      %dma_start3A_291 = arith.constant 0 : i32
      %dma_start3A_292 = tpu.memref_slice %arg9[%add3A_274, %dma_start3A_291] : memref<160x125xi32, #tpu.memory_space<vmem>> -> memref<1x125xi32, #tpu.memory_space<vmem>>
      %dma_start3A_293 = tpu.memref_squeeze %dma_start3A_292 : memref<1x125xi32, #tpu.memory_space<vmem>> -> memref<125xi32, #tpu.memory_space<vmem>>
      %dma_start3A_294 = arith.constant 0 : i32
      %dma_start3A_295 = arith.constant 0 : i32
      %dma_start3A_296 = tpu.memref_slice %arg12[%dma_start3A_294, %dma_start3A_295] : memref<10000x64xf32, #tpu.memory_space<vmem_shared>> -> memref<10000x64xf32, #tpu.memory_space<vmem_shared>>
      tpu.enqueue_indirect_dma source(%dma_start3A_290 : memref<125x64xf32, #tpu.memory_space<vmem>>) target(%dma_start3A_296 : memref<10000x64xf32, #tpu.memory_space<vmem_shared>>) offsets(%dma_start3A_293 : memref<125xi32, #tpu.memory_space<vmem>>) semaphore(%arg18 : memref<!tpu.dma_semaphore, #tpu.memory_space<semaphore_mem>>) {add = true}
      %mul3A_297 = arith.constant 5 : i32
      %mul3A_298 = arith.muli %scan3A_270, %mul3A_297 : i32
      %add3A_299 = arith.constant 1 : i32
      %add3A_300 = arith.addi %mul3A_298, %add3A_299 : i32
      %dma_wait3A_301 = arith.constant 1 : i32
      %dma_wait3A_302 = arith.constant 0 : i32
      %dma_wait3A_303 = arith.constant 0 : i32
      %dma_wait3A_304 = tpu.memref_slice %arg10[%dma_wait3A_301, %dma_wait3A_302, %dma_wait3A_303] : memref<5x125x64xf32, #tpu.memory_space<vmem>> -> memref<1x125x64xf32, #tpu.memory_space<vmem>>
      %dma_wait3A_305 = tpu.memref_squeeze %dma_wait3A_304 : memref<1x125x64xf32, #tpu.memory_space<vmem>> -> memref<125x64xf32, #tpu.memory_space<vmem>>
      %dma_wait3A_306 = arith.constant 0 : i32
      %dma_wait3A_307 = tpu.memref_slice %arg8[%add3A_300, %dma_wait3A_306] : memref<160x125xi32, #tpu.memory_space<vmem>> -> memref<1x125xi32, #tpu.memory_space<vmem>>
      %dma_wait3A_308 = tpu.memref_squeeze %dma_wait3A_307 : memref<1x125xi32, #tpu.memory_space<vmem>> -> memref<125xi32, #tpu.memory_space<vmem>>
      %dma_wait3A_309 = arith.constant 0 : i32
      %dma_wait3A_310 = arith.constant 0 : i32
      %dma_wait3A_311 = tpu.memref_slice %arg2[%dma_wait3A_309, %dma_wait3A_310] : memref<20000x64xf32, #tpu.memory_space<hbm>> -> memref<20000x64xf32, #tpu.memory_space<hbm>>
      tpu.wait_indirect_dma semaphore(%arg14 : memref<!tpu.dma_semaphore, #tpu.memory_space<semaphore_mem>>) src(%dma_wait3A_311 : memref<20000x64xf32, #tpu.memory_space<hbm>>) dst(%dma_wait3A_305 : memref<125x64xf32, #tpu.memory_space<vmem>>)
      %dma_start3A_312 = arith.constant 1 : i32
      %dma_start3A_313 = arith.constant 0 : i32
      %dma_start3A_314 = arith.constant 0 : i32
      %dma_start3A_315 = tpu.memref_slice %arg10[%dma_start3A_312, %dma_start3A_313, %dma_start3A_314] : memref<5x125x64xf32, #tpu.memory_space<vmem>> -> memref<1x125x64xf32, #tpu.memory_space<vmem>>
      %dma_start3A_316 = tpu.memref_squeeze %dma_start3A_315 : memref<1x125x64xf32, #tpu.memory_space<vmem>> -> memref<125x64xf32, #tpu.memory_space<vmem>>
      %dma_start3A_317 = arith.constant 0 : i32
      %dma_start3A_318 = tpu.memref_slice %arg9[%add3A_300, %dma_start3A_317] : memref<160x125xi32, #tpu.memory_space<vmem>> -> memref<1x125xi32, #tpu.memory_space<vmem>>
      %dma_start3A_319 = tpu.memref_squeeze %dma_start3A_318 : memref<1x125xi32, #tpu.memory_space<vmem>> -> memref<125xi32, #tpu.memory_space<vmem>>
      %dma_start3A_320 = arith.constant 0 : i32
      %dma_start3A_321 = arith.constant 0 : i32
      %dma_start3A_322 = tpu.memref_slice %arg12[%dma_start3A_320, %dma_start3A_321] : memref<10000x64xf32, #tpu.memory_space<vmem_shared>> -> memref<10000x64xf32, #tpu.memory_space<vmem_shared>>
      tpu.enqueue_indirect_dma source(%dma_start3A_316 : memref<125x64xf32, #tpu.memory_space<vmem>>) target(%dma_start3A_322 : memref<10000x64xf32, #tpu.memory_space<vmem_shared>>) offsets(%dma_start3A_319 : memref<125xi32, #tpu.memory_space<vmem>>) semaphore(%arg19 : memref<!tpu.dma_semaphore, #tpu.memory_space<semaphore_mem>>) {add = true}
      %mul3A_323 = arith.constant 5 : i32
      %mul3A_324 = arith.muli %scan3A_270, %mul3A_323 : i32
      %add3A_325 = arith.constant 2 : i32
      %add3A_326 = arith.addi %mul3A_324, %add3A_325 : i32
      %dma_wait3A_327 = arith.constant 2 : i32
      %dma_wait3A_328 = arith.constant 0 : i32
      %dma_wait3A_329 = arith.constant 0 : i32
      %dma_wait3A_330 = tpu.memref_slice %arg10[%dma_wait3A_327, %dma_wait3A_328, %dma_wait3A_329] : memref<5x125x64xf32, #tpu.memory_space<vmem>> -> memref<1x125x64xf32, #tpu.memory_space<vmem>>
      %dma_wait3A_331 = tpu.memref_squeeze %dma_wait3A_330 : memref<1x125x64xf32, #tpu.memory_space<vmem>> -> memref<125x64xf32, #tpu.memory_space<vmem>>
      %dma_wait3A_332 = arith.constant 0 : i32
      %dma_wait3A_333 = tpu.memref_slice %arg8[%add3A_326, %dma_wait3A_332] : memref<160x125xi32, #tpu.memory_space<vmem>> -> memref<1x125xi32, #tpu.memory_space<vmem>>
      %dma_wait3A_334 = tpu.memref_squeeze %dma_wait3A_333 : memref<1x125xi32, #tpu.memory_space<vmem>> -> memref<125xi32, #tpu.memory_space<vmem>>
      %dma_wait3A_335 = arith.constant 0 : i32
      %dma_wait3A_336 = arith.constant 0 : i32
      %dma_wait3A_337 = tpu.memref_slice %arg2[%dma_wait3A_335, %dma_wait3A_336] : memref<20000x64xf32, #tpu.memory_space<hbm>> -> memref<20000x64xf32, #tpu.memory_space<hbm>>
      tpu.wait_indirect_dma semaphore(%arg15 : memref<!tpu.dma_semaphore, #tpu.memory_space<semaphore_mem>>) src(%dma_wait3A_337 : memref<20000x64xf32, #tpu.memory_space<hbm>>) dst(%dma_wait3A_331 : memref<125x64xf32, #tpu.memory_space<vmem>>)
      %dma_start3A_338 = arith.constant 2 : i32
      %dma_start3A_339 = arith.constant 0 : i32
      %dma_start3A_340 = arith.constant 0 : i32
      %dma_start3A_341 = tpu.memref_slice %arg10[%dma_start3A_338, %dma_start3A_339, %dma_start3A_340] : memref<5x125x64xf32, #tpu.memory_space<vmem>> -> memref<1x125x64xf32, #tpu.memory_space<vmem>>
      %dma_start3A_342 = tpu.memref_squeeze %dma_start3A_341 : memref<1x125x64xf32, #tpu.memory_space<vmem>> -> memref<125x64xf32, #tpu.memory_space<vmem>>
      %dma_start3A_343 = arith.constant 0 : i32
      %dma_start3A_344 = tpu.memref_slice %arg9[%add3A_326, %dma_start3A_343] : memref<160x125xi32, #tpu.memory_space<vmem>> -> memref<1x125xi32, #tpu.memory_space<vmem>>
      %dma_start3A_345 = tpu.memref_squeeze %dma_start3A_344 : memref<1x125xi32, #tpu.memory_space<vmem>> -> memref<125xi32, #tpu.memory_space<vmem>>
      %dma_start3A_346 = arith.constant 0 : i32
      %dma_start3A_347 = arith.constant 0 : i32
      %dma_start3A_348 = tpu.memref_slice %arg12[%dma_start3A_346, %dma_start3A_347] : memref<10000x64xf32, #tpu.memory_space<vmem_shared>> -> memref<10000x64xf32, #tpu.memory_space<vmem_shared>>
      tpu.enqueue_indirect_dma source(%dma_start3A_342 : memref<125x64xf32, #tpu.memory_space<vmem>>) target(%dma_start3A_348 : memref<10000x64xf32, #tpu.memory_space<vmem_shared>>) offsets(%dma_start3A_345 : memref<125xi32, #tpu.memory_space<vmem>>) semaphore(%arg20 : memref<!tpu.dma_semaphore, #tpu.memory_space<semaphore_mem>>) {add = true}
      %mul3A_349 = arith.constant 5 : i32
      %mul3A_350 = arith.muli %scan3A_270, %mul3A_349 : i32
      %add3A_351 = arith.constant 3 : i32
      %add3A_352 = arith.addi %mul3A_350, %add3A_351 : i32
      %dma_wait3A_353 = arith.constant 3 : i32
      %dma_wait3A_354 = arith.constant 0 : i32
      %dma_wait3A_355 = arith.constant 0 : i32
      %dma_wait3A_356 = tpu.memref_slice %arg10[%dma_wait3A_353, %dma_wait3A_354, %dma_wait3A_355] : memref<5x125x64xf32, #tpu.memory_space<vmem>> -> memref<1x125x64xf32, #tpu.memory_space<vmem>>
      %dma_wait3A_357 = tpu.memref_squeeze %dma_wait3A_356 : memref<1x125x64xf32, #tpu.memory_space<vmem>> -> memref<125x64xf32, #tpu.memory_space<vmem>>
      %dma_wait3A_358 = arith.constant 0 : i32
      %dma_wait3A_359 = tpu.memref_slice %arg8[%add3A_352, %dma_wait3A_358] : memref<160x125xi32, #tpu.memory_space<vmem>> -> memref<1x125xi32, #tpu.memory_space<vmem>>
      %dma_wait3A_360 = tpu.memref_squeeze %dma_wait3A_359 : memref<1x125xi32, #tpu.memory_space<vmem>> -> memref<125xi32, #tpu.memory_space<vmem>>
      %dma_wait3A_361 = arith.constant 0 : i32
      %dma_wait3A_362 = arith.constant 0 : i32
      %dma_wait3A_363 = tpu.memref_slice %arg2[%dma_wait3A_361, %dma_wait3A_362] : memref<20000x64xf32, #tpu.memory_space<hbm>> -> memref<20000x64xf32, #tpu.memory_space<hbm>>
      tpu.wait_indirect_dma semaphore(%arg16 : memref<!tpu.dma_semaphore, #tpu.memory_space<semaphore_mem>>) src(%dma_wait3A_363 : memref<20000x64xf32, #tpu.memory_space<hbm>>) dst(%dma_wait3A_357 : memref<125x64xf32, #tpu.memory_space<vmem>>)
      %dma_start3A_364 = arith.constant 3 : i32
      %dma_start3A_365 = arith.constant 0 : i32
      %dma_start3A_366 = arith.constant 0 : i32
      %dma_start3A_367 = tpu.memref_slice %arg10[%dma_start3A_364, %dma_start3A_365, %dma_start3A_366] : memref<5x125x64xf32, #tpu.memory_space<vmem>> -> memref<1x125x64xf32, #tpu.memory_space<vmem>>
      %dma_start3A_368 = tpu.memref_squeeze %dma_start3A_367 : memref<1x125x64xf32, #tpu.memory_space<vmem>> -> memref<125x64xf32, #tpu.memory_space<vmem>>
      %dma_start3A_369 = arith.constant 0 : i32
      %dma_start3A_370 = tpu.memref_slice %arg9[%add3A_352, %dma_start3A_369] : memref<160x125xi32, #tpu.memory_space<vmem>> -> memref<1x125xi32, #tpu.memory_space<vmem>>
      %dma_start3A_371 = tpu.memref_squeeze %dma_start3A_370 : memref<1x125xi32, #tpu.memory_space<vmem>> -> memref<125xi32, #tpu.memory_space<vmem>>
      %dma_start3A_372 = arith.constant 0 : i32
      %dma_start3A_373 = arith.constant 0 : i32
      %dma_start3A_374 = tpu.memref_slice %arg12[%dma_start3A_372, %dma_start3A_373] : memref<10000x64xf32, #tpu.memory_space<vmem_shared>> -> memref<10000x64xf32, #tpu.memory_space<vmem_shared>>
      tpu.enqueue_indirect_dma source(%dma_start3A_368 : memref<125x64xf32, #tpu.memory_space<vmem>>) target(%dma_start3A_374 : memref<10000x64xf32, #tpu.memory_space<vmem_shared>>) offsets(%dma_start3A_371 : memref<125xi32, #tpu.memory_space<vmem>>) semaphore(%arg21 : memref<!tpu.dma_semaphore, #tpu.memory_space<semaphore_mem>>) {add = true}
      %mul3A_375 = arith.constant 5 : i32
      %mul3A_376 = arith.muli %scan3A_270, %mul3A_375 : i32
      %add3A_377 = arith.constant 4 : i32
      %add3A_378 = arith.addi %mul3A_376, %add3A_377 : i32
      %dma_wait3A_379 = arith.constant 4 : i32
      %dma_wait3A_380 = arith.constant 0 : i32
      %dma_wait3A_381 = arith.constant 0 : i32
      %dma_wait3A_382 = tpu.memref_slice %arg10[%dma_wait3A_379, %dma_wait3A_380, %dma_wait3A_381] : memref<5x125x64xf32, #tpu.memory_space<vmem>> -> memref<1x125x64xf32, #tpu.memory_space<vmem>>
      %dma_wait3A_383 = tpu.memref_squeeze %dma_wait3A_382 : memref<1x125x64xf32, #tpu.memory_space<vmem>> -> memref<125x64xf32, #tpu.memory_space<vmem>>
      %dma_wait3A_384 = arith.constant 0 : i32
      %dma_wait3A_385 = tpu.memref_slice %arg8[%add3A_378, %dma_wait3A_384] : memref<160x125xi32, #tpu.memory_space<vmem>> -> memref<1x125xi32, #tpu.memory_space<vmem>>
      %dma_wait3A_386 = tpu.memref_squeeze %dma_wait3A_385 : memref<1x125xi32, #tpu.memory_space<vmem>> -> memref<125xi32, #tpu.memory_space<vmem>>
      %dma_wait3A_387 = arith.constant 0 : i32
      %dma_wait3A_388 = arith.constant 0 : i32
      %dma_wait3A_389 = tpu.memref_slice %arg2[%dma_wait3A_387, %dma_wait3A_388] : memref<20000x64xf32, #tpu.memory_space<hbm>> -> memref<20000x64xf32, #tpu.memory_space<hbm>>
      tpu.wait_indirect_dma semaphore(%arg17 : memref<!tpu.dma_semaphore, #tpu.memory_space<semaphore_mem>>) src(%dma_wait3A_389 : memref<20000x64xf32, #tpu.memory_space<hbm>>) dst(%dma_wait3A_383 : memref<125x64xf32, #tpu.memory_space<vmem>>)
      %dma_start3A_390 = arith.constant 4 : i32
      %dma_start3A_391 = arith.constant 0 : i32
      %dma_start3A_392 = arith.constant 0 : i32
      %dma_start3A_393 = tpu.memref_slice %arg10[%dma_start3A_390, %dma_start3A_391, %dma_start3A_392] : memref<5x125x64xf32, #tpu.memory_space<vmem>> -> memref<1x125x64xf32, #tpu.memory_space<vmem>>
      %dma_start3A_394 = tpu.memref_squeeze %dma_start3A_393 : memref<1x125x64xf32, #tpu.memory_space<vmem>> -> memref<125x64xf32, #tpu.memory_space<vmem>>
      %dma_start3A_395 = arith.constant 0 : i32
      %dma_start3A_396 = tpu.memref_slice %arg9[%add3A_378, %dma_start3A_395] : memref<160x125xi32, #tpu.memory_space<vmem>> -> memref<1x125xi32, #tpu.memory_space<vmem>>
      %dma_start3A_397 = tpu.memref_squeeze %dma_start3A_396 : memref<1x125xi32, #tpu.memory_space<vmem>> -> memref<125xi32, #tpu.memory_space<vmem>>
      %dma_start3A_398 = arith.constant 0 : i32
      %dma_start3A_399 = arith.constant 0 : i32
      %dma_start3A_400 = tpu.memref_slice %arg12[%dma_start3A_398, %dma_start3A_399] : memref<10000x64xf32, #tpu.memory_space<vmem_shared>> -> memref<10000x64xf32, #tpu.memory_space<vmem_shared>>
      tpu.enqueue_indirect_dma source(%dma_start3A_394 : memref<125x64xf32, #tpu.memory_space<vmem>>) target(%dma_start3A_400 : memref<10000x64xf32, #tpu.memory_space<vmem_shared>>) offsets(%dma_start3A_397 : memref<125xi32, #tpu.memory_space<vmem>>) semaphore(%arg22 : memref<!tpu.dma_semaphore, #tpu.memory_space<semaphore_mem>>) {add = true}
      %mul3A_401 = arith.constant 5 : i32
      %mul3A_402 = arith.muli %scan3A_270, %mul3A_401 : i32
      %add3A_403 = arith.constant 0 : i32
      %add3A_404 = arith.addi %mul3A_402, %add3A_403 : i32
      %dma_wait3A_405 = arith.constant 0 : i32
      %dma_wait3A_406 = arith.constant 0 : i32
      %dma_wait3A_407 = arith.constant 0 : i32
      %dma_wait3A_408 = tpu.memref_slice %arg10[%dma_wait3A_405, %dma_wait3A_406, %dma_wait3A_407] : memref<5x125x64xf32, #tpu.memory_space<vmem>> -> memref<1x125x64xf32, #tpu.memory_space<vmem>>
      %dma_wait3A_409 = tpu.memref_squeeze %dma_wait3A_408 : memref<1x125x64xf32, #tpu.memory_space<vmem>> -> memref<125x64xf32, #tpu.memory_space<vmem>>
      %dma_wait3A_410 = arith.constant 0 : i32
      %dma_wait3A_411 = tpu.memref_slice %arg9[%add3A_404, %dma_wait3A_410] : memref<160x125xi32, #tpu.memory_space<vmem>> -> memref<1x125xi32, #tpu.memory_space<vmem>>
      %dma_wait3A_412 = tpu.memref_squeeze %dma_wait3A_411 : memref<1x125xi32, #tpu.memory_space<vmem>> -> memref<125xi32, #tpu.memory_space<vmem>>
      %dma_wait3A_413 = arith.constant 0 : i32
      %dma_wait3A_414 = arith.constant 0 : i32
      %dma_wait3A_415 = tpu.memref_slice %arg12[%dma_wait3A_413, %dma_wait3A_414] : memref<10000x64xf32, #tpu.memory_space<vmem_shared>> -> memref<10000x64xf32, #tpu.memory_space<vmem_shared>>
      tpu.wait_indirect_dma semaphore(%arg18 : memref<!tpu.dma_semaphore, #tpu.memory_space<semaphore_mem>>) src(%dma_wait3A_409 : memref<125x64xf32, #tpu.memory_space<vmem>>) dst(%dma_wait3A_415 : memref<10000x64xf32, #tpu.memory_space<vmem_shared>>)
      %add3A_416 = arith.constant 1 : i32
      %add3A_417 = arith.addi %scan3A_270, %add3A_416 : i32
      %lt3A = arith.constant 32 : i32
      %lt3A_418 = arith.cmpi slt, %add3A_417, %lt3A : i32
      %convert_element_type3A = arith.extui %lt3A_418 : i1 to i32
      %cond3A = arith.constant 0 : i32
      %cond3A_419 = arith.cmpi ne, %convert_element_type3A, %cond3A : i32
      scf.if %cond3A_419 {
        %add3A_508 = arith.constant 5 : i32
        %add3A_509 = arith.addi %add3A_404, %add3A_508 : i32
        %dma_start3A_510 = arith.constant 0 : i32
        %dma_start3A_511 = arith.constant 0 : i32
        %dma_start3A_512 = arith.constant 0 : i32
        %dma_start3A_513 = tpu.memref_slice %arg10[%dma_start3A_510, %dma_start3A_511, %dma_start3A_512] : memref<5x125x64xf32, #tpu.memory_space<vmem>> -> memref<1x125x64xf32, #tpu.memory_space<vmem>>
        %dma_start3A_514 = tpu.memref_squeeze %dma_start3A_513 : memref<1x125x64xf32, #tpu.memory_space<vmem>> -> memref<125x64xf32, #tpu.memory_space<vmem>>
        %dma_start3A_515 = arith.constant 0 : i32
        %dma_start3A_516 = tpu.memref_slice %arg8[%add3A_509, %dma_start3A_515] : memref<160x125xi32, #tpu.memory_space<vmem>> -> memref<1x125xi32, #tpu.memory_space<vmem>>
        %dma_start3A_517 = tpu.memref_squeeze %dma_start3A_516 : memref<1x125xi32, #tpu.memory_space<vmem>> -> memref<125xi32, #tpu.memory_space<vmem>>
        %dma_start3A_518 = arith.constant 0 : i32
        %dma_start3A_519 = arith.constant 0 : i32
        %dma_start3A_520 = tpu.memref_slice %arg2[%dma_start3A_518, %dma_start3A_519] : memref<20000x64xf32, #tpu.memory_space<hbm>> -> memref<20000x64xf32, #tpu.memory_space<hbm>>
        tpu.enqueue_indirect_dma source(%dma_start3A_520 : memref<20000x64xf32, #tpu.memory_space<hbm>>) target(%dma_start3A_514 : memref<125x64xf32, #tpu.memory_space<vmem>>) offsets(%dma_start3A_517 : memref<125xi32, #tpu.memory_space<vmem>>) semaphore(%arg13 : memref<!tpu.dma_semaphore, #tpu.memory_space<semaphore_mem>>)
      } else {
      }
      %mul3A_420 = arith.constant 5 : i32
      %mul3A_421 = arith.muli %scan3A_270, %mul3A_420 : i32
      %add3A_422 = arith.constant 1 : i32
      %add3A_423 = arith.addi %mul3A_421, %add3A_422 : i32
      %dma_wait3A_424 = arith.constant 1 : i32
      %dma_wait3A_425 = arith.constant 0 : i32
      %dma_wait3A_426 = arith.constant 0 : i32
      %dma_wait3A_427 = tpu.memref_slice %arg10[%dma_wait3A_424, %dma_wait3A_425, %dma_wait3A_426] : memref<5x125x64xf32, #tpu.memory_space<vmem>> -> memref<1x125x64xf32, #tpu.memory_space<vmem>>
      %dma_wait3A_428 = tpu.memref_squeeze %dma_wait3A_427 : memref<1x125x64xf32, #tpu.memory_space<vmem>> -> memref<125x64xf32, #tpu.memory_space<vmem>>
      %dma_wait3A_429 = arith.constant 0 : i32
      %dma_wait3A_430 = tpu.memref_slice %arg9[%add3A_423, %dma_wait3A_429] : memref<160x125xi32, #tpu.memory_space<vmem>> -> memref<1x125xi32, #tpu.memory_space<vmem>>
      %dma_wait3A_431 = tpu.memref_squeeze %dma_wait3A_430 : memref<1x125xi32, #tpu.memory_space<vmem>> -> memref<125xi32, #tpu.memory_space<vmem>>
      %dma_wait3A_432 = arith.constant 0 : i32
      %dma_wait3A_433 = arith.constant 0 : i32
      %dma_wait3A_434 = tpu.memref_slice %arg12[%dma_wait3A_432, %dma_wait3A_433] : memref<10000x64xf32, #tpu.memory_space<vmem_shared>> -> memref<10000x64xf32, #tpu.memory_space<vmem_shared>>
      tpu.wait_indirect_dma semaphore(%arg19 : memref<!tpu.dma_semaphore, #tpu.memory_space<semaphore_mem>>) src(%dma_wait3A_428 : memref<125x64xf32, #tpu.memory_space<vmem>>) dst(%dma_wait3A_434 : memref<10000x64xf32, #tpu.memory_space<vmem_shared>>)
      %add3A_435 = arith.constant 1 : i32
      %add3A_436 = arith.addi %scan3A_270, %add3A_435 : i32
      %lt3A_437 = arith.constant 32 : i32
      %lt3A_438 = arith.cmpi slt, %add3A_436, %lt3A_437 : i32
      %convert_element_type3A_439 = arith.extui %lt3A_438 : i1 to i32
      %cond3A_440 = arith.constant 0 : i32
      %cond3A_441 = arith.cmpi ne, %convert_element_type3A_439, %cond3A_440 : i32
      scf.if %cond3A_441 {
        %add3A_508 = arith.constant 5 : i32
        %add3A_509 = arith.addi %add3A_423, %add3A_508 : i32
        %dma_start3A_510 = arith.constant 1 : i32
        %dma_start3A_511 = arith.constant 0 : i32
        %dma_start3A_512 = arith.constant 0 : i32
        %dma_start3A_513 = tpu.memref_slice %arg10[%dma_start3A_510, %dma_start3A_511, %dma_start3A_512] : memref<5x125x64xf32, #tpu.memory_space<vmem>> -> memref<1x125x64xf32, #tpu.memory_space<vmem>>
        %dma_start3A_514 = tpu.memref_squeeze %dma_start3A_513 : memref<1x125x64xf32, #tpu.memory_space<vmem>> -> memref<125x64xf32, #tpu.memory_space<vmem>>
        %dma_start3A_515 = arith.constant 0 : i32
        %dma_start3A_516 = tpu.memref_slice %arg8[%add3A_509, %dma_start3A_515] : memref<160x125xi32, #tpu.memory_space<vmem>> -> memref<1x125xi32, #tpu.memory_space<vmem>>
        %dma_start3A_517 = tpu.memref_squeeze %dma_start3A_516 : memref<1x125xi32, #tpu.memory_space<vmem>> -> memref<125xi32, #tpu.memory_space<vmem>>
        %dma_start3A_518 = arith.constant 0 : i32
        %dma_start3A_519 = arith.constant 0 : i32
        %dma_start3A_520 = tpu.memref_slice %arg2[%dma_start3A_518, %dma_start3A_519] : memref<20000x64xf32, #tpu.memory_space<hbm>> -> memref<20000x64xf32, #tpu.memory_space<hbm>>
        tpu.enqueue_indirect_dma source(%dma_start3A_520 : memref<20000x64xf32, #tpu.memory_space<hbm>>) target(%dma_start3A_514 : memref<125x64xf32, #tpu.memory_space<vmem>>) offsets(%dma_start3A_517 : memref<125xi32, #tpu.memory_space<vmem>>) semaphore(%arg14 : memref<!tpu.dma_semaphore, #tpu.memory_space<semaphore_mem>>)
      } else {
      }
      %mul3A_442 = arith.constant 5 : i32
      %mul3A_443 = arith.muli %scan3A_270, %mul3A_442 : i32
      %add3A_444 = arith.constant 2 : i32
      %add3A_445 = arith.addi %mul3A_443, %add3A_444 : i32
      %dma_wait3A_446 = arith.constant 2 : i32
      %dma_wait3A_447 = arith.constant 0 : i32
      %dma_wait3A_448 = arith.constant 0 : i32
      %dma_wait3A_449 = tpu.memref_slice %arg10[%dma_wait3A_446, %dma_wait3A_447, %dma_wait3A_448] : memref<5x125x64xf32, #tpu.memory_space<vmem>> -> memref<1x125x64xf32, #tpu.memory_space<vmem>>
      %dma_wait3A_450 = tpu.memref_squeeze %dma_wait3A_449 : memref<1x125x64xf32, #tpu.memory_space<vmem>> -> memref<125x64xf32, #tpu.memory_space<vmem>>
      %dma_wait3A_451 = arith.constant 0 : i32
      %dma_wait3A_452 = tpu.memref_slice %arg9[%add3A_445, %dma_wait3A_451] : memref<160x125xi32, #tpu.memory_space<vmem>> -> memref<1x125xi32, #tpu.memory_space<vmem>>
      %dma_wait3A_453 = tpu.memref_squeeze %dma_wait3A_452 : memref<1x125xi32, #tpu.memory_space<vmem>> -> memref<125xi32, #tpu.memory_space<vmem>>
      %dma_wait3A_454 = arith.constant 0 : i32
      %dma_wait3A_455 = arith.constant 0 : i32
      %dma_wait3A_456 = tpu.memref_slice %arg12[%dma_wait3A_454, %dma_wait3A_455] : memref<10000x64xf32, #tpu.memory_space<vmem_shared>> -> memref<10000x64xf32, #tpu.memory_space<vmem_shared>>
      tpu.wait_indirect_dma semaphore(%arg20 : memref<!tpu.dma_semaphore, #tpu.memory_space<semaphore_mem>>) src(%dma_wait3A_450 : memref<125x64xf32, #tpu.memory_space<vmem>>) dst(%dma_wait3A_456 : memref<10000x64xf32, #tpu.memory_space<vmem_shared>>)
      %add3A_457 = arith.constant 1 : i32
      %add3A_458 = arith.addi %scan3A_270, %add3A_457 : i32
      %lt3A_459 = arith.constant 32 : i32
      %lt3A_460 = arith.cmpi slt, %add3A_458, %lt3A_459 : i32
      %convert_element_type3A_461 = arith.extui %lt3A_460 : i1 to i32
      %cond3A_462 = arith.constant 0 : i32
      %cond3A_463 = arith.cmpi ne, %convert_element_type3A_461, %cond3A_462 : i32
      scf.if %cond3A_463 {
        %add3A_508 = arith.constant 5 : i32
        %add3A_509 = arith.addi %add3A_445, %add3A_508 : i32
        %dma_start3A_510 = arith.constant 2 : i32
        %dma_start3A_511 = arith.constant 0 : i32
        %dma_start3A_512 = arith.constant 0 : i32
        %dma_start3A_513 = tpu.memref_slice %arg10[%dma_start3A_510, %dma_start3A_511, %dma_start3A_512] : memref<5x125x64xf32, #tpu.memory_space<vmem>> -> memref<1x125x64xf32, #tpu.memory_space<vmem>>
        %dma_start3A_514 = tpu.memref_squeeze %dma_start3A_513 : memref<1x125x64xf32, #tpu.memory_space<vmem>> -> memref<125x64xf32, #tpu.memory_space<vmem>>
        %dma_start3A_515 = arith.constant 0 : i32
        %dma_start3A_516 = tpu.memref_slice %arg8[%add3A_509, %dma_start3A_515] : memref<160x125xi32, #tpu.memory_space<vmem>> -> memref<1x125xi32, #tpu.memory_space<vmem>>
        %dma_start3A_517 = tpu.memref_squeeze %dma_start3A_516 : memref<1x125xi32, #tpu.memory_space<vmem>> -> memref<125xi32, #tpu.memory_space<vmem>>
        %dma_start3A_518 = arith.constant 0 : i32
        %dma_start3A_519 = arith.constant 0 : i32
        %dma_start3A_520 = tpu.memref_slice %arg2[%dma_start3A_518, %dma_start3A_519] : memref<20000x64xf32, #tpu.memory_space<hbm>> -> memref<20000x64xf32, #tpu.memory_space<hbm>>
        tpu.enqueue_indirect_dma source(%dma_start3A_520 : memref<20000x64xf32, #tpu.memory_space<hbm>>) target(%dma_start3A_514 : memref<125x64xf32, #tpu.memory_space<vmem>>) offsets(%dma_start3A_517 : memref<125xi32, #tpu.memory_space<vmem>>) semaphore(%arg15 : memref<!tpu.dma_semaphore, #tpu.memory_space<semaphore_mem>>)
      } else {
      }
      %mul3A_464 = arith.constant 5 : i32
      %mul3A_465 = arith.muli %scan3A_270, %mul3A_464 : i32
      %add3A_466 = arith.constant 3 : i32
      %add3A_467 = arith.addi %mul3A_465, %add3A_466 : i32
      %dma_wait3A_468 = arith.constant 3 : i32
      %dma_wait3A_469 = arith.constant 0 : i32
      %dma_wait3A_470 = arith.constant 0 : i32
      %dma_wait3A_471 = tpu.memref_slice %arg10[%dma_wait3A_468, %dma_wait3A_469, %dma_wait3A_470] : memref<5x125x64xf32, #tpu.memory_space<vmem>> -> memref<1x125x64xf32, #tpu.memory_space<vmem>>
      %dma_wait3A_472 = tpu.memref_squeeze %dma_wait3A_471 : memref<1x125x64xf32, #tpu.memory_space<vmem>> -> memref<125x64xf32, #tpu.memory_space<vmem>>
      %dma_wait3A_473 = arith.constant 0 : i32
      %dma_wait3A_474 = tpu.memref_slice %arg9[%add3A_467, %dma_wait3A_473] : memref<160x125xi32, #tpu.memory_space<vmem>> -> memref<1x125xi32, #tpu.memory_space<vmem>>
      %dma_wait3A_475 = tpu.memref_squeeze %dma_wait3A_474 : memref<1x125xi32, #tpu.memory_space<vmem>> -> memref<125xi32, #tpu.memory_space<vmem>>
      %dma_wait3A_476 = arith.constant 0 : i32
      %dma_wait3A_477 = arith.constant 0 : i32
      %dma_wait3A_478 = tpu.memref_slice %arg12[%dma_wait3A_476, %dma_wait3A_477] : memref<10000x64xf32, #tpu.memory_space<vmem_shared>> -> memref<10000x64xf32, #tpu.memory_space<vmem_shared>>
      tpu.wait_indirect_dma semaphore(%arg21 : memref<!tpu.dma_semaphore, #tpu.memory_space<semaphore_mem>>) src(%dma_wait3A_472 : memref<125x64xf32, #tpu.memory_space<vmem>>) dst(%dma_wait3A_478 : memref<10000x64xf32, #tpu.memory_space<vmem_shared>>)
      %add3A_479 = arith.constant 1 : i32
      %add3A_480 = arith.addi %scan3A_270, %add3A_479 : i32
      %lt3A_481 = arith.constant 32 : i32
      %lt3A_482 = arith.cmpi slt, %add3A_480, %lt3A_481 : i32
      %convert_element_type3A_483 = arith.extui %lt3A_482 : i1 to i32
      %cond3A_484 = arith.constant 0 : i32
      %cond3A_485 = arith.cmpi ne, %convert_element_type3A_483, %cond3A_484 : i32
      scf.if %cond3A_485 {
        %add3A_508 = arith.constant 5 : i32
        %add3A_509 = arith.addi %add3A_467, %add3A_508 : i32
        %dma_start3A_510 = arith.constant 3 : i32
        %dma_start3A_511 = arith.constant 0 : i32
        %dma_start3A_512 = arith.constant 0 : i32
        %dma_start3A_513 = tpu.memref_slice %arg10[%dma_start3A_510, %dma_start3A_511, %dma_start3A_512] : memref<5x125x64xf32, #tpu.memory_space<vmem>> -> memref<1x125x64xf32, #tpu.memory_space<vmem>>
        %dma_start3A_514 = tpu.memref_squeeze %dma_start3A_513 : memref<1x125x64xf32, #tpu.memory_space<vmem>> -> memref<125x64xf32, #tpu.memory_space<vmem>>
        %dma_start3A_515 = arith.constant 0 : i32
        %dma_start3A_516 = tpu.memref_slice %arg8[%add3A_509, %dma_start3A_515] : memref<160x125xi32, #tpu.memory_space<vmem>> -> memref<1x125xi32, #tpu.memory_space<vmem>>
        %dma_start3A_517 = tpu.memref_squeeze %dma_start3A_516 : memref<1x125xi32, #tpu.memory_space<vmem>> -> memref<125xi32, #tpu.memory_space<vmem>>
        %dma_start3A_518 = arith.constant 0 : i32
        %dma_start3A_519 = arith.constant 0 : i32
        %dma_start3A_520 = tpu.memref_slice %arg2[%dma_start3A_518, %dma_start3A_519] : memref<20000x64xf32, #tpu.memory_space<hbm>> -> memref<20000x64xf32, #tpu.memory_space<hbm>>
        tpu.enqueue_indirect_dma source(%dma_start3A_520 : memref<20000x64xf32, #tpu.memory_space<hbm>>) target(%dma_start3A_514 : memref<125x64xf32, #tpu.memory_space<vmem>>) offsets(%dma_start3A_517 : memref<125xi32, #tpu.memory_space<vmem>>) semaphore(%arg16 : memref<!tpu.dma_semaphore, #tpu.memory_space<semaphore_mem>>)
      } else {
      }
      %mul3A_486 = arith.constant 5 : i32
      %mul3A_487 = arith.muli %scan3A_270, %mul3A_486 : i32
      %add3A_488 = arith.constant 4 : i32
      %add3A_489 = arith.addi %mul3A_487, %add3A_488 : i32
      %dma_wait3A_490 = arith.constant 4 : i32
      %dma_wait3A_491 = arith.constant 0 : i32
      %dma_wait3A_492 = arith.constant 0 : i32
      %dma_wait3A_493 = tpu.memref_slice %arg10[%dma_wait3A_490, %dma_wait3A_491, %dma_wait3A_492] : memref<5x125x64xf32, #tpu.memory_space<vmem>> -> memref<1x125x64xf32, #tpu.memory_space<vmem>>
      %dma_wait3A_494 = tpu.memref_squeeze %dma_wait3A_493 : memref<1x125x64xf32, #tpu.memory_space<vmem>> -> memref<125x64xf32, #tpu.memory_space<vmem>>
      %dma_wait3A_495 = arith.constant 0 : i32
      %dma_wait3A_496 = tpu.memref_slice %arg9[%add3A_489, %dma_wait3A_495] : memref<160x125xi32, #tpu.memory_space<vmem>> -> memref<1x125xi32, #tpu.memory_space<vmem>>
      %dma_wait3A_497 = tpu.memref_squeeze %dma_wait3A_496 : memref<1x125xi32, #tpu.memory_space<vmem>> -> memref<125xi32, #tpu.memory_space<vmem>>
      %dma_wait3A_498 = arith.constant 0 : i32
      %dma_wait3A_499 = arith.constant 0 : i32
      %dma_wait3A_500 = tpu.memref_slice %arg12[%dma_wait3A_498, %dma_wait3A_499] : memref<10000x64xf32, #tpu.memory_space<vmem_shared>> -> memref<10000x64xf32, #tpu.memory_space<vmem_shared>>
      tpu.wait_indirect_dma semaphore(%arg22 : memref<!tpu.dma_semaphore, #tpu.memory_space<semaphore_mem>>) src(%dma_wait3A_494 : memref<125x64xf32, #tpu.memory_space<vmem>>) dst(%dma_wait3A_500 : memref<10000x64xf32, #tpu.memory_space<vmem_shared>>)
      %add3A_501 = arith.constant 1 : i32
      %add3A_502 = arith.addi %scan3A_270, %add3A_501 : i32
      %lt3A_503 = arith.constant 32 : i32
      %lt3A_504 = arith.cmpi slt, %add3A_502, %lt3A_503 : i32
      %convert_element_type3A_505 = arith.extui %lt3A_504 : i1 to i32
      %cond3A_506 = arith.constant 0 : i32
      %cond3A_507 = arith.cmpi ne, %convert_element_type3A_505, %cond3A_506 : i32
      scf.if %cond3A_507 {
        %add3A_508 = arith.constant 5 : i32
        %add3A_509 = arith.addi %add3A_489, %add3A_508 : i32
        %dma_start3A_510 = arith.constant 4 : i32
        %dma_start3A_511 = arith.constant 0 : i32
        %dma_start3A_512 = arith.constant 0 : i32
        %dma_start3A_513 = tpu.memref_slice %arg10[%dma_start3A_510, %dma_start3A_511, %dma_start3A_512] : memref<5x125x64xf32, #tpu.memory_space<vmem>> -> memref<1x125x64xf32, #tpu.memory_space<vmem>>
        %dma_start3A_514 = tpu.memref_squeeze %dma_start3A_513 : memref<1x125x64xf32, #tpu.memory_space<vmem>> -> memref<125x64xf32, #tpu.memory_space<vmem>>
        %dma_start3A_515 = arith.constant 0 : i32
        %dma_start3A_516 = tpu.memref_slice %arg8[%add3A_509, %dma_start3A_515] : memref<160x125xi32, #tpu.memory_space<vmem>> -> memref<1x125xi32, #tpu.memory_space<vmem>>
        %dma_start3A_517 = tpu.memref_squeeze %dma_start3A_516 : memref<1x125xi32, #tpu.memory_space<vmem>> -> memref<125xi32, #tpu.memory_space<vmem>>
        %dma_start3A_518 = arith.constant 0 : i32
        %dma_start3A_519 = arith.constant 0 : i32
        %dma_start3A_520 = tpu.memref_slice %arg2[%dma_start3A_518, %dma_start3A_519] : memref<20000x64xf32, #tpu.memory_space<hbm>> -> memref<20000x64xf32, #tpu.memory_space<hbm>>
        tpu.enqueue_indirect_dma source(%dma_start3A_520 : memref<20000x64xf32, #tpu.memory_space<hbm>>) target(%dma_start3A_514 : memref<125x64xf32, #tpu.memory_space<vmem>>) offsets(%dma_start3A_517 : memref<125xi32, #tpu.memory_space<vmem>>) semaphore(%arg17 : memref<!tpu.dma_semaphore, #tpu.memory_space<semaphore_mem>>)
      } else {
      }
    }
    %scan3A_125 = arith.constant 32 : i32
    %barrier3A_126 = arith.constant 0 : index
    tpu.barrier barrier_id(%barrier3A_126)
    %mul3A_127 = arith.constant 625 : i32
    %mul3A_128 = arith.muli %arg1, %mul3A_127 : i32
    %add3A = arith.constant 0 : i32
    %add3A_129 = arith.addi %mul3A_128, %add3A : i32
    %run_scoped3A = arith.constant 0 : i32
    "tpu.region"() ({
      %run_scoped3A_270 = tpu.sem_alloc : memref<!tpu.dma_semaphore, #tpu.memory_space<semaphore_mem>>
      %dma_start3A_271 = arith.constant 0 : i32
      %dma_start3A_272 = arith.constant 0 : i32
      %dma_start3A_273 = tpu.memref_slice %arg10[%run_scoped3A, %dma_start3A_271, %dma_start3A_272] : memref<5x125x64xf32, #tpu.memory_space<vmem>> -> memref<1x125x64xf32, #tpu.memory_space<vmem>>
      %dma_start3A_274 = tpu.memref_squeeze %dma_start3A_273 : memref<1x125x64xf32, #tpu.memory_space<vmem>> -> memref<125x64xf32, #tpu.memory_space<vmem>>
      %dma_start3A_275 = arith.constant 0 : i32
      %dma_start3A_276 = tpu.memref_slice %arg12[%add3A_129, %dma_start3A_275] : memref<10000x64xf32, #tpu.memory_space<vmem_shared>> -> memref<125x64xf32, #tpu.memory_space<vmem_shared>>
      %dma_start3A_277 = arith.constant 0 : i32
      %dma_start3A_278 = arith.constant 0 : i32
      %dma_start3A_279 = tpu.memref_slice %arg10[%run_scoped3A, %dma_start3A_277, %dma_start3A_278] : memref<5x125x64xf32, #tpu.memory_space<vmem>> -> memref<1x125x64xf32, #tpu.memory_space<vmem>>
      %dma_start3A_280 = tpu.memref_squeeze %dma_start3A_279 : memref<1x125x64xf32, #tpu.memory_space<vmem>> -> memref<125x64xf32, #tpu.memory_space<vmem>>
      %dma_start3A_281 = arith.constant 0 : i32
      %dma_start3A_282 = tpu.memref_slice %arg12[%add3A_129, %dma_start3A_281] : memref<10000x64xf32, #tpu.memory_space<vmem_shared>> -> memref<125x64xf32, #tpu.memory_space<vmem_shared>>
      tpu.enqueue_dma source(%dma_start3A_282 : memref<125x64xf32, #tpu.memory_space<vmem_shared>>) target(%dma_start3A_280 : memref<125x64xf32, #tpu.memory_space<vmem>>) target_semaphore(%run_scoped3A_270 : memref<!tpu.dma_semaphore, #tpu.memory_space<semaphore_mem>>)
      %dma_wait3A_283 = arith.constant 0 : i32
      %dma_wait3A_284 = arith.constant 0 : i32
      %dma_wait3A_285 = tpu.memref_slice %arg10[%run_scoped3A, %dma_wait3A_283, %dma_wait3A_284] : memref<5x125x64xf32, #tpu.memory_space<vmem>> -> memref<1x125x64xf32, #tpu.memory_space<vmem>>
      %dma_wait3A_286 = tpu.memref_squeeze %dma_wait3A_285 : memref<1x125x64xf32, #tpu.memory_space<vmem>> -> memref<125x64xf32, #tpu.memory_space<vmem>>
      %dma_wait3A_287 = arith.constant 0 : i32
      %dma_wait3A_288 = tpu.memref_slice %arg12[%add3A_129, %dma_wait3A_287] : memref<10000x64xf32, #tpu.memory_space<vmem_shared>> -> memref<125x64xf32, #tpu.memory_space<vmem_shared>>
      %dma_wait3A_289 = arith.constant 0 : i32
      %dma_wait3A_290 = arith.constant 0 : i32
      %dma_wait3A_291 = tpu.memref_slice %arg10[%run_scoped3A, %dma_wait3A_289, %dma_wait3A_290] : memref<5x125x64xf32, #tpu.memory_space<vmem>> -> memref<1x125x64xf32, #tpu.memory_space<vmem>>
      %dma_wait3A_292 = tpu.memref_squeeze %dma_wait3A_291 : memref<1x125x64xf32, #tpu.memory_space<vmem>> -> memref<125x64xf32, #tpu.memory_space<vmem>>
      %dma_wait3A_293 = arith.constant 0 : i32
      %dma_wait3A_294 = tpu.memref_slice %arg12[%add3A_129, %dma_wait3A_293] : memref<10000x64xf32, #tpu.memory_space<vmem_shared>> -> memref<125x64xf32, #tpu.memory_space<vmem_shared>>
      tpu.wait_dma2 semaphore(%run_scoped3A_270 : memref<!tpu.dma_semaphore, #tpu.memory_space<semaphore_mem>>) src(%dma_wait3A_294 : memref<125x64xf32, #tpu.memory_space<vmem_shared>>) dst(%dma_wait3A_292 : memref<125x64xf32, #tpu.memory_space<vmem>>)
      tpu.yield
    }) : () -> ()
    %dma_start3A_130 = arith.constant 0 : i32
    %dma_start3A_131 = arith.constant 0 : i32
    %dma_start3A_132 = arith.constant 0 : i32
    %dma_start3A_133 = arith.constant 0 : i32
    %dma_start3A_134 = tpu.memref_slice %arg10[%dma_start3A_130, %dma_start3A_132, %dma_start3A_133] : memref<5x125x64xf32, #tpu.memory_space<vmem>> -> memref<1x125x64xf32, #tpu.memory_space<vmem>>
    %dma_start3A_135 = tpu.memref_squeeze %dma_start3A_134 : memref<1x125x64xf32, #tpu.memory_space<vmem>> -> memref<125x64xf32, #tpu.memory_space<vmem>>
    %dma_start3A_136 = arith.constant 0 : i32
    %dma_start3A_137 = tpu.memref_slice %arg11[%dma_start3A_131, %dma_start3A_136] : memref<5x125xi32, #tpu.memory_space<vmem>> -> memref<1x125xi32, #tpu.memory_space<vmem>>
    %dma_start3A_138 = tpu.memref_squeeze %dma_start3A_137 : memref<1x125xi32, #tpu.memory_space<vmem>> -> memref<125xi32, #tpu.memory_space<vmem>>
    %dma_start3A_139 = arith.constant 0 : i32
    %dma_start3A_140 = arith.constant 0 : i32
    %dma_start3A_141 = tpu.memref_slice %arg7[%dma_start3A_139, %dma_start3A_140] : memref<20000x64xf32, #tpu.memory_space<hbm>> -> memref<20000x64xf32, #tpu.memory_space<hbm>>
    tpu.enqueue_indirect_dma source(%dma_start3A_135 : memref<125x64xf32, #tpu.memory_space<vmem>>) target(%dma_start3A_141 : memref<20000x64xf32, #tpu.memory_space<hbm>>) offsets(%dma_start3A_138 : memref<125xi32, #tpu.memory_space<vmem>>) semaphore(%arg13 : memref<!tpu.dma_semaphore, #tpu.memory_space<semaphore_mem>>)
    %mul3A_142 = arith.constant 625 : i32
    %mul3A_143 = arith.muli %arg1, %mul3A_142 : i32
    %add3A_144 = arith.constant 125 : i32
    %add3A_145 = arith.addi %mul3A_143, %add3A_144 : i32
    %run_scoped3A_146 = arith.constant 1 : i32
    "tpu.region"() ({
      %run_scoped3A_270 = tpu.sem_alloc : memref<!tpu.dma_semaphore, #tpu.memory_space<semaphore_mem>>
      %dma_start3A_271 = arith.constant 0 : i32
      %dma_start3A_272 = arith.constant 0 : i32
      %dma_start3A_273 = tpu.memref_slice %arg10[%run_scoped3A_146, %dma_start3A_271, %dma_start3A_272] : memref<5x125x64xf32, #tpu.memory_space<vmem>> -> memref<1x125x64xf32, #tpu.memory_space<vmem>>
      %dma_start3A_274 = tpu.memref_squeeze %dma_start3A_273 : memref<1x125x64xf32, #tpu.memory_space<vmem>> -> memref<125x64xf32, #tpu.memory_space<vmem>>
      %dma_start3A_275 = arith.constant 0 : i32
      %dma_start3A_276 = tpu.memref_slice %arg12[%add3A_145, %dma_start3A_275] : memref<10000x64xf32, #tpu.memory_space<vmem_shared>> -> memref<125x64xf32, #tpu.memory_space<vmem_shared>>
      %dma_start3A_277 = arith.constant 0 : i32
      %dma_start3A_278 = arith.constant 0 : i32
      %dma_start3A_279 = tpu.memref_slice %arg10[%run_scoped3A_146, %dma_start3A_277, %dma_start3A_278] : memref<5x125x64xf32, #tpu.memory_space<vmem>> -> memref<1x125x64xf32, #tpu.memory_space<vmem>>
      %dma_start3A_280 = tpu.memref_squeeze %dma_start3A_279 : memref<1x125x64xf32, #tpu.memory_space<vmem>> -> memref<125x64xf32, #tpu.memory_space<vmem>>
      %dma_start3A_281 = arith.constant 0 : i32
      %dma_start3A_282 = tpu.memref_slice %arg12[%add3A_145, %dma_start3A_281] : memref<10000x64xf32, #tpu.memory_space<vmem_shared>> -> memref<125x64xf32, #tpu.memory_space<vmem_shared>>
      tpu.enqueue_dma source(%dma_start3A_282 : memref<125x64xf32, #tpu.memory_space<vmem_shared>>) target(%dma_start3A_280 : memref<125x64xf32, #tpu.memory_space<vmem>>) target_semaphore(%run_scoped3A_270 : memref<!tpu.dma_semaphore, #tpu.memory_space<semaphore_mem>>)
      %dma_wait3A_283 = arith.constant 0 : i32
      %dma_wait3A_284 = arith.constant 0 : i32
      %dma_wait3A_285 = tpu.memref_slice %arg10[%run_scoped3A_146, %dma_wait3A_283, %dma_wait3A_284] : memref<5x125x64xf32, #tpu.memory_space<vmem>> -> memref<1x125x64xf32, #tpu.memory_space<vmem>>
      %dma_wait3A_286 = tpu.memref_squeeze %dma_wait3A_285 : memref<1x125x64xf32, #tpu.memory_space<vmem>> -> memref<125x64xf32, #tpu.memory_space<vmem>>
      %dma_wait3A_287 = arith.constant 0 : i32
      %dma_wait3A_288 = tpu.memref_slice %arg12[%add3A_145, %dma_wait3A_287] : memref<10000x64xf32, #tpu.memory_space<vmem_shared>> -> memref<125x64xf32, #tpu.memory_space<vmem_shared>>
      %dma_wait3A_289 = arith.constant 0 : i32
      %dma_wait3A_290 = arith.constant 0 : i32
      %dma_wait3A_291 = tpu.memref_slice %arg10[%run_scoped3A_146, %dma_wait3A_289, %dma_wait3A_290] : memref<5x125x64xf32, #tpu.memory_space<vmem>> -> memref<1x125x64xf32, #tpu.memory_space<vmem>>
      %dma_wait3A_292 = tpu.memref_squeeze %dma_wait3A_291 : memref<1x125x64xf32, #tpu.memory_space<vmem>> -> memref<125x64xf32, #tpu.memory_space<vmem>>
      %dma_wait3A_293 = arith.constant 0 : i32
      %dma_wait3A_294 = tpu.memref_slice %arg12[%add3A_145, %dma_wait3A_293] : memref<10000x64xf32, #tpu.memory_space<vmem_shared>> -> memref<125x64xf32, #tpu.memory_space<vmem_shared>>
      tpu.wait_dma2 semaphore(%run_scoped3A_270 : memref<!tpu.dma_semaphore, #tpu.memory_space<semaphore_mem>>) src(%dma_wait3A_294 : memref<125x64xf32, #tpu.memory_space<vmem_shared>>) dst(%dma_wait3A_292 : memref<125x64xf32, #tpu.memory_space<vmem>>)
      tpu.yield
    }) : () -> ()
    %dma_start3A_147 = arith.constant 1 : i32
    %dma_start3A_148 = arith.constant 1 : i32
    %dma_start3A_149 = arith.constant 0 : i32
    %dma_start3A_150 = arith.constant 0 : i32
    %dma_start3A_151 = tpu.memref_slice %arg10[%dma_start3A_147, %dma_start3A_149, %dma_start3A_150] : memref<5x125x64xf32, #tpu.memory_space<vmem>> -> memref<1x125x64xf32, #tpu.memory_space<vmem>>
    %dma_start3A_152 = tpu.memref_squeeze %dma_start3A_151 : memref<1x125x64xf32, #tpu.memory_space<vmem>> -> memref<125x64xf32, #tpu.memory_space<vmem>>
    %dma_start3A_153 = arith.constant 0 : i32
    %dma_start3A_154 = tpu.memref_slice %arg11[%dma_start3A_148, %dma_start3A_153] : memref<5x125xi32, #tpu.memory_space<vmem>> -> memref<1x125xi32, #tpu.memory_space<vmem>>
    %dma_start3A_155 = tpu.memref_squeeze %dma_start3A_154 : memref<1x125xi32, #tpu.memory_space<vmem>> -> memref<125xi32, #tpu.memory_space<vmem>>
    %dma_start3A_156 = arith.constant 0 : i32
    %dma_start3A_157 = arith.constant 0 : i32
    %dma_start3A_158 = tpu.memref_slice %arg7[%dma_start3A_156, %dma_start3A_157] : memref<20000x64xf32, #tpu.memory_space<hbm>> -> memref<20000x64xf32, #tpu.memory_space<hbm>>
    tpu.enqueue_indirect_dma source(%dma_start3A_152 : memref<125x64xf32, #tpu.memory_space<vmem>>) target(%dma_start3A_158 : memref<20000x64xf32, #tpu.memory_space<hbm>>) offsets(%dma_start3A_155 : memref<125xi32, #tpu.memory_space<vmem>>) semaphore(%arg14 : memref<!tpu.dma_semaphore, #tpu.memory_space<semaphore_mem>>)
    %mul3A_159 = arith.constant 625 : i32
    %mul3A_160 = arith.muli %arg1, %mul3A_159 : i32
    %add3A_161 = arith.constant 250 : i32
    %add3A_162 = arith.addi %mul3A_160, %add3A_161 : i32
    %run_scoped3A_163 = arith.constant 2 : i32
    "tpu.region"() ({
      %run_scoped3A_270 = tpu.sem_alloc : memref<!tpu.dma_semaphore, #tpu.memory_space<semaphore_mem>>
      %dma_start3A_271 = arith.constant 0 : i32
      %dma_start3A_272 = arith.constant 0 : i32
      %dma_start3A_273 = tpu.memref_slice %arg10[%run_scoped3A_163, %dma_start3A_271, %dma_start3A_272] : memref<5x125x64xf32, #tpu.memory_space<vmem>> -> memref<1x125x64xf32, #tpu.memory_space<vmem>>
      %dma_start3A_274 = tpu.memref_squeeze %dma_start3A_273 : memref<1x125x64xf32, #tpu.memory_space<vmem>> -> memref<125x64xf32, #tpu.memory_space<vmem>>
      %dma_start3A_275 = arith.constant 0 : i32
      %dma_start3A_276 = tpu.memref_slice %arg12[%add3A_162, %dma_start3A_275] : memref<10000x64xf32, #tpu.memory_space<vmem_shared>> -> memref<125x64xf32, #tpu.memory_space<vmem_shared>>
      %dma_start3A_277 = arith.constant 0 : i32
      %dma_start3A_278 = arith.constant 0 : i32
      %dma_start3A_279 = tpu.memref_slice %arg10[%run_scoped3A_163, %dma_start3A_277, %dma_start3A_278] : memref<5x125x64xf32, #tpu.memory_space<vmem>> -> memref<1x125x64xf32, #tpu.memory_space<vmem>>
      %dma_start3A_280 = tpu.memref_squeeze %dma_start3A_279 : memref<1x125x64xf32, #tpu.memory_space<vmem>> -> memref<125x64xf32, #tpu.memory_space<vmem>>
      %dma_start3A_281 = arith.constant 0 : i32
      %dma_start3A_282 = tpu.memref_slice %arg12[%add3A_162, %dma_start3A_281] : memref<10000x64xf32, #tpu.memory_space<vmem_shared>> -> memref<125x64xf32, #tpu.memory_space<vmem_shared>>
      tpu.enqueue_dma source(%dma_start3A_282 : memref<125x64xf32, #tpu.memory_space<vmem_shared>>) target(%dma_start3A_280 : memref<125x64xf32, #tpu.memory_space<vmem>>) target_semaphore(%run_scoped3A_270 : memref<!tpu.dma_semaphore, #tpu.memory_space<semaphore_mem>>)
      %dma_wait3A_283 = arith.constant 0 : i32
      %dma_wait3A_284 = arith.constant 0 : i32
      %dma_wait3A_285 = tpu.memref_slice %arg10[%run_scoped3A_163, %dma_wait3A_283, %dma_wait3A_284] : memref<5x125x64xf32, #tpu.memory_space<vmem>> -> memref<1x125x64xf32, #tpu.memory_space<vmem>>
      %dma_wait3A_286 = tpu.memref_squeeze %dma_wait3A_285 : memref<1x125x64xf32, #tpu.memory_space<vmem>> -> memref<125x64xf32, #tpu.memory_space<vmem>>
      %dma_wait3A_287 = arith.constant 0 : i32
      %dma_wait3A_288 = tpu.memref_slice %arg12[%add3A_162, %dma_wait3A_287] : memref<10000x64xf32, #tpu.memory_space<vmem_shared>> -> memref<125x64xf32, #tpu.memory_space<vmem_shared>>
      %dma_wait3A_289 = arith.constant 0 : i32
      %dma_wait3A_290 = arith.constant 0 : i32
      %dma_wait3A_291 = tpu.memref_slice %arg10[%run_scoped3A_163, %dma_wait3A_289, %dma_wait3A_290] : memref<5x125x64xf32, #tpu.memory_space<vmem>> -> memref<1x125x64xf32, #tpu.memory_space<vmem>>
      %dma_wait3A_292 = tpu.memref_squeeze %dma_wait3A_291 : memref<1x125x64xf32, #tpu.memory_space<vmem>> -> memref<125x64xf32, #tpu.memory_space<vmem>>
      %dma_wait3A_293 = arith.constant 0 : i32
      %dma_wait3A_294 = tpu.memref_slice %arg12[%add3A_162, %dma_wait3A_293] : memref<10000x64xf32, #tpu.memory_space<vmem_shared>> -> memref<125x64xf32, #tpu.memory_space<vmem_shared>>
      tpu.wait_dma2 semaphore(%run_scoped3A_270 : memref<!tpu.dma_semaphore, #tpu.memory_space<semaphore_mem>>) src(%dma_wait3A_294 : memref<125x64xf32, #tpu.memory_space<vmem_shared>>) dst(%dma_wait3A_292 : memref<125x64xf32, #tpu.memory_space<vmem>>)
      tpu.yield
    }) : () -> ()
    %dma_start3A_164 = arith.constant 2 : i32
    %dma_start3A_165 = arith.constant 2 : i32
    %dma_start3A_166 = arith.constant 0 : i32
    %dma_start3A_167 = arith.constant 0 : i32
    %dma_start3A_168 = tpu.memref_slice %arg10[%dma_start3A_164, %dma_start3A_166, %dma_start3A_167] : memref<5x125x64xf32, #tpu.memory_space<vmem>> -> memref<1x125x64xf32, #tpu.memory_space<vmem>>
    %dma_start3A_169 = tpu.memref_squeeze %dma_start3A_168 : memref<1x125x64xf32, #tpu.memory_space<vmem>> -> memref<125x64xf32, #tpu.memory_space<vmem>>
    %dma_start3A_170 = arith.constant 0 : i32
    %dma_start3A_171 = tpu.memref_slice %arg11[%dma_start3A_165, %dma_start3A_170] : memref<5x125xi32, #tpu.memory_space<vmem>> -> memref<1x125xi32, #tpu.memory_space<vmem>>
    %dma_start3A_172 = tpu.memref_squeeze %dma_start3A_171 : memref<1x125xi32, #tpu.memory_space<vmem>> -> memref<125xi32, #tpu.memory_space<vmem>>
    %dma_start3A_173 = arith.constant 0 : i32
    %dma_start3A_174 = arith.constant 0 : i32
    %dma_start3A_175 = tpu.memref_slice %arg7[%dma_start3A_173, %dma_start3A_174] : memref<20000x64xf32, #tpu.memory_space<hbm>> -> memref<20000x64xf32, #tpu.memory_space<hbm>>
    tpu.enqueue_indirect_dma source(%dma_start3A_169 : memref<125x64xf32, #tpu.memory_space<vmem>>) target(%dma_start3A_175 : memref<20000x64xf32, #tpu.memory_space<hbm>>) offsets(%dma_start3A_172 : memref<125xi32, #tpu.memory_space<vmem>>) semaphore(%arg15 : memref<!tpu.dma_semaphore, #tpu.memory_space<semaphore_mem>>)
    %mul3A_176 = arith.constant 625 : i32
    %mul3A_177 = arith.muli %arg1, %mul3A_176 : i32
    %add3A_178 = arith.constant 375 : i32
    %add3A_179 = arith.addi %mul3A_177, %add3A_178 : i32
    %run_scoped3A_180 = arith.constant 3 : i32
    "tpu.region"() ({
      %run_scoped3A_270 = tpu.sem_alloc : memref<!tpu.dma_semaphore, #tpu.memory_space<semaphore_mem>>
      %dma_start3A_271 = arith.constant 0 : i32
      %dma_start3A_272 = arith.constant 0 : i32
      %dma_start3A_273 = tpu.memref_slice %arg10[%run_scoped3A_180, %dma_start3A_271, %dma_start3A_272] : memref<5x125x64xf32, #tpu.memory_space<vmem>> -> memref<1x125x64xf32, #tpu.memory_space<vmem>>
      %dma_start3A_274 = tpu.memref_squeeze %dma_start3A_273 : memref<1x125x64xf32, #tpu.memory_space<vmem>> -> memref<125x64xf32, #tpu.memory_space<vmem>>
      %dma_start3A_275 = arith.constant 0 : i32
      %dma_start3A_276 = tpu.memref_slice %arg12[%add3A_179, %dma_start3A_275] : memref<10000x64xf32, #tpu.memory_space<vmem_shared>> -> memref<125x64xf32, #tpu.memory_space<vmem_shared>>
      %dma_start3A_277 = arith.constant 0 : i32
      %dma_start3A_278 = arith.constant 0 : i32
      %dma_start3A_279 = tpu.memref_slice %arg10[%run_scoped3A_180, %dma_start3A_277, %dma_start3A_278] : memref<5x125x64xf32, #tpu.memory_space<vmem>> -> memref<1x125x64xf32, #tpu.memory_space<vmem>>
      %dma_start3A_280 = tpu.memref_squeeze %dma_start3A_279 : memref<1x125x64xf32, #tpu.memory_space<vmem>> -> memref<125x64xf32, #tpu.memory_space<vmem>>
      %dma_start3A_281 = arith.constant 0 : i32
      %dma_start3A_282 = tpu.memref_slice %arg12[%add3A_179, %dma_start3A_281] : memref<10000x64xf32, #tpu.memory_space<vmem_shared>> -> memref<125x64xf32, #tpu.memory_space<vmem_shared>>
      tpu.enqueue_dma source(%dma_start3A_282 : memref<125x64xf32, #tpu.memory_space<vmem_shared>>) target(%dma_start3A_280 : memref<125x64xf32, #tpu.memory_space<vmem>>) target_semaphore(%run_scoped3A_270 : memref<!tpu.dma_semaphore, #tpu.memory_space<semaphore_mem>>)
      %dma_wait3A_283 = arith.constant 0 : i32
      %dma_wait3A_284 = arith.constant 0 : i32
      %dma_wait3A_285 = tpu.memref_slice %arg10[%run_scoped3A_180, %dma_wait3A_283, %dma_wait3A_284] : memref<5x125x64xf32, #tpu.memory_space<vmem>> -> memref<1x125x64xf32, #tpu.memory_space<vmem>>
      %dma_wait3A_286 = tpu.memref_squeeze %dma_wait3A_285 : memref<1x125x64xf32, #tpu.memory_space<vmem>> -> memref<125x64xf32, #tpu.memory_space<vmem>>
      %dma_wait3A_287 = arith.constant 0 : i32
      %dma_wait3A_288 = tpu.memref_slice %arg12[%add3A_179, %dma_wait3A_287] : memref<10000x64xf32, #tpu.memory_space<vmem_shared>> -> memref<125x64xf32, #tpu.memory_space<vmem_shared>>
      %dma_wait3A_289 = arith.constant 0 : i32
      %dma_wait3A_290 = arith.constant 0 : i32
      %dma_wait3A_291 = tpu.memref_slice %arg10[%run_scoped3A_180, %dma_wait3A_289, %dma_wait3A_290] : memref<5x125x64xf32, #tpu.memory_space<vmem>> -> memref<1x125x64xf32, #tpu.memory_space<vmem>>
      %dma_wait3A_292 = tpu.memref_squeeze %dma_wait3A_291 : memref<1x125x64xf32, #tpu.memory_space<vmem>> -> memref<125x64xf32, #tpu.memory_space<vmem>>
      %dma_wait3A_293 = arith.constant 0 : i32
      %dma_wait3A_294 = tpu.memref_slice %arg12[%add3A_179, %dma_wait3A_293] : memref<10000x64xf32, #tpu.memory_space<vmem_shared>> -> memref<125x64xf32, #tpu.memory_space<vmem_shared>>
      tpu.wait_dma2 semaphore(%run_scoped3A_270 : memref<!tpu.dma_semaphore, #tpu.memory_space<semaphore_mem>>) src(%dma_wait3A_294 : memref<125x64xf32, #tpu.memory_space<vmem_shared>>) dst(%dma_wait3A_292 : memref<125x64xf32, #tpu.memory_space<vmem>>)
      tpu.yield
    }) : () -> ()
    %dma_start3A_181 = arith.constant 3 : i32
    %dma_start3A_182 = arith.constant 3 : i32
    %dma_start3A_183 = arith.constant 0 : i32
    %dma_start3A_184 = arith.constant 0 : i32
    %dma_start3A_185 = tpu.memref_slice %arg10[%dma_start3A_181, %dma_start3A_183, %dma_start3A_184] : memref<5x125x64xf32, #tpu.memory_space<vmem>> -> memref<1x125x64xf32, #tpu.memory_space<vmem>>
    %dma_start3A_186 = tpu.memref_squeeze %dma_start3A_185 : memref<1x125x64xf32, #tpu.memory_space<vmem>> -> memref<125x64xf32, #tpu.memory_space<vmem>>
    %dma_start3A_187 = arith.constant 0 : i32
    %dma_start3A_188 = tpu.memref_slice %arg11[%dma_start3A_182, %dma_start3A_187] : memref<5x125xi32, #tpu.memory_space<vmem>> -> memref<1x125xi32, #tpu.memory_space<vmem>>
    %dma_start3A_189 = tpu.memref_squeeze %dma_start3A_188 : memref<1x125xi32, #tpu.memory_space<vmem>> -> memref<125xi32, #tpu.memory_space<vmem>>
    %dma_start3A_190 = arith.constant 0 : i32
    %dma_start3A_191 = arith.constant 0 : i32
    %dma_start3A_192 = tpu.memref_slice %arg7[%dma_start3A_190, %dma_start3A_191] : memref<20000x64xf32, #tpu.memory_space<hbm>> -> memref<20000x64xf32, #tpu.memory_space<hbm>>
    tpu.enqueue_indirect_dma source(%dma_start3A_186 : memref<125x64xf32, #tpu.memory_space<vmem>>) target(%dma_start3A_192 : memref<20000x64xf32, #tpu.memory_space<hbm>>) offsets(%dma_start3A_189 : memref<125xi32, #tpu.memory_space<vmem>>) semaphore(%arg16 : memref<!tpu.dma_semaphore, #tpu.memory_space<semaphore_mem>>)
    %mul3A_193 = arith.constant 625 : i32
    %mul3A_194 = arith.muli %arg1, %mul3A_193 : i32
    %add3A_195 = arith.constant 500 : i32
    %add3A_196 = arith.addi %mul3A_194, %add3A_195 : i32
    %run_scoped3A_197 = arith.constant 4 : i32
    "tpu.region"() ({
      %run_scoped3A_270 = tpu.sem_alloc : memref<!tpu.dma_semaphore, #tpu.memory_space<semaphore_mem>>
      %dma_start3A_271 = arith.constant 0 : i32
      %dma_start3A_272 = arith.constant 0 : i32
      %dma_start3A_273 = tpu.memref_slice %arg10[%run_scoped3A_197, %dma_start3A_271, %dma_start3A_272] : memref<5x125x64xf32, #tpu.memory_space<vmem>> -> memref<1x125x64xf32, #tpu.memory_space<vmem>>
      %dma_start3A_274 = tpu.memref_squeeze %dma_start3A_273 : memref<1x125x64xf32, #tpu.memory_space<vmem>> -> memref<125x64xf32, #tpu.memory_space<vmem>>
      %dma_start3A_275 = arith.constant 0 : i32
      %dma_start3A_276 = tpu.memref_slice %arg12[%add3A_196, %dma_start3A_275] : memref<10000x64xf32, #tpu.memory_space<vmem_shared>> -> memref<125x64xf32, #tpu.memory_space<vmem_shared>>
      %dma_start3A_277 = arith.constant 0 : i32
      %dma_start3A_278 = arith.constant 0 : i32
      %dma_start3A_279 = tpu.memref_slice %arg10[%run_scoped3A_197, %dma_start3A_277, %dma_start3A_278] : memref<5x125x64xf32, #tpu.memory_space<vmem>> -> memref<1x125x64xf32, #tpu.memory_space<vmem>>
      %dma_start3A_280 = tpu.memref_squeeze %dma_start3A_279 : memref<1x125x64xf32, #tpu.memory_space<vmem>> -> memref<125x64xf32, #tpu.memory_space<vmem>>
      %dma_start3A_281 = arith.constant 0 : i32
      %dma_start3A_282 = tpu.memref_slice %arg12[%add3A_196, %dma_start3A_281] : memref<10000x64xf32, #tpu.memory_space<vmem_shared>> -> memref<125x64xf32, #tpu.memory_space<vmem_shared>>
      tpu.enqueue_dma source(%dma_start3A_282 : memref<125x64xf32, #tpu.memory_space<vmem_shared>>) target(%dma_start3A_280 : memref<125x64xf32, #tpu.memory_space<vmem>>) target_semaphore(%run_scoped3A_270 : memref<!tpu.dma_semaphore, #tpu.memory_space<semaphore_mem>>)
      %dma_wait3A_283 = arith.constant 0 : i32
      %dma_wait3A_284 = arith.constant 0 : i32
      %dma_wait3A_285 = tpu.memref_slice %arg10[%run_scoped3A_197, %dma_wait3A_283, %dma_wait3A_284] : memref<5x125x64xf32, #tpu.memory_space<vmem>> -> memref<1x125x64xf32, #tpu.memory_space<vmem>>
      %dma_wait3A_286 = tpu.memref_squeeze %dma_wait3A_285 : memref<1x125x64xf32, #tpu.memory_space<vmem>> -> memref<125x64xf32, #tpu.memory_space<vmem>>
      %dma_wait3A_287 = arith.constant 0 : i32
      %dma_wait3A_288 = tpu.memref_slice %arg12[%add3A_196, %dma_wait3A_287] : memref<10000x64xf32, #tpu.memory_space<vmem_shared>> -> memref<125x64xf32, #tpu.memory_space<vmem_shared>>
      %dma_wait3A_289 = arith.constant 0 : i32
      %dma_wait3A_290 = arith.constant 0 : i32
      %dma_wait3A_291 = tpu.memref_slice %arg10[%run_scoped3A_197, %dma_wait3A_289, %dma_wait3A_290] : memref<5x125x64xf32, #tpu.memory_space<vmem>> -> memref<1x125x64xf32, #tpu.memory_space<vmem>>
      %dma_wait3A_292 = tpu.memref_squeeze %dma_wait3A_291 : memref<1x125x64xf32, #tpu.memory_space<vmem>> -> memref<125x64xf32, #tpu.memory_space<vmem>>
      %dma_wait3A_293 = arith.constant 0 : i32
      %dma_wait3A_294 = tpu.memref_slice %arg12[%add3A_196, %dma_wait3A_293] : memref<10000x64xf32, #tpu.memory_space<vmem_shared>> -> memref<125x64xf32, #tpu.memory_space<vmem_shared>>
      tpu.wait_dma2 semaphore(%run_scoped3A_270 : memref<!tpu.dma_semaphore, #tpu.memory_space<semaphore_mem>>) src(%dma_wait3A_294 : memref<125x64xf32, #tpu.memory_space<vmem_shared>>) dst(%dma_wait3A_292 : memref<125x64xf32, #tpu.memory_space<vmem>>)
      tpu.yield
    }) : () -> ()
    %dma_start3A_198 = arith.constant 4 : i32
    %dma_start3A_199 = arith.constant 4 : i32
    %dma_start3A_200 = arith.constant 0 : i32
    %dma_start3A_201 = arith.constant 0 : i32
    %dma_start3A_202 = tpu.memref_slice %arg10[%dma_start3A_198, %dma_start3A_200, %dma_start3A_201] : memref<5x125x64xf32, #tpu.memory_space<vmem>> -> memref<1x125x64xf32, #tpu.memory_space<vmem>>
    %dma_start3A_203 = tpu.memref_squeeze %dma_start3A_202 : memref<1x125x64xf32, #tpu.memory_space<vmem>> -> memref<125x64xf32, #tpu.memory_space<vmem>>
    %dma_start3A_204 = arith.constant 0 : i32
    %dma_start3A_205 = tpu.memref_slice %arg11[%dma_start3A_199, %dma_start3A_204] : memref<5x125xi32, #tpu.memory_space<vmem>> -> memref<1x125xi32, #tpu.memory_space<vmem>>
    %dma_start3A_206 = tpu.memref_squeeze %dma_start3A_205 : memref<1x125xi32, #tpu.memory_space<vmem>> -> memref<125xi32, #tpu.memory_space<vmem>>
    %dma_start3A_207 = arith.constant 0 : i32
    %dma_start3A_208 = arith.constant 0 : i32
    %dma_start3A_209 = tpu.memref_slice %arg7[%dma_start3A_207, %dma_start3A_208] : memref<20000x64xf32, #tpu.memory_space<hbm>> -> memref<20000x64xf32, #tpu.memory_space<hbm>>
    tpu.enqueue_indirect_dma source(%dma_start3A_203 : memref<125x64xf32, #tpu.memory_space<vmem>>) target(%dma_start3A_209 : memref<20000x64xf32, #tpu.memory_space<hbm>>) offsets(%dma_start3A_206 : memref<125xi32, #tpu.memory_space<vmem>>) semaphore(%arg17 : memref<!tpu.dma_semaphore, #tpu.memory_space<semaphore_mem>>)
    %dma_wait3A_210 = arith.constant 0 : i32
    %dma_wait3A_211 = arith.constant 0 : i32
    %dma_wait3A_212 = arith.constant 0 : i32
    %dma_wait3A_213 = arith.constant 0 : i32
    %dma_wait3A_214 = tpu.memref_slice %arg10[%dma_wait3A_210, %dma_wait3A_212, %dma_wait3A_213] : memref<5x125x64xf32, #tpu.memory_space<vmem>> -> memref<1x125x64xf32, #tpu.memory_space<vmem>>
    %dma_wait3A_215 = tpu.memref_squeeze %dma_wait3A_214 : memref<1x125x64xf32, #tpu.memory_space<vmem>> -> memref<125x64xf32, #tpu.memory_space<vmem>>
    %dma_wait3A_216 = arith.constant 0 : i32
    %dma_wait3A_217 = tpu.memref_slice %arg11[%dma_wait3A_211, %dma_wait3A_216] : memref<5x125xi32, #tpu.memory_space<vmem>> -> memref<1x125xi32, #tpu.memory_space<vmem>>
    %dma_wait3A_218 = tpu.memref_squeeze %dma_wait3A_217 : memref<1x125xi32, #tpu.memory_space<vmem>> -> memref<125xi32, #tpu.memory_space<vmem>>
    %dma_wait3A_219 = arith.constant 0 : i32
    %dma_wait3A_220 = arith.constant 0 : i32
    %dma_wait3A_221 = tpu.memref_slice %arg7[%dma_wait3A_219, %dma_wait3A_220] : memref<20000x64xf32, #tpu.memory_space<hbm>> -> memref<20000x64xf32, #tpu.memory_space<hbm>>
    tpu.wait_indirect_dma semaphore(%arg13 : memref<!tpu.dma_semaphore, #tpu.memory_space<semaphore_mem>>) src(%dma_wait3A_215 : memref<125x64xf32, #tpu.memory_space<vmem>>) dst(%dma_wait3A_221 : memref<20000x64xf32, #tpu.memory_space<hbm>>)
    %dma_wait3A_222 = arith.constant 1 : i32
    %dma_wait3A_223 = arith.constant 1 : i32
    %dma_wait3A_224 = arith.constant 0 : i32
    %dma_wait3A_225 = arith.constant 0 : i32
    %dma_wait3A_226 = tpu.memref_slice %arg10[%dma_wait3A_222, %dma_wait3A_224, %dma_wait3A_225] : memref<5x125x64xf32, #tpu.memory_space<vmem>> -> memref<1x125x64xf32, #tpu.memory_space<vmem>>
    %dma_wait3A_227 = tpu.memref_squeeze %dma_wait3A_226 : memref<1x125x64xf32, #tpu.memory_space<vmem>> -> memref<125x64xf32, #tpu.memory_space<vmem>>
    %dma_wait3A_228 = arith.constant 0 : i32
    %dma_wait3A_229 = tpu.memref_slice %arg11[%dma_wait3A_223, %dma_wait3A_228] : memref<5x125xi32, #tpu.memory_space<vmem>> -> memref<1x125xi32, #tpu.memory_space<vmem>>
    %dma_wait3A_230 = tpu.memref_squeeze %dma_wait3A_229 : memref<1x125xi32, #tpu.memory_space<vmem>> -> memref<125xi32, #tpu.memory_space<vmem>>
    %dma_wait3A_231 = arith.constant 0 : i32
    %dma_wait3A_232 = arith.constant 0 : i32
    %dma_wait3A_233 = tpu.memref_slice %arg7[%dma_wait3A_231, %dma_wait3A_232] : memref<20000x64xf32, #tpu.memory_space<hbm>> -> memref<20000x64xf32, #tpu.memory_space<hbm>>
    tpu.wait_indirect_dma semaphore(%arg14 : memref<!tpu.dma_semaphore, #tpu.memory_space<semaphore_mem>>) src(%dma_wait3A_227 : memref<125x64xf32, #tpu.memory_space<vmem>>) dst(%dma_wait3A_233 : memref<20000x64xf32, #tpu.memory_space<hbm>>)
    %dma_wait3A_234 = arith.constant 2 : i32
    %dma_wait3A_235 = arith.constant 2 : i32
    %dma_wait3A_236 = arith.constant 0 : i32
    %dma_wait3A_237 = arith.constant 0 : i32
    %dma_wait3A_238 = tpu.memref_slice %arg10[%dma_wait3A_234, %dma_wait3A_236, %dma_wait3A_237] : memref<5x125x64xf32, #tpu.memory_space<vmem>> -> memref<1x125x64xf32, #tpu.memory_space<vmem>>
    %dma_wait3A_239 = tpu.memref_squeeze %dma_wait3A_238 : memref<1x125x64xf32, #tpu.memory_space<vmem>> -> memref<125x64xf32, #tpu.memory_space<vmem>>
    %dma_wait3A_240 = arith.constant 0 : i32
    %dma_wait3A_241 = tpu.memref_slice %arg11[%dma_wait3A_235, %dma_wait3A_240] : memref<5x125xi32, #tpu.memory_space<vmem>> -> memref<1x125xi32, #tpu.memory_space<vmem>>
    %dma_wait3A_242 = tpu.memref_squeeze %dma_wait3A_241 : memref<1x125xi32, #tpu.memory_space<vmem>> -> memref<125xi32, #tpu.memory_space<vmem>>
    %dma_wait3A_243 = arith.constant 0 : i32
    %dma_wait3A_244 = arith.constant 0 : i32
    %dma_wait3A_245 = tpu.memref_slice %arg7[%dma_wait3A_243, %dma_wait3A_244] : memref<20000x64xf32, #tpu.memory_space<hbm>> -> memref<20000x64xf32, #tpu.memory_space<hbm>>
    tpu.wait_indirect_dma semaphore(%arg15 : memref<!tpu.dma_semaphore, #tpu.memory_space<semaphore_mem>>) src(%dma_wait3A_239 : memref<125x64xf32, #tpu.memory_space<vmem>>) dst(%dma_wait3A_245 : memref<20000x64xf32, #tpu.memory_space<hbm>>)
    %dma_wait3A_246 = arith.constant 3 : i32
    %dma_wait3A_247 = arith.constant 3 : i32
    %dma_wait3A_248 = arith.constant 0 : i32
    %dma_wait3A_249 = arith.constant 0 : i32
    %dma_wait3A_250 = tpu.memref_slice %arg10[%dma_wait3A_246, %dma_wait3A_248, %dma_wait3A_249] : memref<5x125x64xf32, #tpu.memory_space<vmem>> -> memref<1x125x64xf32, #tpu.memory_space<vmem>>
    %dma_wait3A_251 = tpu.memref_squeeze %dma_wait3A_250 : memref<1x125x64xf32, #tpu.memory_space<vmem>> -> memref<125x64xf32, #tpu.memory_space<vmem>>
    %dma_wait3A_252 = arith.constant 0 : i32
    %dma_wait3A_253 = tpu.memref_slice %arg11[%dma_wait3A_247, %dma_wait3A_252] : memref<5x125xi32, #tpu.memory_space<vmem>> -> memref<1x125xi32, #tpu.memory_space<vmem>>
    %dma_wait3A_254 = tpu.memref_squeeze %dma_wait3A_253 : memref<1x125xi32, #tpu.memory_space<vmem>> -> memref<125xi32, #tpu.memory_space<vmem>>
    %dma_wait3A_255 = arith.constant 0 : i32
    %dma_wait3A_256 = arith.constant 0 : i32
    %dma_wait3A_257 = tpu.memref_slice %arg7[%dma_wait3A_255, %dma_wait3A_256] : memref<20000x64xf32, #tpu.memory_space<hbm>> -> memref<20000x64xf32, #tpu.memory_space<hbm>>
    tpu.wait_indirect_dma semaphore(%arg16 : memref<!tpu.dma_semaphore, #tpu.memory_space<semaphore_mem>>) src(%dma_wait3A_251 : memref<125x64xf32, #tpu.memory_space<vmem>>) dst(%dma_wait3A_257 : memref<20000x64xf32, #tpu.memory_space<hbm>>)
    %dma_wait3A_258 = arith.constant 4 : i32
    %dma_wait3A_259 = arith.constant 4 : i32
    %dma_wait3A_260 = arith.constant 0 : i32
    %dma_wait3A_261 = arith.constant 0 : i32
    %dma_wait3A_262 = tpu.memref_slice %arg10[%dma_wait3A_258, %dma_wait3A_260, %dma_wait3A_261] : memref<5x125x64xf32, #tpu.memory_space<vmem>> -> memref<1x125x64xf32, #tpu.memory_space<vmem>>
    %dma_wait3A_263 = tpu.memref_squeeze %dma_wait3A_262 : memref<1x125x64xf32, #tpu.memory_space<vmem>> -> memref<125x64xf32, #tpu.memory_space<vmem>>
    %dma_wait3A_264 = arith.constant 0 : i32
    %dma_wait3A_265 = tpu.memref_slice %arg11[%dma_wait3A_259, %dma_wait3A_264] : memref<5x125xi32, #tpu.memory_space<vmem>> -> memref<1x125xi32, #tpu.memory_space<vmem>>
    %dma_wait3A_266 = tpu.memref_squeeze %dma_wait3A_265 : memref<1x125xi32, #tpu.memory_space<vmem>> -> memref<125xi32, #tpu.memory_space<vmem>>
    %dma_wait3A_267 = arith.constant 0 : i32
    %dma_wait3A_268 = arith.constant 0 : i32
    %dma_wait3A_269 = tpu.memref_slice %arg7[%dma_wait3A_267, %dma_wait3A_268] : memref<20000x64xf32, #tpu.memory_space<hbm>> -> memref<20000x64xf32, #tpu.memory_space<hbm>>
    tpu.wait_indirect_dma semaphore(%arg17 : memref<!tpu.dma_semaphore, #tpu.memory_space<semaphore_mem>>) src(%dma_wait3A_263 : memref<125x64xf32, #tpu.memory_space<vmem>>) dst(%dma_wait3A_269 : memref<20000x64xf32, #tpu.memory_space<hbm>>)
    return
  }
}

module attributes {stable_mosaic.version = 14 : i64} {
  func.func @body(%arg0: memref<10000x128xf32, #tpu.memory_space<vmem>>, %arg1: memref<2x10000x16xf32, #tpu.memory_space<vmem>>, %arg2: memref<10000x128xf32, #tpu.memory_space<vmem>>) attributes {dimension_semantics = [], scalar_prefetch = 0 : i64, scratch_operands = 0 : i64, tpu.core_type = #tpu.core_type<tc>} {
    %get3A = arith.constant 0 : index
    %get3A_0 = arith.constant 0 : index
    %get3A_1 = arith.constant 0 : index
    %get3A_2 = vector.load %arg1[%get3A, %get3A_0, %get3A_1] : memref<2x10000x16xf32, #tpu.memory_space<vmem>>, vector<1x10000x16xf32>
    %get3A_3 = vector.shape_cast %get3A_2 : vector<1x10000x16xf32> to vector<10000x16xf32>
    %slice3A = vector.extract_strided_slice %get3A_3 {offsets = [0, 0], sizes = [10000, 1], strides = [1, 1]} : vector<10000x16xf32> to vector<10000x1xf32>
    %max3A = arith.constant 1.000000e+00 : f32
    %max3A_4 = vector.broadcast %max3A : f32 to vector<10000x1xf32>
    %max3A_5 = arith.maximumf %slice3A, %max3A_4 : vector<10000x1xf32>
    %rsqrt3A = math.rsqrt %max3A_5 : vector<10000x1xf32>
    %get3A_6 = arith.constant 0 : index
    %get3A_7 = arith.constant 0 : index
    %get3A_8 = vector.load %arg0[%get3A_6, %get3A_7] : memref<10000x128xf32, #tpu.memory_space<vmem>>, vector<10000x128xf32>
    %mul3A = vector.broadcast %rsqrt3A : vector<10000x1xf32> to vector<10000x128xf32>
    %mul3A_9 = arith.mulf %get3A_8, %mul3A : vector<10000x128xf32>
    %swap3A = arith.constant 0 : index
    %swap3A_10 = arith.constant 0 : index
    %swap3A_11 = vector.load %arg2[%swap3A, %swap3A_10] : memref<10000x128xf32, #tpu.memory_space<vmem>>, vector<10000x128xf32>
    tpu.vector_store %arg2[%swap3A, %swap3A_10], %mul3A_9 {strides = array<i32>} : memref<10000x128xf32, #tpu.memory_space<vmem>>, vector<10000x128xf32>,
    return
  }
}

module attributes {stable_mosaic.version = 14 : i64} {
  func.func @body(%arg0: memref<10000x128xf32, #tpu.memory_space<vmem>>, %arg1: memref<2x10000x16xf32, #tpu.memory_space<vmem>>, %arg2: memref<128x128xf32, #tpu.memory_space<vmem>>, %arg3: memref<1x128xf32, #tpu.memory_space<vmem>>, %arg4: memref<1x128xf32, #tpu.memory_space<vmem>>, %arg5: memref<1x128xf32, #tpu.memory_space<vmem>>, %arg6: memref<1x1xf32, #tpu.memory_space<vmem>>, %arg7: memref<10000x128xf32, #tpu.memory_space<vmem>>) attributes {dimension_semantics = [], scalar_prefetch = 0 : i64, scratch_operands = 0 : i64, tpu.core_type = #tpu.core_type<tc>} {
    %get3A = arith.constant 1 : index
    %get3A_0 = arith.constant 0 : index
    %get3A_1 = arith.constant 0 : index
    %get3A_2 = vector.load %arg1[%get3A, %get3A_0, %get3A_1] : memref<2x10000x16xf32, #tpu.memory_space<vmem>>, vector<1x10000x16xf32>
    %get3A_3 = vector.shape_cast %get3A_2 : vector<1x10000x16xf32> to vector<10000x16xf32>
    %slice3A = vector.extract_strided_slice %get3A_3 {offsets = [0, 0], sizes = [10000, 1], strides = [1, 1]} : vector<10000x16xf32> to vector<10000x1xf32>
    %max3A = arith.constant 1.000000e+00 : f32
    %max3A_4 = vector.broadcast %max3A : f32 to vector<10000x1xf32>
    %max3A_5 = arith.maximumf %slice3A, %max3A_4 : vector<10000x1xf32>
    %rsqrt3A = math.rsqrt %max3A_5 : vector<10000x1xf32>
    %get3A_6 = arith.constant 0 : index
    %get3A_7 = arith.constant 0 : index
    %get3A_8 = vector.load %arg0[%get3A_6, %get3A_7] : memref<10000x128xf32, #tpu.memory_space<vmem>>, vector<10000x128xf32>
    %mul3A = vector.broadcast %rsqrt3A : vector<10000x1xf32> to vector<10000x128xf32>
    %mul3A_9 = arith.mulf %get3A_8, %mul3A : vector<10000x128xf32>
    %get3A_10 = arith.constant 0 : index
    %get3A_11 = arith.constant 0 : index
    %get3A_12 = vector.load %arg2[%get3A_10, %get3A_11] : memref<128x128xf32, #tpu.memory_space<vmem>>, vector<128x128xf32>
    %dot_general3A = arith.constant dense<0.000000e+00> : vector<10000x128xf32>
    %dot_general3A_13 = tpu.matmul %mul3A_9, %get3A_12, %dot_general3A {dimension_numbers = #tpu.dot_dimension_numbers<[1], [0], [0], [1], [0, 0, 1, 1], [], []>, transpose_lhs_hint = false} : vector<10000x128xf32>, vector<128x128xf32>, vector<10000x128xf32> -> vector<10000x128xf32>
    %get3A_14 = arith.constant 0 : index
    %get3A_15 = arith.constant 0 : index
    %get3A_16 = vector.load %arg3[%get3A_14, %get3A_15] : memref<1x128xf32, #tpu.memory_space<vmem>>, vector<1x128xf32>
    %add3A = vector.broadcast %get3A_16 : vector<1x128xf32> to vector<10000x128xf32>
    %add3A_17 = arith.addf %dot_general3A_13, %add3A : vector<10000x128xf32>
    %reduce_sum3A = arith.constant dense<0.000000e+00> : vector<128xf32>
    %reduce_sum3A_18 = vector.multi_reduction <add>, %add3A_17, %reduce_sum3A [0] : vector<10000x128xf32> to vector<128xf32>
    %broadcast_in_dim3A = vector.shape_cast %reduce_sum3A_18 : vector<128xf32> to vector<1x128xf32>
    %div3A = arith.constant 1.000000e+04 : f32
    %div3A_19 = vector.broadcast %div3A : f32 to vector<1x128xf32>
    %div3A_20 = arith.divf %broadcast_in_dim3A, %div3A_19 : vector<1x128xf32>
    %sub3A = vector.broadcast %div3A_20 : vector<1x128xf32> to vector<10000x128xf32>
    %sub3A_21 = arith.subf %add3A_17, %sub3A : vector<10000x128xf32>
    %mul3A_22 = arith.mulf %sub3A_21, %sub3A_21 : vector<10000x128xf32>
    %reduce_sum3A_23 = arith.constant dense<0.000000e+00> : vector<128xf32>
    %reduce_sum3A_24 = vector.multi_reduction <add>, %mul3A_22, %reduce_sum3A_23 [0] : vector<10000x128xf32> to vector<128xf32>
    %broadcast_in_dim3A_25 = vector.shape_cast %reduce_sum3A_24 : vector<128xf32> to vector<1x128xf32>
    %div3A_26 = arith.constant 1.000000e+04 : f32
    %div3A_27 = vector.broadcast %div3A_26 : f32 to vector<1x128xf32>
    %div3A_28 = arith.divf %broadcast_in_dim3A_25, %div3A_27 : vector<1x128xf32>
    %get3A_29 = arith.constant 0 : index
    %get3A_30 = arith.constant 0 : index
    %get3A_31 = vector.load %arg4[%get3A_29, %get3A_30] : memref<1x128xf32, #tpu.memory_space<vmem>>, vector<1x128xf32>
    %mul3A_32 = vector.broadcast %get3A_31 : vector<1x128xf32> to vector<10000x128xf32>
    %mul3A_33 = arith.mulf %mul3A_32, %sub3A_21 : vector<10000x128xf32>
    %add3A_34 = arith.constant 9.99999974E-6 : f32
    %add3A_35 = vector.broadcast %add3A_34 : f32 to vector<1x128xf32>
    %add3A_36 = arith.addf %div3A_28, %add3A_35 : vector<1x128xf32>
    %rsqrt3A_37 = math.rsqrt %add3A_36 : vector<1x128xf32>
    %mul3A_38 = vector.broadcast %rsqrt3A_37 : vector<1x128xf32> to vector<10000x128xf32>
    %mul3A_39 = arith.mulf %mul3A_33, %mul3A_38 : vector<10000x128xf32>
    %get3A_40 = arith.constant 0 : index
    %get3A_41 = arith.constant 0 : index
    %get3A_42 = vector.load %arg5[%get3A_40, %get3A_41] : memref<1x128xf32, #tpu.memory_space<vmem>>, vector<1x128xf32>
    %add3A_43 = vector.broadcast %get3A_42 : vector<1x128xf32> to vector<10000x128xf32>
    %add3A_44 = arith.addf %mul3A_39, %add3A_43 : vector<10000x128xf32>
    %ge3A = arith.constant 0.000000e+00 : f32
    %ge3A_45 = vector.broadcast %ge3A : f32 to vector<10000x128xf32>
    %ge3A_46 = arith.cmpf oge, %add3A_44, %ge3A_45 : vector<10000x128xf32>
    %get3A_47 = arith.constant 0 : index
    %get3A_48 = arith.constant 0 : index
    %get3A_49 = vector.load %arg6[%get3A_47, %get3A_48] : memref<1x1xf32, #tpu.memory_space<vmem>>, vector<1x1xf32>
    %get3A_50 = vector.extract %get3A_49[0, 0] : f32 from vector<1x1xf32>
    %mul3A_51 = vector.broadcast %get3A_50 : f32 to vector<10000x128xf32>
    %mul3A_52 = arith.mulf %mul3A_51, %add3A_44 : vector<10000x128xf32>
    %select_n3A = arith.select %ge3A_46, %add3A_44, %mul3A_52 : vector<10000x128xi1>, vector<10000x128xf32>
    %get3A_53 = arith.constant 0 : index
    %get3A_54 = arith.constant 0 : index
    %get3A_55 = arith.constant 0 : index
    %get3A_56 = vector.load %arg1[%get3A_53, %get3A_54, %get3A_55] : memref<2x10000x16xf32, #tpu.memory_space<vmem>>, vector<1x10000x16xf32>
    %get3A_57 = vector.shape_cast %get3A_56 : vector<1x10000x16xf32> to vector<10000x16xf32>
    %slice3A_58 = vector.extract_strided_slice %get3A_57 {offsets = [0, 0], sizes = [10000, 1], strides = [1, 1]} : vector<10000x16xf32> to vector<10000x1xf32>
    %max3A_59 = arith.constant 1.000000e+00 : f32
    %max3A_60 = vector.broadcast %max3A_59 : f32 to vector<10000x1xf32>
    %max3A_61 = arith.maximumf %slice3A_58, %max3A_60 : vector<10000x1xf32>
    %rsqrt3A_62 = math.rsqrt %max3A_61 : vector<10000x1xf32>
    %mul3A_63 = vector.broadcast %rsqrt3A_62 : vector<10000x1xf32> to vector<10000x128xf32>
    %mul3A_64 = arith.mulf %select_n3A, %mul3A_63 : vector<10000x128xf32>
    %swap3A = arith.constant 0 : index
    %swap3A_65 = arith.constant 0 : index
    %swap3A_66 = vector.load %arg7[%swap3A, %swap3A_65] : memref<10000x128xf32, #tpu.memory_space<vmem>>, vector<10000x128xf32>
    tpu.vector_store %arg7[%swap3A, %swap3A_65], %mul3A_64 {strides = array<i32>} : memref<10000x128xf32, #tpu.memory_space<vmem>>, vector<10000x128xf32>,
    return
  }
}

module attributes {stable_mosaic.version = 14 : i64} {
  func.func @body(%arg0: memref<10000x128xf32, #tpu.memory_space<vmem>>, %arg1: memref<2x10000x16xf32, #tpu.memory_space<vmem>>, %arg2: memref<128x128xf32, #tpu.memory_space<vmem>>, %arg3: memref<1x128xf32, #tpu.memory_space<vmem>>, %arg4: memref<1x128xf32, #tpu.memory_space<vmem>>, %arg5: memref<1x128xf32, #tpu.memory_space<vmem>>, %arg6: memref<1x1xf32, #tpu.memory_space<vmem>>, %arg7: memref<10000x128xf32, #tpu.memory_space<vmem>>) attributes {dimension_semantics = [], scalar_prefetch = 0 : i64, scratch_operands = 0 : i64, tpu.core_type = #tpu.core_type<tc>} {
    %get3A = arith.constant 1 : index
    %get3A_0 = arith.constant 0 : index
    %get3A_1 = arith.constant 0 : index
    %get3A_2 = vector.load %arg1[%get3A, %get3A_0, %get3A_1] : memref<2x10000x16xf32, #tpu.memory_space<vmem>>, vector<1x10000x16xf32>
    %get3A_3 = vector.shape_cast %get3A_2 : vector<1x10000x16xf32> to vector<10000x16xf32>
    %slice3A = vector.extract_strided_slice %get3A_3 {offsets = [0, 0], sizes = [10000, 1], strides = [1, 1]} : vector<10000x16xf32> to vector<10000x1xf32>
    %max3A = arith.constant 1.000000e+00 : f32
    %max3A_4 = vector.broadcast %max3A : f32 to vector<10000x1xf32>
    %max3A_5 = arith.maximumf %slice3A, %max3A_4 : vector<10000x1xf32>
    %rsqrt3A = math.rsqrt %max3A_5 : vector<10000x1xf32>
    %get3A_6 = arith.constant 0 : index
    %get3A_7 = arith.constant 0 : index
    %get3A_8 = vector.load %arg0[%get3A_6, %get3A_7] : memref<10000x128xf32, #tpu.memory_space<vmem>>, vector<10000x128xf32>
    %mul3A = vector.broadcast %rsqrt3A : vector<10000x1xf32> to vector<10000x128xf32>
    %mul3A_9 = arith.mulf %get3A_8, %mul3A : vector<10000x128xf32>
    %get3A_10 = arith.constant 0 : index
    %get3A_11 = arith.constant 0 : index
    %get3A_12 = vector.load %arg2[%get3A_10, %get3A_11] : memref<128x128xf32, #tpu.memory_space<vmem>>, vector<128x128xf32>
    %dot_general3A = arith.constant dense<0.000000e+00> : vector<10000x128xf32>
    %dot_general3A_13 = tpu.matmul %mul3A_9, %get3A_12, %dot_general3A {dimension_numbers = #tpu.dot_dimension_numbers<[1], [0], [0], [1], [0, 0, 1, 1], [], []>, transpose_lhs_hint = false} : vector<10000x128xf32>, vector<128x128xf32>, vector<10000x128xf32> -> vector<10000x128xf32>
    %get3A_14 = arith.constant 0 : index
    %get3A_15 = arith.constant 0 : index
    %get3A_16 = vector.load %arg3[%get3A_14, %get3A_15] : memref<1x128xf32, #tpu.memory_space<vmem>>, vector<1x128xf32>
    %add3A = vector.broadcast %get3A_16 : vector<1x128xf32> to vector<10000x128xf32>
    %add3A_17 = arith.addf %dot_general3A_13, %add3A : vector<10000x128xf32>
    %reduce_sum3A = arith.constant dense<0.000000e+00> : vector<128xf32>
    %reduce_sum3A_18 = vector.multi_reduction <add>, %add3A_17, %reduce_sum3A [0] : vector<10000x128xf32> to vector<128xf32>
    %broadcast_in_dim3A = vector.shape_cast %reduce_sum3A_18 : vector<128xf32> to vector<1x128xf32>
    %div3A = arith.constant 1.000000e+04 : f32
    %div3A_19 = vector.broadcast %div3A : f32 to vector<1x128xf32>
    %div3A_20 = arith.divf %broadcast_in_dim3A, %div3A_19 : vector<1x128xf32>
    %sub3A = vector.broadcast %div3A_20 : vector<1x128xf32> to vector<10000x128xf32>
    %sub3A_21 = arith.subf %add3A_17, %sub3A : vector<10000x128xf32>
    %mul3A_22 = arith.mulf %sub3A_21, %sub3A_21 : vector<10000x128xf32>
    %reduce_sum3A_23 = arith.constant dense<0.000000e+00> : vector<128xf32>
    %reduce_sum3A_24 = vector.multi_reduction <add>, %mul3A_22, %reduce_sum3A_23 [0] : vector<10000x128xf32> to vector<128xf32>
    %broadcast_in_dim3A_25 = vector.shape_cast %reduce_sum3A_24 : vector<128xf32> to vector<1x128xf32>
    %div3A_26 = arith.constant 1.000000e+04 : f32
    %div3A_27 = vector.broadcast %div3A_26 : f32 to vector<1x128xf32>
    %div3A_28 = arith.divf %broadcast_in_dim3A_25, %div3A_27 : vector<1x128xf32>
    %get3A_29 = arith.constant 0 : index
    %get3A_30 = arith.constant 0 : index
    %get3A_31 = vector.load %arg4[%get3A_29, %get3A_30] : memref<1x128xf32, #tpu.memory_space<vmem>>, vector<1x128xf32>
    %mul3A_32 = vector.broadcast %get3A_31 : vector<1x128xf32> to vector<10000x128xf32>
    %mul3A_33 = arith.mulf %mul3A_32, %sub3A_21 : vector<10000x128xf32>
    %add3A_34 = arith.constant 9.99999974E-6 : f32
    %add3A_35 = vector.broadcast %add3A_34 : f32 to vector<1x128xf32>
    %add3A_36 = arith.addf %div3A_28, %add3A_35 : vector<1x128xf32>
    %rsqrt3A_37 = math.rsqrt %add3A_36 : vector<1x128xf32>
    %mul3A_38 = vector.broadcast %rsqrt3A_37 : vector<1x128xf32> to vector<10000x128xf32>
    %mul3A_39 = arith.mulf %mul3A_33, %mul3A_38 : vector<10000x128xf32>
    %get3A_40 = arith.constant 0 : index
    %get3A_41 = arith.constant 0 : index
    %get3A_42 = vector.load %arg5[%get3A_40, %get3A_41] : memref<1x128xf32, #tpu.memory_space<vmem>>, vector<1x128xf32>
    %add3A_43 = vector.broadcast %get3A_42 : vector<1x128xf32> to vector<10000x128xf32>
    %add3A_44 = arith.addf %mul3A_39, %add3A_43 : vector<10000x128xf32>
    %ge3A = arith.constant 0.000000e+00 : f32
    %ge3A_45 = vector.broadcast %ge3A : f32 to vector<10000x128xf32>
    %ge3A_46 = arith.cmpf oge, %add3A_44, %ge3A_45 : vector<10000x128xf32>
    %get3A_47 = arith.constant 0 : index
    %get3A_48 = arith.constant 0 : index
    %get3A_49 = vector.load %arg6[%get3A_47, %get3A_48] : memref<1x1xf32, #tpu.memory_space<vmem>>, vector<1x1xf32>
    %get3A_50 = vector.extract %get3A_49[0, 0] : f32 from vector<1x1xf32>
    %mul3A_51 = vector.broadcast %get3A_50 : f32 to vector<10000x128xf32>
    %mul3A_52 = arith.mulf %mul3A_51, %add3A_44 : vector<10000x128xf32>
    %select_n3A = arith.select %ge3A_46, %add3A_44, %mul3A_52 : vector<10000x128xi1>, vector<10000x128xf32>
    %swap3A = arith.constant 0 : index
    %swap3A_53 = arith.constant 0 : index
    %swap3A_54 = vector.load %arg7[%swap3A, %swap3A_53] : memref<10000x128xf32, #tpu.memory_space<vmem>>, vector<10000x128xf32>
    tpu.vector_store %arg7[%swap3A, %swap3A_53], %select_n3A {strides = array<i32>} : memref<10000x128xf32, #tpu.memory_space<vmem>>, vector<10000x128xf32>,
    return
  }
}

</mosaic_0001>

<sc_bundles>
// kernel: kernel.11.cloned.1.call-start
scs
__scs_entry_jumppad:
0x0: {  	(pc) =	sbr.rel $0x88, $3  }
0x1: {  	(tag) =	ssettag $0x0;
	lr =	simm.s32 $0x1  }
0x2: {  	[smem:$0x3F95] =	sst lr;
	_ =	strace $0xD0000000  }
0x3: {  	_ = 	snop  }
0x4: {  	_ = 	snop  }
0x5: {  	_ = 	snop  }
0x6: {  	_ = 	snop  }
0x7: {  	_ = 	snop  }
__scs_overlays_trampoline_lowered:
0x8: {  	[smem:$0x3FA4] =	sst s0  }
0x9: {  	[smem:$0x3FA5] =	sst s1  }
0xa: {  	[smem:$0x3FA6] =	sst s2  }
0xb: {  	[smem:$0x3FA7] =	sst s3  }
0xc: {  	[smem:$0x3FA8] =	sst s4  }
0xd: {  	[smem:$0x3FA9] =	sst s5  }
0xe: {  	[smem:$0x3FAA] =	sst s6  }
0xf: {  	[smem:$0x3FAB] =	sst s7  }
0x10: {  	[smem:$0x3FAC] =	sst s8  }
0x11: {  	[smem:$0x3FAD] =	sst s9;
	s0 =	simm.s32 @!p0 $0x0  }
0x12: {  	s1 =	sld [smem:$0x3F93];
	s0 =	simm.s32 @p0 $0x1  }
0x13: {  	[smem:$0x3FAE] =	sst s0;
	s0 =	simm.s32 @!p1 $0x0  }
0x14: {  	s2 =	sld [smem:$0x3F92];
	s0 =	simm.s32 @p1 $0x1  }
0x15: {  	[smem:$0x3FAF] =	sst s0;
	s0 =	simm.s32 @!p2 $0x0  }
0x16: {  	s3 =	sld [smem:$0x3FDB];
	s0 =	simm.s32 @p2 $0x1  }
0x17: {  	s4 =	simm.s32 $0x1BF5;
	[smem:$0x3FB1] =	sst s0  }
0x18: {  	s0 =	sld [smem:$0x3F94];
	_ =	swait.ge [sflag:s4], $0x0  }
0x19: {  	s7 =	sld [smem:$0x3F95]  }
0x1a: {  	s8 =	sadd.s32 $0xFFFFE003, lr  }
0x1b: {  	s9 =	sadd.s32 $0xFFFFFEF7, lr;
	s5 =	simm.s32 $0xFFFFFFFF;
	p2 =	slt.u32 s8, $0xFFFFF086  }
0x1c: {  	p1 =	slt.u32 s9, $0xF7A;
	s5 =	simm.s32 @!p2 $0x0  }
0x1d: {  	s5 =	simm.s32 @p1 $0x1;
	p0 =	seq.s32 s7, s2  }
0x1e: {  	s7 =	smul.u32 @!p0 $0xF7A, s2;
	p2 =	seq.s32 @!p0 s5, $0x0  }
0x1f: {  	s9 =	smul.u32 $0xF7A, s1;
	s8 =	simm.s32 @!p0 $0x1BF5;
	p2 =	por !p2, p0  }
0x20: {  	[sflag:s8] =	ssyncset.s32 @!p0 $0xFFFFF086;
	s6 =	sadd.s32 @!p0 s3, s7;
	s7 =	simm.s32 @!p0 $0x108  }
0x21: {  	s3 =	sadd.s32 s3, s9;
	s6 =	sadd.s32 @!p0 $0x88, s6;
	s7 =	simm.s32 @p2 $0x1082  }
0x22: {  	[simem:s7], [sflag:s8] =	dma.local @!p0 [hbm:s6], $0xF7A  }
0x23: {  	s9 =	sor.u32 $0xD0000000, s2;
	s6 =	simm.s32 $0x108;
	_ =	swait.ge @!p0 [sflag:s8], $0x0  }
0x24: {  	s3 =	sadd.s32 $0x88, s3;
	s6 =	simm.s32 @!p1 $0x1082;
	[sflag:s4] =	ssyncset.s32 $0xFFFFF086  }
0x25: {  	[simem:s6], [sflag:s4] =	dma.local [hbm:s3], $0xF7A  }
0x26: {  	[smem:$0x3F95] =	sst s1;
	(tag) =	ssettag s2;
	_ =	strace s9  }
0x27: {  	s1 =	sld [smem:$0x3FA5]  }
0x28: {  	s2 =	sld [smem:$0x3FA6]  }
0x29: {  	s4 =	sld [smem:$0x3FA8]  }
0x2a: {  	p0 =	seq.s32 s5, $0x0;
	s5 =	sld [smem:$0x3FA9]  }
0x2b: {  	s6 =	sld [smem:$0x3FAA]  }
0x2c: {  	s7 =	sld [smem:$0x3FAB]  }
0x2d: {  	s3 =	simm.s32 $0x108;
	s8 =	sld [smem:$0x3FAC]  }
0x2e: {  	s3 =	simm.s32 @!p0 $0x1082;
	s9 =	sld [smem:$0x3FAD]  }
0x2f: {  	lr =	sadd.s32 s0, s3;
	s0 =	sld [smem:$0x3FA4]  }
0x30: {  	s3 =	sld [smem:$0x3FA7]  }
0x31: {  	[smem:$0x3FB0] =	sst s10  }
0x32: {  	s10 =	sld [smem:$0x3FAE];
	_ =	sdelay $0x3  }
0x33: {  	p0 =	seq.s32 s10, $0x1;
	s10 =	sld [smem:$0x3FB0];
	_ =	sdelay $0x3  }
0x34: {  	[smem:$0x3FB0] =	sst s10  }
0x35: {  	s10 =	sld [smem:$0x3FAF];
	_ =	sdelay $0x3  }
0x36: {  	p1 =	seq.s32 s10, $0x1;
	s10 =	sld [smem:$0x3FB0];
	_ =	sdelay $0x3  }
0x37: {  	[smem:$0x3FB0] =	sst s10  }
0x38: {  	s10 =	sld [smem:$0x3FB1]  }
0x39: {  	_ = 	snop;
	(pc) =	sbr.ind lr, $3  }
0x3a: {  	_ = 	snop  }
0x3b: {  	_ = 	snop  }
0x3c: {  	p2 =	seq.s32 s10, $0x1;
	s10 =	sld [smem:$0x3FB0]  }
0x3d: {  	_ =	shalt  }
0x3e: {  	_ =	shalt  }
0x3f: {  	_ =	shalt  }
0x40: {  	_ =	shalt  }
0x41: {  	_ =	shalt  }
0x42: {  	_ =	shalt  }
0x43: {  	_ =	shalt  }
0x44: {  	_ =	shalt  }
0x45: {  	_ =	shalt  }
0x46: {  	_ =	shalt  }
0x47: {  	_ =	shalt  }
0x48: {  	_ =	shalt  }
0x49: {  	_ =	shalt  }
0x4a: {  	_ =	shalt  }
0x4b: {  	_ =	shalt  }
0x4c: {  	_ =	shalt  }
0x4d: {  	_ =	shalt  }
0x4e: {  	_ =	shalt  }
0x4f: {  	_ =	shalt  }
0x50: {  	_ =	shalt  }
0x51: {  	_ =	shalt  }
0x52: {  	_ =	shalt  }
0x53: {  	_ =	shalt  }
0x54: {  	_ =	shalt  }
0x55: {  	_ =	shalt  }
0x56: {  	_ =	shalt  }
0x57: {  	_ =	shalt  }
0x58: {  	_ =	shalt  }
0x59: {  	_ =	shalt  }
0x5a: {  	_ =	shalt  }
0x5b: {  	_ =	shalt  }
0x5c: {  	_ =	shalt  }
0x5d: {  	_ =	shalt  }
0x5e: {  	_ =	shalt  }
0x5f: {  	_ =	shalt  }
0x60: {  	_ =	shalt  }
0x61: {  	_ =	shalt  }
0x62: {  	_ =	shalt  }
0x63: {  	_ =	shalt  }
0x64: {  	_ =	shalt  }
0x65: {  	_ =	shalt  }
0x66: {  	_ =	shalt  }
0x67: {  	_ =	shalt  }
0x68: {  	_ =	shalt  }
0x69: {  	_ =	shalt  }
0x6a: {  	_ =	shalt  }
0x6b: {  	_ =	shalt  }
0x6c: {  	_ =	shalt  }
0x6d: {  	_ =	shalt  }
0x6e: {  	_ =	shalt  }
0x6f: {  	_ =	shalt  }
0x70: {  	_ =	shalt  }
0x71: {  	_ =	shalt  }
0x72: {  	_ =	shalt  }
0x73: {  	_ =	shalt  }
0x74: {  	_ =	shalt  }
0x75: {  	_ =	shalt  }
0x76: {  	_ =	shalt  }
0x77: {  	_ =	shalt  }
0x78: {  	_ =	shalt  }
0x79: {  	_ =	shalt  }
0x7a: {  	_ =	shalt  }
0x7b: {  	_ =	shalt  }
0x7c: {  	_ =	shalt  }
0x7d: {  	_ =	shalt  }
0x7e: {  	_ =	shalt  }
0x7f: {  	_ =	shalt  }
0x80: {  	_ =	shalt  }
0x81: {  	_ =	shalt  }
0x82: {  	_ =	shalt  }
0x83: {  	_ =	shalt  }
0x84: {  	_ =	shalt  }
0x85: {  	_ =	shalt  }
0x86: {  	_ =	shalt  }
0x87: {  	_ =	shalt  }
.Lfunc_end0:
.L_simem_size_0:
called_computation.1_lowered:
.L_overlay_start_0:
0x88: {  	s2 =	sld [smem:$0x3FD9]  }
0x89: {  	s3 =	sld [smem:$0x3FFE];
	_ =	sdelay $0x1  }
0x8a: {  	s1 =	srdreg.scid  }
0x8b: {  	s0 =	sand.u32 $0x1, s1  }
0x8c: {  	s17 =	sshll.u32 s0, $0xA;
	s2 =	sadd.s32 s3, s2  }
0x8d: {  	s2 =	sadd.s32 s2, s17  }
0x8e: {  	[smem:$0x3FBC] =	sst s2  }
0x8f: {  	_ = 	snop  }
0x90: {  	s2 =	sld [smem:$0x3FD0];
	(tm) =	ssettm $0x1  }
0x91: {  	s18 =	sld [smem:$0x3FFB];
	_ =	sdelay $0x3  }
0x92: {  	_ =	strace s18  }
0x93: {  	s3 =	sld [smem:$0x3FFC];
	_ =	sdelay $0x3  }
0x94: {  	_ =	strace s3  }
0x95: {  	s3 =	sld [smem:$0x3FFD];
	_ =	sdelay $0x3  }
0x96: {  	_ =	strace s3  }
0x97: {  	_ =	strace $0x8FFFFFFF  }
0x98: {  	s19 =	sld [smem:$0x3FDB];
	_ =	sdelay $0x1  }
0x99: {  	s4 =	simm.s32 $_scs_section_size  }
0x9a: {  	s5 =	simm.s32 $_size__tile_overlayer_lowered;
	s6 =	simm.s32 $_tile_overlayer_lowered  }
0x9b: {  	s22 =	simm.s32 $0x1BFF;
	s21 =	sshll.u32 s6, $0x1;
	s3 =	sadd.s32 s4, s19  }
0x9c: {  	s7 =	simm.s32 $0x0;
	s20 =	sshll.u32 s5, $0x1;
	s5 =	sadd.s32 s21, s3  }
0x9d: {  	[timem:s7], [sflag:s22] =	dma.local [hbm:s5], s20  }
0x9e: {  	_ =	swait.ge [sflag:s22], s20  }
0x9f: {  	s4 =	ssub.s32 $0x0, s20;
	[sflag:s22] =	ssyncset.done $0x0  }
0xa0: {  	[sflag:s22] =	ssyncadd.s32 s4;
	_ =	sdelay $0x1  }
0xa1: {  	s23 =	simm.s32 $0x1B8B  }
0xa2: {  	_ =	swait.ge [sflag:s23], $0x1  }
0xa3: {  	[sflag:s23] =	ssyncset.done $0x0  }
0xa4: {  	s25 =	simm.s32 $0x1B8E;
	s24 =	sld [smem:$0x3FFE];
	[sflag:s23] =	ssyncadd.s32 $0xFFFFFFFF  }
0xa5: {  	s26 =	simm.s32 $execute0_lowered;
	[smem:$0x3FD2] =	sst s25  }
0xa6: {  	s5 =	sshll.u32 s26, $0x1;
	_ =	strace $0x80000049;
	[dreg:$0x1] =	wrdreg $0xFFFFFFFF  }
0xa7: {  	s28 =	simm.s32 $_size_execute0_lowered;
	s3 =	sadd.s32 s3, s5;
	[dreg:$0x0] =	wrdreg $0x0  }
0xa8: {  	s5 =	sshll.u32 s28, $0x1;
	[dreg:$0x2] =	wrdreg s3  }
0xa9: {  	[dreg:$0x3] =	wrdreg s5  }
0xaa: {  	[dreg:$0x4] =	wrdreg $0xC0  }
0xab: {  	_ =	task [dreg:s7], $0x5FFFF  }
0xac: {  	[dreg:$0x1] =	wrdreg $0xFFFFFFFF  }
0xad: {  	[dreg:$0x0] =	wrdreg $0x60  }
0xae: {  	[dreg:$0x2] =	wrdreg s2  }
0xaf: {  	[dreg:$0x3] =	wrdreg s24  }
0xb0: {  	[dreg:$0x4] =	wrdreg $0x13EC00  }
0xb1: {  	[dreg:$0x5] =	wrdreg $0x9  }
0xb2: {  	_ =	task.clear_ibuf [dreg:s7], $0x6FFFF;
	_ =	strace $0x90000049  }
0xb3: {  	s29 =	simm.s32 $0x9;
	_ =	strace $0x8000004B  }
0xb4: {  	_ =	swait.ge [sflag:s29], $0x1  }
0xb5: {  	[sflag:s29] =	ssyncadd.s32 $0xFFFFFFFF  }
0xb6: {  	_ =	strace $0x9000004B  }
0xb7: {  	_ =	sfence  }
0xb8: {  	s30 =	sld [smem:$0x0];
	_ =	sdelay $0x2  }
0xb9: {  	s31 =	sshll.u32 s1, $0xD;
	s1 =	sshrl.u32 s1, $0x2  }
0xba: {  	s3 =	sand.u32 $0x4000, s31;
	s1 =	sadd.s32 s1, s30  }
0xbb: {  	s0 =	sor.u32 s3, s0;
	s1 =	sshll.u32 s1, $0x11  }
0xbc: {  	s0 =	sor.u32 s1, s0  }
0xbd: {  	s0 =	sadd.s32 $0x8F2B, s0  }
0xbe: {  	[sflag:s0] =	ssyncadd.remote.s32 $0x1  }
0xbf: {  	_ =	sfence.sel $0xFFFF  }
0xc0: {  	[dreg:$0x0] =	wrdreg $0xFFFFFFFF;
	(pc) =	sbr.abs _section_cstart, $3  }
0xc1: {  	[dreg:$0x1] =	wrdreg $0xFFFFFFFF  }
0xc2: {  	_ =	task.clear_ibuf [dreg:s7], $0x2FFFF;
	_ =	strace $0x9FFFFFFF  }
0xc3: {  	(tm) =	ssettm $0x7FFFFFFF  }
tec
execute0_lowered:
.L_overlay_start_1:
0x0: {  	(tag) =	ssettag $0x1  }
0x1: {  	s0 =	srdreg.scid  }
0x2: {  	s1 =	rddreg [dreg:$0x0];
	s11 =	stileid.u32  }
0x3: {  	s6 =	rddreg [dreg:$0x1];
	s7 =	smul.u32 $0x5000, s11  }
0x4: {  	s3 =	rddreg [dreg:$0x2];
	s4 =	simm.s32 $0x0;
	s8 =	smul.u32 $0x280, s11  }
0x5: {  	s28 =	simm.s32 $0xBF40;
	s30 =	simm.s32 $0xDE80;
	s17 =	smul.u32 $0x1388, s11  }
0x6: {  	s29 =	simm.s32 $0x6;
	s0 =	sand.u32 $0x1, s0;
	s18 =	smul.u32 $0x27100, s11  }
0x7: {  	s31 =	simm.s32 $0x7;
	[smem:$0x7FF] =	sst s4;
	s2 =	smul.u32 $0x50000, s0  }
0x8: {  	s22 =	sshll.u32 s11, $0x6;
	s5 =	smul.u32 $0x2800, s0;
	_ =	strace $0x8000004A  }
0x9: {  	s0 =	ssub.s32 $0x2, s0;
	s24 =	sor.u32 $0x1C04, s22;
	s22 =	simm.s32 $0x3  }
0xa: {  	s10 =	sshrl.u32 s0, $0x1;
	s21 =	sshrl.u32 s18, $0x2;
	[dreg:$0x8] =	wrdreg s24  }
0xb: {  	s18 =	simm.s32 $0x13C40;
	s24 =	simm.s32 $0x7D;
	s2 =	sadd.s32 s7, s2  }
0xc: {  	s5 =	sadd.s32 s8, s5;
	s8 =	sadd.s32 s17, s6;
	s7 =	sshrl.u32 s7, $0x3  }
0xd: {  	s0 =	ssub.s32 s0, s10;
	s17 =	simm.s32 $0x11D00;
	s10 =	simm.s32 $0x0  }
0xe: {  	s2 =	sshrl.u32 s2, $0x3;
	s5 =	sshrl.u32 s5, $0x3;
	s23 =	sadd.s32 $0x30800, s8  }
0xf: {  	s16 =	smax.u32 s0, $0x1;
	s0 =	simm.s32 $0x8;
	s8 =	simm.s32 $0xB  }
0x10: {  	s2 =	sadd.s32 s2, s6;
	s9 =	sadd.s32 s5, s6;
	s5 =	sadd.s32 $0x44200, s6  }
0x11: {  	s6 =	sadd.s32 s6, s7;
	[dreg:$0x7] =	wrdreg s23;
	s23 =	simm.s32 $0x4  }
0x12: {  	s7 =	simm.s32 $0xA;
	s2 =	sadd.s32 $0x1BE00, s2;
	s19 =	sadd.s32 $0xCC00, s6  }
0x13: {  	s20 =	sadd.s32 $0x2FE00, s9;
	s9 =	sadd.s32 s21, s3;
	[dreg:$0x4] =	wrdreg s2  }
0x14: {  	s21 =	simm.s32 $0x2;
	s6 =	simm.s32 $0x9;
	[dreg:$0x5] =	wrdreg s19  }
0x15: {  	[dreg:$0x6] =	wrdreg s20;
	s25 =	sadd.s32 $0x1F40, s9;
	s26 =	sadd.s32 $0x3E80, s9  }
0x16: {  	s14 =	sadd.s32 $0x5DC0, s9;
	s15 =	sadd.s32 $0x7D00, s9;
	s19 =	sshrl.u32 s9, $0x3  }
0x17: {  	s20 =	simm.s32 $0x1;
	s2 =	simm.s32 $0xFDC0;
	[dreg:$0x9] =	wrdreg s25  }
0x18: {  	[dreg:$0xa] =	wrdreg s26;
	s25 =	simm.s32 $0xA000;
	s26 =	simm.s32 $0x5  }
.LBB2_1:
0x19: {  	s11 =	rddreg [dreg:$0x4]  }
0x1a: {  	[tilespmem:s4], [sflag:$0x1] =	stream.linear.gather [hbm4b:s11+s4], $0x5000, $0x38;
	[tilespmem:$0x1DB00] =	vst v63  }
0x1b: {  	s13 =	rddreg [dreg:$0x5];
	s12 =	simm.s32 $0x5000  }
0x1c: {  	[tilespmem:s12], [sflag:$0x2] =	stream.linear.gather [hbm4b:s13+s4], $0x5000, $0x38;
	[tilespmem:$0x1DB00] =	vst v63  }
0x1d: {  	s13 =	rddreg [dreg:$0x6]  }
0x1e: {  	s12 =	rddreg [dreg:$0x7]  }
0x1f: {  	[tilespmem:s18], [sflag:$0x3] =	stream.linear.gather [hbm4b:s13+s4], $0x280, $0x38;
	[tilespmem:$0x1DB00] =	vst v63  }
0x20: {  	s13 =	rddreg [dreg:$0x8]  }
0x21: {  	[spmem:s19], [sflag:s13] =	dma.local [hbm:s12], $0x1388  }
0x22: {  	_ =	swait.ge [sflag:s20], $0x5000  }
0x23: {  	[sflag:s20] =	ssyncset.done $0x0  }
0x24: {  	[sflag:s20] =	ssyncadd.s32 $0xFFFFB000  }
0x25: {  	_ =	swait.ge [sflag:s21], $0x5000  }
0x26: {  	[sflag:s21] =	ssyncset.done $0x0  }
0x27: {  	[sflag:s21] =	ssyncadd.s32 $0xFFFFB000  }
0x28: {  	_ =	swait.ge [sflag:s22], $0x280  }
0x29: {  	[sflag:s22] =	ssyncset.done $0x0  }
0x2a: {  	[sflag:s22] =	ssyncadd.s32 $0xFFFFFD80  }
0x2b: {  	_ =	swait.ge [sflag:s23], $0x1388  }
0x2c: {  	[sflag:s23] =	ssyncset.done $0x0  }
0x2d: {  	[sflag:s23] =	ssyncadd.s32 $0xFFFFEC78  }
0x2e: {  	[bflag:$0x0] =	sbarrier.arrive $0xFFFF  }
0x2f: {  	[tilespmem:s25], [sflag:$0x1] =	stream.indirect.gather [hbm4b:s1+s24], $0x40, s4, s24, $0xb8;
	[tilespmem:$0x1DB00] =	vst v63  }
0x30: {  	s13 =	simm.s32 $0x80  }
0x31: {  	[tilespmem:s28], [sflag:$0x2] =	stream.indirect.gather [hbm4b:s1+s24], $0x40, s13, s24, $0xb8;
	[tilespmem:$0x1DB00] =	vst v63  }
0x32: {  	s12 =	simm.s32 $0x100  }
0x33: {  	[tilespmem:s30], [sflag:$0x3] =	stream.indirect.gather [hbm4b:s1+s24], $0x40, s12, s24, $0xb8;
	[tilespmem:$0x1DB00] =	vst v63  }
0x34: {  	s13 =	simm.s32 $0x180  }
0x35: {  	[tilespmem:s2], [sflag:$0x4] =	stream.indirect.gather [hbm4b:s1+s24], $0x40, s13, s24, $0xb8;
	[tilespmem:$0x1DB00] =	vst v63  }
0x36: {  	s12 =	simm.s32 $0x200  }
0x37: {  	[tilespmem:s17], [sflag:$0x5] =	stream.indirect.gather [hbm4b:s1+s24], $0x40, s12, s24, $0xb8;
	[tilespmem:$0x1DB00] =	vst v63  }
0x38: {  	_ =	swait.ge [sflag:s20], $0x1F40  }
0x39: {  	[sflag:s20] =	ssyncset.done $0x0  }
0x3a: {  	s13 =	simm.s32 $0x5000;
	[sflag:s20] =	ssyncadd.s32 $0xFFFFE0C0  }
0x3b: {  	[spmem:s3] =	stream.indirect.scatter.add.f32 [tilespmem:s25], [sflag:$0x6], $0x40, s13, s24, $0xb8;
	[tilespmem:$0x1DB00] =	vst v63  }
0x3c: {  	_ =	swait.ge [sflag:s21], $0x1F40  }
0x3d: {  	[sflag:s21] =	ssyncset.done $0x0  }
0x3e: {  	s12 =	simm.s32 $0x5080;
	[sflag:s21] =	ssyncadd.s32 $0xFFFFE0C0  }
0x3f: {  	[spmem:s3] =	stream.indirect.scatter.add.f32 [tilespmem:s28], [sflag:$0x7], $0x40, s12, s24, $0xb8;
	[tilespmem:$0x1DB00] =	vst v63  }
0x40: {  	_ =	swait.ge [sflag:s22], $0x1F40  }
0x41: {  	[sflag:s22] =	ssyncset.done $0x0  }
0x42: {  	s13 =	simm.s32 $0x5100;
	[sflag:s22] =	ssyncadd.s32 $0xFFFFE0C0  }
0x43: {  	[spmem:s3] =	stream.indirect.scatter.add.f32 [tilespmem:s30], [sflag:$0x8], $0x40, s13, s24, $0xb8;
	[tilespmem:$0x1DB00] =	vst v63  }
0x44: {  	_ =	swait.ge [sflag:s23], $0x1F40  }
0x45: {  	[sflag:s23] =	ssyncset.done $0x0  }
0x46: {  	s12 =	simm.s32 $0x5180;
	[sflag:s23] =	ssyncadd.s32 $0xFFFFE0C0  }
0x47: {  	[spmem:s3] =	stream.indirect.scatter.add.f32 [tilespmem:s2], [sflag:$0x9], $0x40, s12, s24, $0xb8;
	[tilespmem:$0x1DB00] =	vst v63  }
0x48: {  	_ =	swait.ge [sflag:s26], $0x1F40  }
0x49: {  	[sflag:s26] =	ssyncset.done $0x0  }
0x4a: {  	s13 =	simm.s32 $0x5200;
	[sflag:s26] =	ssyncadd.s32 $0xFFFFE0C0  }
0x4b: {  	[spmem:s3] =	stream.indirect.scatter.add.f32 [tilespmem:s17], [sflag:$0xA], $0x40, s13, s24, $0xb8;
	[tilespmem:$0x1DB00] =	vst v63  }
0x4c: {  	_ =	swait.ge [sflag:s29], $0x1F40  }
0x4d: {  	[sflag:s29] =	ssyncset.done $0x0  }
0x4e: {  	s12 =	simm.s32 $0x280;
	[sflag:s29] =	ssyncadd.s32 $0xFFFFE0C0  }
0x4f: {  	[tilespmem:s25], [sflag:$0x1] =	stream.indirect.gather [hbm4b:s1+s24], $0x40, s12, s24, $0xb8;
	[tilespmem:$0x1DB00] =	vst v63  }
0x50: {  	_ =	swait.ge [sflag:s31], $0x1F40  }
0x51: {  	[sflag:s31] =	ssyncset.done $0x0  }
0x52: {  	s13 =	simm.s32 $0x300;
	[sflag:s31] =	ssyncadd.s32 $0xFFFFE0C0  }
0x53: {  	[tilespmem:s28], [sflag:$0x2] =	stream.indirect.gather [hbm4b:s1+s24], $0x40, s13, s24, $0xb8;
	[tilespmem:$0x1DB00] =	vst v63  }
0x54: {  	_ =	swait.ge [sflag:s0], $0x1F40  }
0x55: {  	[sflag:s0] =	ssyncset.done $0x0  }
0x56: {  	s12 =	simm.s32 $0x380;
	[sflag:s0] =	ssyncadd.s32 $0xFFFFE0C0  }
0x57: {  	[tilespmem:s30], [sflag:$0x3] =	stream.indirect.gather [hbm4b:s1+s24], $0x40, s12, s24, $0xb8;
	[tilespmem:$0x1DB00] =	vst v63  }
0x58: {  	_ =	swait.ge [sflag:s6], $0x1F40  }
0x59: {  	[sflag:s6] =	ssyncset.done $0x0  }
0x5a: {  	s13 =	simm.s32 $0x400;
	[sflag:s6] =	ssyncadd.s32 $0xFFFFE0C0  }
0x5b: {  	[tilespmem:s2], [sflag:$0x4] =	stream.indirect.gather [hbm4b:s1+s24], $0x40, s13, s24, $0xb8;
	[tilespmem:$0x1DB00] =	vst v63  }
0x5c: {  	_ =	swait.ge [sflag:s7], $0x1F40  }
0x5d: {  	[sflag:s7] =	ssyncset.done $0x0  }
0x5e: {  	s11 =	simm.s32 $0xA00;
	s12 =	simm.s32 $0x480;
	[sflag:s7] =	ssyncadd.s32 $0xFFFFE0C0  }
.LBB2_2:
0x5f: {  	[tilespmem:s17], [sflag:$0x5] =	stream.indirect.gather [hbm4b:s1+s24], $0x40, s12, s24, $0xb8;
	[tilespmem:$0x1DB00] =	vst v63  }
0x60: {  	s12 =	smov.u32 s11  }
0x61: {  	p0 =	sne.s32 s11, $0x12C00;
	s11 =	sadd.s32 $0xA00, s11;
	_ =	swait.ge [sflag:s20], $0x1F40  }
0x62: {  	s12 =	sshra.s32 s12, $0x2;
	[sflag:s20] =	ssyncset.done $0x0  }
0x63: {  	s13 =	sadd.s32 $0x5000, s12;
	[sflag:s20] =	ssyncadd.s32 $0xFFFFE0C0  }
0x64: {  	[spmem:s3] =	stream.indirect.scatter.add.f32 [tilespmem:s25], [sflag:$0x6], $0x40, s13, s24, $0xb8;
	[tilespmem:$0x1DB00] =	vst v63  }
0x65: {  	_ =	swait.ge [sflag:s21], $0x1F40  }
0x66: {  	[sflag:s21] =	ssyncset.done $0x0  }
0x67: {  	s13 =	sadd.s32 $0x5080, s12;
	[sflag:s21] =	ssyncadd.s32 $0xFFFFE0C0  }
0x68: {  	[spmem:s3] =	stream.indirect.scatter.add.f32 [tilespmem:s28], [sflag:$0x7], $0x40, s13, s24, $0xb8;
	[tilespmem:$0x1DB00] =	vst v63  }
0x69: {  	_ =	swait.ge [sflag:s22], $0x1F40  }
0x6a: {  	[sflag:s22] =	ssyncset.done $0x0  }
0x6b: {  	s13 =	sadd.s32 $0x5100, s12;
	[sflag:s22] =	ssyncadd.s32 $0xFFFFE0C0  }
0x6c: {  	[spmem:s3] =	stream.indirect.scatter.add.f32 [tilespmem:s30], [sflag:$0x8], $0x40, s13, s24, $0xb8;
	[tilespmem:$0x1DB00] =	vst v63  }
0x6d: {  	_ =	swait.ge [sflag:s23], $0x1F40  }
0x6e: {  	[sflag:s23] =	ssyncset.done $0x0  }
0x6f: {  	s13 =	sadd.s32 $0x5180, s12;
	[sflag:s23] =	ssyncadd.s32 $0xFFFFE0C0  }
0x70: {  	[spmem:s3] =	stream.indirect.scatter.add.f32 [tilespmem:s2], [sflag:$0x9], $0x40, s13, s24, $0xb8;
	[tilespmem:$0x1DB00] =	vst v63  }
0x71: {  	_ =	swait.ge [sflag:s26], $0x1F40  }
0x72: {  	[sflag:s26] =	ssyncset.done $0x0  }
0x73: {  	s13 =	sadd.s32 $0x5200, s12;
	[sflag:s26] =	ssyncadd.s32 $0xFFFFE0C0  }
0x74: {  	[spmem:s3] =	stream.indirect.scatter.add.f32 [tilespmem:s17], [sflag:$0xA], $0x40, s13, s24, $0xb8;
	[tilespmem:$0x1DB00] =	vst v63  }
0x75: {  	_ =	swait.ge [sflag:s29], $0x1F40  }
0x76: {  	[sflag:s29] =	ssyncset.done $0x0  }
0x77: {  	s13 =	sadd.s32 $0x280, s12;
	[sflag:s29] =	ssyncadd.s32 $0xFFFFE0C0  }
0x78: {  	[tilespmem:s25], [sflag:$0x1] =	stream.indirect.gather [hbm4b:s1+s24], $0x40, s13, s24, $0xb8;
	[tilespmem:$0x1DB00] =	vst v63  }
0x79: {  	_ =	swait.ge [sflag:s31], $0x1F40  }
0x7a: {  	[sflag:s31] =	ssyncset.done $0x0  }
0x7b: {  	s13 =	sadd.s32 $0x300, s12;
	[sflag:s31] =	ssyncadd.s32 $0xFFFFE0C0  }
0x7c: {  	[tilespmem:s28], [sflag:$0x2] =	stream.indirect.gather [hbm4b:s1+s24], $0x40, s13, s24, $0xb8;
	[tilespmem:$0x1DB00] =	vst v63  }
0x7d: {  	_ =	swait.ge [sflag:s0], $0x1F40  }
0x7e: {  	[sflag:s0] =	ssyncset.done $0x0  }
0x7f: {  	s13 =	sadd.s32 $0x380, s12;
	[sflag:s0] =	ssyncadd.s32 $0xFFFFE0C0  }
0x80: {  	[tilespmem:s30], [sflag:$0x3] =	stream.indirect.gather [hbm4b:s1+s24], $0x40, s13, s24, $0xb8;
	[tilespmem:$0x1DB00] =	vst v63  }
0x81: {  	_ =	swait.ge [sflag:s6], $0x1F40  }
0x82: {  	[sflag:s6] =	ssyncset.done $0x0  }
.Ltmp0:
0x83: {  	s13 =	sadd.s32 $0x400, s12;
	[sflag:s6] =	ssyncadd.s32 $0xFFFFE0C0;
	(pc) =	sbr.rel @p0 .LBB2_2-.Ltmp0, $4  }
0x84: {  	[tilespmem:s2], [sflag:$0x4] =	stream.indirect.gather [hbm4b:s1+s24], $0x40, s13, s24, $0xb8;
	[tilespmem:$0x1DB00] =	vst v63  }
0x85: {  	_ =	swait.ge [sflag:s7], $0x1F40  }
0x86: {  	[sflag:s7] =	ssyncset.done $0x0  }
0x87: {  	s12 =	sadd.s32 $0x480, s12;
	[sflag:s7] =	ssyncadd.s32 $0xFFFFE0C0  }
0x88: {  	[tilespmem:s17], [sflag:$0x5] =	stream.indirect.gather [hbm4b:s1+s24], $0x40, s12, s24, $0xb8;
	[tilespmem:$0x1DB00] =	vst v63  }
0x89: {  	_ =	swait.ge [sflag:s20], $0x1F40  }
0x8a: {  	[sflag:s20] =	ssyncset.done $0x0  }
0x8b: {  	s11 =	simm.s32 $0x9D80;
	[sflag:s20] =	ssyncadd.s32 $0xFFFFE0C0  }
0x8c: {  	[spmem:s3] =	stream.indirect.scatter.add.f32 [tilespmem:s25], [sflag:$0x6], $0x40, s11, s24, $0xb8;
	[tilespmem:$0x1DB00] =	vst v63  }
0x8d: {  	_ =	swait.ge [sflag:s21], $0x1F40  }
0x8e: {  	[sflag:s21] =	ssyncset.done $0x0  }
0x8f: {  	s12 =	simm.s32 $0x9E00;
	[sflag:s21] =	ssyncadd.s32 $0xFFFFE0C0  }
0x90: {  	[spmem:s3] =	stream.indirect.scatter.add.f32 [tilespmem:s28], [sflag:$0x7], $0x40, s12, s24, $0xb8;
	[tilespmem:$0x1DB00] =	vst v63  }
0x91: {  	_ =	swait.ge [sflag:s22], $0x1F40  }
0x92: {  	[sflag:s22] =	ssyncset.done $0x0  }
0x93: {  	s13 =	simm.s32 $0x9E80;
	[sflag:s22] =	ssyncadd.s32 $0xFFFFE0C0  }
0x94: {  	[spmem:s3] =	stream.indirect.scatter.add.f32 [tilespmem:s30], [sflag:$0x8], $0x40, s13, s24, $0xb8;
	[tilespmem:$0x1DB00] =	vst v63  }
0x95: {  	_ =	swait.ge [sflag:s23], $0x1F40  }
0x96: {  	[sflag:s23] =	ssyncset.done $0x0  }
0x97: {  	s12 =	simm.s32 $0x9F00;
	[sflag:s23] =	ssyncadd.s32 $0xFFFFE0C0  }
0x98: {  	[spmem:s3] =	stream.indirect.scatter.add.f32 [tilespmem:s2], [sflag:$0x9], $0x40, s12, s24, $0xb8;
	[tilespmem:$0x1DB00] =	vst v63  }
0x99: {  	_ =	swait.ge [sflag:s26], $0x1F40  }
0x9a: {  	[sflag:s26] =	ssyncset.done $0x0  }
0x9b: {  	s13 =	simm.s32 $0x9F80;
	[sflag:s26] =	ssyncadd.s32 $0xFFFFE0C0  }
0x9c: {  	[spmem:s3] =	stream.indirect.scatter.add.f32 [tilespmem:s17], [sflag:$0xA], $0x40, s13, s24, $0xb8;
	[tilespmem:$0x1DB00] =	vst v63  }
0x9d: {  	_ =	swait.ge [sflag:s29], $0x1F40  }
0x9e: {  	[sflag:s29] =	ssyncset.done $0x0  }
0x9f: {  	[sflag:s29] =	ssyncadd.s32 $0xFFFFE0C0  }
0xa0: {  	_ =	swait.ge [sflag:s31], $0x1F40  }
0xa1: {  	[sflag:s31] =	ssyncset.done $0x0  }
0xa2: {  	[sflag:s31] =	ssyncadd.s32 $0xFFFFE0C0  }
0xa3: {  	_ =	swait.ge [sflag:s0], $0x1F40  }
0xa4: {  	[sflag:s0] =	ssyncset.done $0x0  }
0xa5: {  	[sflag:s0] =	ssyncadd.s32 $0xFFFFE0C0  }
0xa6: {  	_ =	swait.ge [sflag:s6], $0x1F40  }
0xa7: {  	[sflag:s6] =	ssyncset.done $0x0  }
0xa8: {  	[sflag:s6] =	ssyncadd.s32 $0xFFFFE0C0  }
0xa9: {  	_ =	swait.ge [sflag:s7], $0x1F40  }
0xaa: {  	[sflag:s7] =	ssyncset.done $0x0  }
0xab: {  	[sflag:s7] =	ssyncadd.s32 $0xFFFFE0C0  }
0xac: {  	[bflag:$0x0] =	sbarrier.arrive $0xFFFF  }
0xad: {  	[tilespmem:s25], [sflag:$0xB] =	stream.linear.gather [spmem:s9], $0x1F40, $0x38;
	[tilespmem:$0x1DB00] =	vst v63  }
0xae: {  	_ =	swait.ge [sflag:s8], $0x1F40  }
0xaf: {  	[sflag:s8] =	ssyncset.done $0x0  }
0xb0: {  	[sflag:s8] =	ssyncadd.s32 $0xFFFFE0C0  }
0xb1: {  	[hbm4b:s5+s24] =	stream.indirect.scatter [tilespmem:s25], [sflag:$0x1], $0x40, s18, s24, $0xb8;
	[tilespmem:$0x1DB00] =	vst v63  }
0xb2: {  	s12 =	rddreg [dreg:$0x9]  }
0xb3: {  	[tilespmem:s28], [sflag:$0xB] =	stream.linear.gather [spmem:s12], $0x1F40, $0x38;
	[tilespmem:$0x1DB00] =	vst v63  }
0xb4: {  	_ =	swait.ge [sflag:s8], $0x1F40  }
0xb5: {  	[sflag:s8] =	ssyncset.done $0x0  }
0xb6: {  	s13 =	simm.s32 $0x13CC0;
	[sflag:s8] =	ssyncadd.s32 $0xFFFFE0C0  }
0xb7: {  	[hbm4b:s5+s24] =	stream.indirect.scatter [tilespmem:s28], [sflag:$0x2], $0x40, s13, s24, $0xb8;
	[tilespmem:$0x1DB00] =	vst v63  }
0xb8: {  	s12 =	rddreg [dreg:$0xa]  }
0xb9: {  	[tilespmem:s30], [sflag:$0xB] =	stream.linear.gather [spmem:s12], $0x1F40, $0x38;
	[tilespmem:$0x1DB00] =	vst v63  }
0xba: {  	_ =	swait.ge [sflag:s8], $0x1F40  }
0xbb: {  	[sflag:s8] =	ssyncset.done $0x0  }
0xbc: {  	s13 =	simm.s32 $0x13D40;
	[sflag:s8] =	ssyncadd.s32 $0xFFFFE0C0  }
0xbd: {  	[hbm4b:s5+s24] =	stream.indirect.scatter [tilespmem:s30], [sflag:$0x3], $0x40, s13, s24, $0xb8;
	[tilespmem:$0x1DB00] =	vst v63  }
0xbe: {  	_ = 	snop  }
0xbf: {  	[tilespmem:s2], [sflag:$0xB] =	stream.linear.gather [spmem:s14], $0x1F40, $0x38;
	[tilespmem:$0x1DB00] =	vst v63  }
0xc0: {  	_ =	swait.ge [sflag:s8], $0x1F40  }
0xc1: {  	[sflag:s8] =	ssyncset.done $0x0  }
0xc2: {  	s12 =	simm.s32 $0x13DC0;
	[sflag:s8] =	ssyncadd.s32 $0xFFFFE0C0  }
0xc3: {  	[hbm4b:s5+s24] =	stream.indirect.scatter [tilespmem:s2], [sflag:$0x4], $0x40, s12, s24, $0xb8;
	[tilespmem:$0x1DB00] =	vst v63  }
0xc4: {  	_ = 	snop  }
0xc5: {  	[tilespmem:s17], [sflag:$0xB] =	stream.linear.gather [spmem:s15], $0x1F40, $0x38;
	[tilespmem:$0x1DB00] =	vst v63  }
0xc6: {  	_ =	swait.ge [sflag:s8], $0x1F40  }
0xc7: {  	[sflag:s8] =	ssyncset.done $0x0  }
0xc8: {  	s13 =	simm.s32 $0x13E40;
	[sflag:s8] =	ssyncadd.s32 $0xFFFFE0C0  }
0xc9: {  	[hbm4b:s5+s24] =	stream.indirect.scatter [tilespmem:s17], [sflag:$0x5], $0x40, s13, s24, $0xb8;
	[tilespmem:$0x1DB00] =	vst v63  }
0xca: {  	_ =	swait.ge [sflag:s20], $0x1F40  }
0xcb: {  	[sflag:s20] =	ssyncset.done $0x0  }
0xcc: {  	[sflag:s20] =	ssyncadd.s32 $0xFFFFE0C0  }
0xcd: {  	_ =	swait.ge [sflag:s21], $0x1F40  }
0xce: {  	[sflag:s21] =	ssyncset.done $0x0  }
0xcf: {  	[sflag:s21] =	ssyncadd.s32 $0xFFFFE0C0  }
0xd0: {  	_ =	swait.ge [sflag:s22], $0x1F40  }
0xd1: {  	[sflag:s22] =	ssyncset.done $0x0  }
0xd2: {  	s10 =	sadd.s32 $0x1, s10;
	[sflag:s22] =	ssyncadd.s32 $0xFFFFE0C0  }
0xd3: {  	p0 =	sne.s32 s10, s16;
	_ =	swait.ge [sflag:s23], $0x1F40  }
.Ltmp1:
0xd4: {  	[sflag:s23] =	ssyncset.done $0x0;
	(pc) =	sbr.rel @p0 .LBB2_1-.Ltmp1, $4  }
0xd5: {  	[sflag:s23] =	ssyncadd.s32 $0xFFFFE0C0  }
0xd6: {  	_ =	swait.ge [sflag:s26], $0x1F40  }
0xd7: {  	[sflag:s26] =	ssyncset.done $0x0  }
0xd8: {  	[sflag:s26] =	ssyncadd.s32 $0xFFFFE0C0  }
0xd9: {  	_ =	sfence.sel $0x180000  }
0xda: {  	[bflag:$0x0] =	sbarrier.arrive $0xFFFF  }
0xdb: {  	_ =	strace $0x9000004A  }
0xdc: {  	s0 =	stileid.u32;
	[bflag:$0x2] =	sbarrier.arrive $0xFFFF  }
0xdd: {  	p0 =	sne.s32 s0, $0x0;
	s0 =	rddreg [dreg:$0x3]  }
0xde: {  	s0 =	sadd.s32 @!p0 $0x100000, s0  }
0xdf: {  	[sflag:s0] =	ssyncadd.tile.s32 @!p0 $0x1;
	_ =	shalt  }
.Lfunc_end2:
_tile_overlayer_lowered:
.L_overlay_start_2:
0xe0: {  	(tag) =	ssettag $0x2  }
0xe1: {  	s0 =	rddreg [dreg:$0x0];
	s2 =	stileid.u32  }
0xe2: {  	s1 =	rddreg [dreg:$0x1];
	p0 =	sne.s32 s2, $0x0  }
0xe3: {  	s3 =	rddreg [dreg:$0x2];
	[bflag:$0x3] =	sbarrier.arrive $0xFFFF;
	s2 =	simm.s32 @!p0 $0x1C0B  }
0xe4: {  	[timem:s3], [sflag:s2] =	dma.local @!p0 [hbm:s0], s1  }
0xe5: {  	s0 =	simm.s32 @!p0 $0xB  }
0xe6: {  	_ =	swait.ge @!p0 [sflag:s0], s1  }
0xe7: {  	s1 =	ssub.s32 @!p0 $0x0, s1;
	[sflag:s0] =	ssyncset.done @!p0 $0x0  }
0xe8: {  	[sflag:s0] =	ssyncadd.s32 @!p0 s1  }
0xe9: {  	[bflag:$0x3] =	sbarrier.arrive $0xFFFF  }
0xea: {  	_ =	shalt  }

// kernel: kernel.14.cloned.1.call-start
scs
__scs_entry_jumppad:
0x0: {  	(pc) =	sbr.rel $0x88, $3  }
0x1: {  	(tag) =	ssettag $0x0;
	lr =	simm.s32 $0x1  }
0x2: {  	[smem:$0x3F95] =	sst lr;
	_ =	strace $0xD0000000  }
0x3: {  	_ = 	snop  }
0x4: {  	_ = 	snop  }
0x5: {  	_ = 	snop  }
0x6: {  	_ = 	snop  }
0x7: {  	_ = 	snop  }
__scs_overlays_trampoline_lowered:
0x8: {  	[smem:$0x3FA4] =	sst s0  }
0x9: {  	[smem:$0x3FA5] =	sst s1  }
0xa: {  	[smem:$0x3FA6] =	sst s2  }
0xb: {  	[smem:$0x3FA7] =	sst s3  }
0xc: {  	[smem:$0x3FA8] =	sst s4  }
0xd: {  	[smem:$0x3FA9] =	sst s5  }
0xe: {  	[smem:$0x3FAA] =	sst s6  }
0xf: {  	[smem:$0x3FAB] =	sst s7  }
0x10: {  	[smem:$0x3FAC] =	sst s8  }
0x11: {  	[smem:$0x3FAD] =	sst s9;
	s0 =	simm.s32 @!p0 $0x0  }
0x12: {  	s1 =	sld [smem:$0x3F93];
	s0 =	simm.s32 @p0 $0x1  }
0x13: {  	[smem:$0x3FAE] =	sst s0;
	s0 =	simm.s32 @!p1 $0x0  }
0x14: {  	s2 =	sld [smem:$0x3F92];
	s0 =	simm.s32 @p1 $0x1  }
0x15: {  	[smem:$0x3FAF] =	sst s0;
	s0 =	simm.s32 @!p2 $0x0  }
0x16: {  	s3 =	sld [smem:$0x3FDB];
	s0 =	simm.s32 @p2 $0x1  }
0x17: {  	s4 =	simm.s32 $0x1BF5;
	[smem:$0x3FB1] =	sst s0  }
0x18: {  	s0 =	sld [smem:$0x3F94];
	_ =	swait.ge [sflag:s4], $0x0  }
0x19: {  	s7 =	sld [smem:$0x3F95]  }
0x1a: {  	s8 =	sadd.s32 $0xFFFFE003, lr  }
0x1b: {  	s9 =	sadd.s32 $0xFFFFFEF7, lr;
	s5 =	simm.s32 $0xFFFFFFFF;
	p2 =	slt.u32 s8, $0xFFFFF086  }
0x1c: {  	p1 =	slt.u32 s9, $0xF7A;
	s5 =	simm.s32 @!p2 $0x0  }
0x1d: {  	s5 =	simm.s32 @p1 $0x1;
	p0 =	seq.s32 s7, s2  }
0x1e: {  	s7 =	smul.u32 @!p0 $0xF7A, s2;
	p2 =	seq.s32 @!p0 s5, $0x0  }
0x1f: {  	s9 =	smul.u32 $0xF7A, s1;
	s8 =	simm.s32 @!p0 $0x1BF5;
	p2 =	por !p2, p0  }
0x20: {  	[sflag:s8] =	ssyncset.s32 @!p0 $0xFFFFF086;
	s6 =	sadd.s32 @!p0 s3, s7;
	s7 =	simm.s32 @!p0 $0x108  }
0x21: {  	s3 =	sadd.s32 s3, s9;
	s6 =	sadd.s32 @!p0 $0x88, s6;
	s7 =	simm.s32 @p2 $0x1082  }
0x22: {  	[simem:s7], [sflag:s8] =	dma.local @!p0 [hbm:s6], $0xF7A  }
0x23: {  	s9 =	sor.u32 $0xD0000000, s2;
	s6 =	simm.s32 $0x108;
	_ =	swait.ge @!p0 [sflag:s8], $0x0  }
0x24: {  	s3 =	sadd.s32 $0x88, s3;
	s6 =	simm.s32 @!p1 $0x1082;
	[sflag:s4] =	ssyncset.s32 $0xFFFFF086  }
0x25: {  	[simem:s6], [sflag:s4] =	dma.local [hbm:s3], $0xF7A  }
0x26: {  	[smem:$0x3F95] =	sst s1;
	(tag) =	ssettag s2;
	_ =	strace s9  }
0x27: {  	s1 =	sld [smem:$0x3FA5]  }
0x28: {  	s2 =	sld [smem:$0x3FA6]  }
0x29: {  	s4 =	sld [smem:$0x3FA8]  }
0x2a: {  	p0 =	seq.s32 s5, $0x0;
	s5 =	sld [smem:$0x3FA9]  }
0x2b: {  	s6 =	sld [smem:$0x3FAA]  }
0x2c: {  	s7 =	sld [smem:$0x3FAB]  }
0x2d: {  	s3 =	simm.s32 $0x108;
	s8 =	sld [smem:$0x3FAC]  }
0x2e: {  	s3 =	simm.s32 @!p0 $0x1082;
	s9 =	sld [smem:$0x3FAD]  }
0x2f: {  	lr =	sadd.s32 s0, s3;
	s0 =	sld [smem:$0x3FA4]  }
0x30: {  	s3 =	sld [smem:$0x3FA7]  }
0x31: {  	[smem:$0x3FB0] =	sst s10  }
0x32: {  	s10 =	sld [smem:$0x3FAE];
	_ =	sdelay $0x3  }
0x33: {  	p0 =	seq.s32 s10, $0x1;
	s10 =	sld [smem:$0x3FB0];
	_ =	sdelay $0x3  }
0x34: {  	[smem:$0x3FB0] =	sst s10  }
0x35: {  	s10 =	sld [smem:$0x3FAF];
	_ =	sdelay $0x3  }
0x36: {  	p1 =	seq.s32 s10, $0x1;
	s10 =	sld [smem:$0x3FB0];
	_ =	sdelay $0x3  }
0x37: {  	[smem:$0x3FB0] =	sst s10  }
0x38: {  	s10 =	sld [smem:$0x3FB1]  }
0x39: {  	_ = 	snop;
	(pc) =	sbr.ind lr, $3  }
0x3a: {  	_ = 	snop  }
0x3b: {  	_ = 	snop  }
0x3c: {  	p2 =	seq.s32 s10, $0x1;
	s10 =	sld [smem:$0x3FB0]  }
0x3d: {  	_ =	shalt  }
0x3e: {  	_ =	shalt  }
0x3f: {  	_ =	shalt  }
0x40: {  	_ =	shalt  }
0x41: {  	_ =	shalt  }
0x42: {  	_ =	shalt  }
0x43: {  	_ =	shalt  }
0x44: {  	_ =	shalt  }
0x45: {  	_ =	shalt  }
0x46: {  	_ =	shalt  }
0x47: {  	_ =	shalt  }
0x48: {  	_ =	shalt  }
0x49: {  	_ =	shalt  }
0x4a: {  	_ =	shalt  }
0x4b: {  	_ =	shalt  }
0x4c: {  	_ =	shalt  }
0x4d: {  	_ =	shalt  }
0x4e: {  	_ =	shalt  }
0x4f: {  	_ =	shalt  }
0x50: {  	_ =	shalt  }
0x51: {  	_ =	shalt  }
0x52: {  	_ =	shalt  }
0x53: {  	_ =	shalt  }
0x54: {  	_ =	shalt  }
0x55: {  	_ =	shalt  }
0x56: {  	_ =	shalt  }
0x57: {  	_ =	shalt  }
0x58: {  	_ =	shalt  }
0x59: {  	_ =	shalt  }
0x5a: {  	_ =	shalt  }
0x5b: {  	_ =	shalt  }
0x5c: {  	_ =	shalt  }
0x5d: {  	_ =	shalt  }
0x5e: {  	_ =	shalt  }
0x5f: {  	_ =	shalt  }
0x60: {  	_ =	shalt  }
0x61: {  	_ =	shalt  }
0x62: {  	_ =	shalt  }
0x63: {  	_ =	shalt  }
0x64: {  	_ =	shalt  }
0x65: {  	_ =	shalt  }
0x66: {  	_ =	shalt  }
0x67: {  	_ =	shalt  }
0x68: {  	_ =	shalt  }
0x69: {  	_ =	shalt  }
0x6a: {  	_ =	shalt  }
0x6b: {  	_ =	shalt  }
0x6c: {  	_ =	shalt  }
0x6d: {  	_ =	shalt  }
0x6e: {  	_ =	shalt  }
0x6f: {  	_ =	shalt  }
0x70: {  	_ =	shalt  }
0x71: {  	_ =	shalt  }
0x72: {  	_ =	shalt  }
0x73: {  	_ =	shalt  }
0x74: {  	_ =	shalt  }
0x75: {  	_ =	shalt  }
0x76: {  	_ =	shalt  }
0x77: {  	_ =	shalt  }
0x78: {  	_ =	shalt  }
0x79: {  	_ =	shalt  }
0x7a: {  	_ =	shalt  }
0x7b: {  	_ =	shalt  }
0x7c: {  	_ =	shalt  }
0x7d: {  	_ =	shalt  }
0x7e: {  	_ =	shalt  }
0x7f: {  	_ =	shalt  }
0x80: {  	_ =	shalt  }
0x81: {  	_ =	shalt  }
0x82: {  	_ =	shalt  }
0x83: {  	_ =	shalt  }
0x84: {  	_ =	shalt  }
0x85: {  	_ =	shalt  }
0x86: {  	_ =	shalt  }
0x87: {  	_ =	shalt  }
.Lfunc_end0:
.L_simem_size_0:
called_computation.2_lowered:
.L_overlay_start_0:
0x88: {  	s2 =	sld [smem:$0x3FD9]  }
0x89: {  	s3 =	sld [smem:$0x3FFE];
	_ =	sdelay $0x1  }
0x8a: {  	s1 =	srdreg.scid  }
0x8b: {  	s0 =	sand.u32 $0x1, s1  }
0x8c: {  	s17 =	sshll.u32 s0, $0xA;
	s2 =	sadd.s32 s3, s2  }
0x8d: {  	s2 =	sadd.s32 s2, s17  }
0x8e: {  	[smem:$0x3FBC] =	sst s2  }
0x8f: {  	_ = 	snop  }
0x90: {  	s2 =	sld [smem:$0x3FD0];
	(tm) =	ssettm $0x1  }
0x91: {  	s18 =	sld [smem:$0x3FFB];
	_ =	sdelay $0x3  }
0x92: {  	_ =	strace s18  }
0x93: {  	s3 =	sld [smem:$0x3FFC];
	_ =	sdelay $0x3  }
0x94: {  	_ =	strace s3  }
0x95: {  	s3 =	sld [smem:$0x3FFD];
	_ =	sdelay $0x3  }
0x96: {  	_ =	strace s3  }
0x97: {  	_ =	strace $0x8FFFFFFF  }
0x98: {  	s19 =	sld [smem:$0x3FDB];
	_ =	sdelay $0x1  }
0x99: {  	s4 =	simm.s32 $_scs_section_size  }
0x9a: {  	s5 =	simm.s32 $_size__tile_overlayer_lowered;
	s6 =	simm.s32 $_tile_overlayer_lowered  }
0x9b: {  	s22 =	simm.s32 $0x1BFF;
	s21 =	sshll.u32 s6, $0x1;
	s3 =	sadd.s32 s4, s19  }
0x9c: {  	s7 =	simm.s32 $0x0;
	s20 =	sshll.u32 s5, $0x1;
	s5 =	sadd.s32 s21, s3  }
0x9d: {  	[timem:s7], [sflag:s22] =	dma.local [hbm:s5], s20  }
0x9e: {  	_ =	swait.ge [sflag:s22], s20  }
0x9f: {  	s4 =	ssub.s32 $0x0, s20;
	[sflag:s22] =	ssyncset.done $0x0  }
0xa0: {  	[sflag:s22] =	ssyncadd.s32 s4;
	_ =	sdelay $0x1  }
0xa1: {  	s23 =	simm.s32 $0x1B8B  }
0xa2: {  	_ =	swait.ge [sflag:s23], $0x1  }
0xa3: {  	[sflag:s23] =	ssyncset.done $0x0  }
0xa4: {  	s25 =	simm.s32 $0x1B8E;
	s24 =	sld [smem:$0x3FFE];
	[sflag:s23] =	ssyncadd.s32 $0xFFFFFFFF  }
0xa5: {  	s26 =	simm.s32 $execute0_lowered;
	[smem:$0x3FD2] =	sst s25  }
0xa6: {  	s5 =	sshll.u32 s26, $0x1;
	_ =	strace $0x8000004C;
	[dreg:$0x1] =	wrdreg $0xFFFFFFFF  }
0xa7: {  	s28 =	simm.s32 $_size_execute0_lowered;
	s3 =	sadd.s32 s3, s5;
	[dreg:$0x0] =	wrdreg $0x0  }
0xa8: {  	s5 =	sshll.u32 s28, $0x1;
	[dreg:$0x2] =	wrdreg s3  }
0xa9: {  	[dreg:$0x3] =	wrdreg s5  }
0xaa: {  	[dreg:$0x4] =	wrdreg $0xC0  }
0xab: {  	_ =	task [dreg:s7], $0x5FFFF  }
0xac: {  	[dreg:$0x1] =	wrdreg $0xFFFFFFFF  }
0xad: {  	[dreg:$0x0] =	wrdreg $0x60  }
0xae: {  	[dreg:$0x2] =	wrdreg s2  }
0xaf: {  	[dreg:$0x3] =	wrdreg s24  }
0xb0: {  	[dreg:$0x4] =	wrdreg $0x13EC00  }
0xb1: {  	[dreg:$0x5] =	wrdreg $0x9  }
0xb2: {  	_ =	task.clear_ibuf [dreg:s7], $0x6FFFF;
	_ =	strace $0x9000004C  }
0xb3: {  	s29 =	simm.s32 $0x9;
	_ =	strace $0x8000004E  }
0xb4: {  	_ =	swait.ge [sflag:s29], $0x1  }
0xb5: {  	[sflag:s29] =	ssyncadd.s32 $0xFFFFFFFF  }
0xb6: {  	_ =	strace $0x9000004E  }
0xb7: {  	_ =	sfence  }
0xb8: {  	s30 =	sld [smem:$0x0];
	_ =	sdelay $0x2  }
0xb9: {  	s31 =	sshll.u32 s1, $0xD;
	s1 =	sshrl.u32 s1, $0x2  }
0xba: {  	s3 =	sand.u32 $0x4000, s31;
	s1 =	sadd.s32 s1, s30  }
0xbb: {  	s0 =	sor.u32 s3, s0;
	s1 =	sshll.u32 s1, $0x11  }
0xbc: {  	s0 =	sor.u32 s1, s0  }
0xbd: {  	s0 =	sadd.s32 $0x8F2B, s0  }
0xbe: {  	[sflag:s0] =	ssyncadd.remote.s32 $0x1  }
0xbf: {  	_ =	sfence.sel $0xFFFF  }
0xc0: {  	[dreg:$0x0] =	wrdreg $0xFFFFFFFF;
	(pc) =	sbr.abs _section_cstart, $3  }
0xc1: {  	[dreg:$0x1] =	wrdreg $0xFFFFFFFF  }
0xc2: {  	_ =	task.clear_ibuf [dreg:s7], $0x2FFFF;
	_ =	strace $0x9FFFFFFF  }
0xc3: {  	(tm) =	ssettm $0x7FFFFFFF  }
tec
execute0_lowered:
.L_overlay_start_1:
0x0: {  	(tag) =	ssettag $0x1  }
0x1: {  	s0 =	srdreg.scid  }
0x2: {  	s1 =	rddreg [dreg:$0x0];
	s11 =	stileid.u32  }
0x3: {  	s6 =	rddreg [dreg:$0x1];
	s7 =	smul.u32 $0x5000, s11  }
0x4: {  	s3 =	rddreg [dreg:$0x2];
	s4 =	simm.s32 $0x0;
	s8 =	smul.u32 $0x280, s11  }
0x5: {  	s28 =	simm.s32 $0xBF40;
	s30 =	simm.s32 $0xDE80;
	s17 =	smul.u32 $0x1388, s11  }
0x6: {  	s29 =	simm.s32 $0x6;
	s0 =	sand.u32 $0x1, s0;
	s18 =	smul.u32 $0x27100, s11  }
0x7: {  	s31 =	simm.s32 $0x7;
	[smem:$0x7FF] =	sst s4;
	s2 =	smul.u32 $0x50000, s0  }
0x8: {  	s22 =	sshll.u32 s11, $0x6;
	s5 =	smul.u32 $0x2800, s0;
	_ =	strace $0x8000004D  }
0x9: {  	s0 =	ssub.s32 $0x2, s0;
	s24 =	sor.u32 $0x1C04, s22;
	s22 =	simm.s32 $0x3  }
0xa: {  	s10 =	sshrl.u32 s0, $0x1;
	s21 =	sshrl.u32 s18, $0x2;
	[dreg:$0x8] =	wrdreg s24  }
0xb: {  	s18 =	simm.s32 $0x13C40;
	s24 =	simm.s32 $0x7D;
	s2 =	sadd.s32 s7, s2  }
0xc: {  	s5 =	sadd.s32 s8, s5;
	s8 =	sadd.s32 s17, s6;
	s7 =	sshrl.u32 s7, $0x3  }
0xd: {  	s0 =	ssub.s32 s0, s10;
	s17 =	simm.s32 $0x11D00;
	s10 =	simm.s32 $0x0  }
0xe: {  	s2 =	sshrl.u32 s2, $0x3;
	s5 =	sshrl.u32 s5, $0x3;
	s23 =	sadd.s32 $0x30800, s8  }
0xf: {  	s16 =	smax.u32 s0, $0x1;
	s0 =	simm.s32 $0x8;
	s8 =	simm.s32 $0xB  }
0x10: {  	s2 =	sadd.s32 s2, s6;
	s9 =	sadd.s32 s5, s6;
	s5 =	sadd.s32 $0x44200, s6  }
0x11: {  	s6 =	sadd.s32 s6, s7;
	[dreg:$0x7] =	wrdreg s23;
	s23 =	simm.s32 $0x4  }
0x12: {  	s7 =	simm.s32 $0xA;
	s2 =	sadd.s32 $0x1BE00, s2;
	s19 =	sadd.s32 $0xCC00, s6  }
0x13: {  	s20 =	sadd.s32 $0x2FE00, s9;
	s9 =	sadd.s32 s21, s3;
	[dreg:$0x4] =	wrdreg s2  }
0x14: {  	s21 =	simm.s32 $0x2;
	s6 =	simm.s32 $0x9;
	[dreg:$0x5] =	wrdreg s19  }
0x15: {  	[dreg:$0x6] =	wrdreg s20;
	s25 =	sadd.s32 $0x1F40, s9;
	s26 =	sadd.s32 $0x3E80, s9  }
0x16: {  	s14 =	sadd.s32 $0x5DC0, s9;
	s15 =	sadd.s32 $0x7D00, s9;
	s19 =	sshrl.u32 s9, $0x3  }
0x17: {  	s20 =	simm.s32 $0x1;
	s2 =	simm.s32 $0xFDC0;
	[dreg:$0x9] =	wrdreg s25  }
0x18: {  	[dreg:$0xa] =	wrdreg s26;
	s25 =	simm.s32 $0xA000;
	s26 =	simm.s32 $0x5  }
.LBB2_1:
0x19: {  	s11 =	rddreg [dreg:$0x4]  }
0x1a: {  	[tilespmem:s4], [sflag:$0x1] =	stream.linear.gather [hbm4b:s11+s4], $0x5000, $0x38;
	[tilespmem:$0x1DB00] =	vst v63  }
0x1b: {  	s13 =	rddreg [dreg:$0x5];
	s12 =	simm.s32 $0x5000  }
0x1c: {  	[tilespmem:s12], [sflag:$0x2] =	stream.linear.gather [hbm4b:s13+s4], $0x5000, $0x38;
	[tilespmem:$0x1DB00] =	vst v63  }
0x1d: {  	s13 =	rddreg [dreg:$0x6]  }
0x1e: {  	s12 =	rddreg [dreg:$0x7]  }
0x1f: {  	[tilespmem:s18], [sflag:$0x3] =	stream.linear.gather [hbm4b:s13+s4], $0x280, $0x38;
	[tilespmem:$0x1DB00] =	vst v63  }
0x20: {  	s13 =	rddreg [dreg:$0x8]  }
0x21: {  	[spmem:s19], [sflag:s13] =	dma.local [hbm:s12], $0x1388  }
0x22: {  	_ =	swait.ge [sflag:s20], $0x5000  }
0x23: {  	[sflag:s20] =	ssyncset.done $0x0  }
0x24: {  	[sflag:s20] =	ssyncadd.s32 $0xFFFFB000  }
0x25: {  	_ =	swait.ge [sflag:s21], $0x5000  }
0x26: {  	[sflag:s21] =	ssyncset.done $0x0  }
0x27: {  	[sflag:s21] =	ssyncadd.s32 $0xFFFFB000  }
0x28: {  	_ =	swait.ge [sflag:s22], $0x280  }
0x29: {  	[sflag:s22] =	ssyncset.done $0x0  }
0x2a: {  	[sflag:s22] =	ssyncadd.s32 $0xFFFFFD80  }
0x2b: {  	_ =	swait.ge [sflag:s23], $0x1388  }
0x2c: {  	[sflag:s23] =	ssyncset.done $0x0  }
0x2d: {  	[sflag:s23] =	ssyncadd.s32 $0xFFFFEC78  }
0x2e: {  	[bflag:$0x0] =	sbarrier.arrive $0xFFFF  }
0x2f: {  	[tilespmem:s25], [sflag:$0x1] =	stream.indirect.gather [hbm4b:s1+s24], $0x40, s4, s24, $0xb8;
	[tilespmem:$0x1DB00] =	vst v63  }
0x30: {  	s13 =	simm.s32 $0x80  }
0x31: {  	[tilespmem:s28], [sflag:$0x2] =	stream.indirect.gather [hbm4b:s1+s24], $0x40, s13, s24, $0xb8;
	[tilespmem:$0x1DB00] =	vst v63  }
0x32: {  	s12 =	simm.s32 $0x100  }
0x33: {  	[tilespmem:s30], [sflag:$0x3] =	stream.indirect.gather [hbm4b:s1+s24], $0x40, s12, s24, $0xb8;
	[tilespmem:$0x1DB00] =	vst v63  }
0x34: {  	s13 =	simm.s32 $0x180  }
0x35: {  	[tilespmem:s2], [sflag:$0x4] =	stream.indirect.gather [hbm4b:s1+s24], $0x40, s13, s24, $0xb8;
	[tilespmem:$0x1DB00] =	vst v63  }
0x36: {  	s12 =	simm.s32 $0x200  }
0x37: {  	[tilespmem:s17], [sflag:$0x5] =	stream.indirect.gather [hbm4b:s1+s24], $0x40, s12, s24, $0xb8;
	[tilespmem:$0x1DB00] =	vst v63  }
0x38: {  	_ =	swait.ge [sflag:s20], $0x1F40  }
0x39: {  	[sflag:s20] =	ssyncset.done $0x0  }
0x3a: {  	s13 =	simm.s32 $0x5000;
	[sflag:s20] =	ssyncadd.s32 $0xFFFFE0C0  }
0x3b: {  	[spmem:s3] =	stream.indirect.scatter.add.f32 [tilespmem:s25], [sflag:$0x6], $0x40, s13, s24, $0xb8;
	[tilespmem:$0x1DB00] =	vst v63  }
0x3c: {  	_ =	swait.ge [sflag:s21], $0x1F40  }
0x3d: {  	[sflag:s21] =	ssyncset.done $0x0  }
0x3e: {  	s12 =	simm.s32 $0x5080;
	[sflag:s21] =	ssyncadd.s32 $0xFFFFE0C0  }
0x3f: {  	[spmem:s3] =	stream.indirect.scatter.add.f32 [tilespmem:s28], [sflag:$0x7], $0x40, s12, s24, $0xb8;
	[tilespmem:$0x1DB00] =	vst v63  }
0x40: {  	_ =	swait.ge [sflag:s22], $0x1F40  }
0x41: {  	[sflag:s22] =	ssyncset.done $0x0  }
0x42: {  	s13 =	simm.s32 $0x5100;
	[sflag:s22] =	ssyncadd.s32 $0xFFFFE0C0  }
0x43: {  	[spmem:s3] =	stream.indirect.scatter.add.f32 [tilespmem:s30], [sflag:$0x8], $0x40, s13, s24, $0xb8;
	[tilespmem:$0x1DB00] =	vst v63  }
0x44: {  	_ =	swait.ge [sflag:s23], $0x1F40  }
0x45: {  	[sflag:s23] =	ssyncset.done $0x0  }
0x46: {  	s12 =	simm.s32 $0x5180;
	[sflag:s23] =	ssyncadd.s32 $0xFFFFE0C0  }
0x47: {  	[spmem:s3] =	stream.indirect.scatter.add.f32 [tilespmem:s2], [sflag:$0x9], $0x40, s12, s24, $0xb8;
	[tilespmem:$0x1DB00] =	vst v63  }
0x48: {  	_ =	swait.ge [sflag:s26], $0x1F40  }
0x49: {  	[sflag:s26] =	ssyncset.done $0x0  }
0x4a: {  	s13 =	simm.s32 $0x5200;
	[sflag:s26] =	ssyncadd.s32 $0xFFFFE0C0  }
0x4b: {  	[spmem:s3] =	stream.indirect.scatter.add.f32 [tilespmem:s17], [sflag:$0xA], $0x40, s13, s24, $0xb8;
	[tilespmem:$0x1DB00] =	vst v63  }
0x4c: {  	_ =	swait.ge [sflag:s29], $0x1F40  }
0x4d: {  	[sflag:s29] =	ssyncset.done $0x0  }
0x4e: {  	s12 =	simm.s32 $0x280;
	[sflag:s29] =	ssyncadd.s32 $0xFFFFE0C0  }
0x4f: {  	[tilespmem:s25], [sflag:$0x1] =	stream.indirect.gather [hbm4b:s1+s24], $0x40, s12, s24, $0xb8;
	[tilespmem:$0x1DB00] =	vst v63  }
0x50: {  	_ =	swait.ge [sflag:s31], $0x1F40  }
0x51: {  	[sflag:s31] =	ssyncset.done $0x0  }
0x52: {  	s13 =	simm.s32 $0x300;
	[sflag:s31] =	ssyncadd.s32 $0xFFFFE0C0  }
0x53: {  	[tilespmem:s28], [sflag:$0x2] =	stream.indirect.gather [hbm4b:s1+s24], $0x40, s13, s24, $0xb8;
	[tilespmem:$0x1DB00] =	vst v63  }
0x54: {  	_ =	swait.ge [sflag:s0], $0x1F40  }
0x55: {  	[sflag:s0] =	ssyncset.done $0x0  }
0x56: {  	s12 =	simm.s32 $0x380;
	[sflag:s0] =	ssyncadd.s32 $0xFFFFE0C0  }
0x57: {  	[tilespmem:s30], [sflag:$0x3] =	stream.indirect.gather [hbm4b:s1+s24], $0x40, s12, s24, $0xb8;
	[tilespmem:$0x1DB00] =	vst v63  }
0x58: {  	_ =	swait.ge [sflag:s6], $0x1F40  }
0x59: {  	[sflag:s6] =	ssyncset.done $0x0  }
0x5a: {  	s13 =	simm.s32 $0x400;
	[sflag:s6] =	ssyncadd.s32 $0xFFFFE0C0  }
0x5b: {  	[tilespmem:s2], [sflag:$0x4] =	stream.indirect.gather [hbm4b:s1+s24], $0x40, s13, s24, $0xb8;
	[tilespmem:$0x1DB00] =	vst v63  }
0x5c: {  	_ =	swait.ge [sflag:s7], $0x1F40  }
0x5d: {  	[sflag:s7] =	ssyncset.done $0x0  }
0x5e: {  	s11 =	simm.s32 $0xA00;
	s12 =	simm.s32 $0x480;
	[sflag:s7] =	ssyncadd.s32 $0xFFFFE0C0  }
.LBB2_2:
0x5f: {  	[tilespmem:s17], [sflag:$0x5] =	stream.indirect.gather [hbm4b:s1+s24], $0x40, s12, s24, $0xb8;
	[tilespmem:$0x1DB00] =	vst v63  }
0x60: {  	s12 =	smov.u32 s11  }
0x61: {  	p0 =	sne.s32 s11, $0x12C00;
	s11 =	sadd.s32 $0xA00, s11;
	_ =	swait.ge [sflag:s20], $0x1F40  }
0x62: {  	s12 =	sshra.s32 s12, $0x2;
	[sflag:s20] =	ssyncset.done $0x0  }
0x63: {  	s13 =	sadd.s32 $0x5000, s12;
	[sflag:s20] =	ssyncadd.s32 $0xFFFFE0C0  }
0x64: {  	[spmem:s3] =	stream.indirect.scatter.add.f32 [tilespmem:s25], [sflag:$0x6], $0x40, s13, s24, $0xb8;
	[tilespmem:$0x1DB00] =	vst v63  }
0x65: {  	_ =	swait.ge [sflag:s21], $0x1F40  }
0x66: {  	[sflag:s21] =	ssyncset.done $0x0  }
0x67: {  	s13 =	sadd.s32 $0x5080, s12;
	[sflag:s21] =	ssyncadd.s32 $0xFFFFE0C0  }
0x68: {  	[spmem:s3] =	stream.indirect.scatter.add.f32 [tilespmem:s28], [sflag:$0x7], $0x40, s13, s24, $0xb8;
	[tilespmem:$0x1DB00] =	vst v63  }
0x69: {  	_ =	swait.ge [sflag:s22], $0x1F40  }
0x6a: {  	[sflag:s22] =	ssyncset.done $0x0  }
0x6b: {  	s13 =	sadd.s32 $0x5100, s12;
	[sflag:s22] =	ssyncadd.s32 $0xFFFFE0C0  }
0x6c: {  	[spmem:s3] =	stream.indirect.scatter.add.f32 [tilespmem:s30], [sflag:$0x8], $0x40, s13, s24, $0xb8;
	[tilespmem:$0x1DB00] =	vst v63  }
0x6d: {  	_ =	swait.ge [sflag:s23], $0x1F40  }
0x6e: {  	[sflag:s23] =	ssyncset.done $0x0  }
0x6f: {  	s13 =	sadd.s32 $0x5180, s12;
	[sflag:s23] =	ssyncadd.s32 $0xFFFFE0C0  }
0x70: {  	[spmem:s3] =	stream.indirect.scatter.add.f32 [tilespmem:s2], [sflag:$0x9], $0x40, s13, s24, $0xb8;
	[tilespmem:$0x1DB00] =	vst v63  }
0x71: {  	_ =	swait.ge [sflag:s26], $0x1F40  }
0x72: {  	[sflag:s26] =	ssyncset.done $0x0  }
0x73: {  	s13 =	sadd.s32 $0x5200, s12;
	[sflag:s26] =	ssyncadd.s32 $0xFFFFE0C0  }
0x74: {  	[spmem:s3] =	stream.indirect.scatter.add.f32 [tilespmem:s17], [sflag:$0xA], $0x40, s13, s24, $0xb8;
	[tilespmem:$0x1DB00] =	vst v63  }
0x75: {  	_ =	swait.ge [sflag:s29], $0x1F40  }
0x76: {  	[sflag:s29] =	ssyncset.done $0x0  }
0x77: {  	s13 =	sadd.s32 $0x280, s12;
	[sflag:s29] =	ssyncadd.s32 $0xFFFFE0C0  }
0x78: {  	[tilespmem:s25], [sflag:$0x1] =	stream.indirect.gather [hbm4b:s1+s24], $0x40, s13, s24, $0xb8;
	[tilespmem:$0x1DB00] =	vst v63  }
0x79: {  	_ =	swait.ge [sflag:s31], $0x1F40  }
0x7a: {  	[sflag:s31] =	ssyncset.done $0x0  }
0x7b: {  	s13 =	sadd.s32 $0x300, s12;
	[sflag:s31] =	ssyncadd.s32 $0xFFFFE0C0  }
0x7c: {  	[tilespmem:s28], [sflag:$0x2] =	stream.indirect.gather [hbm4b:s1+s24], $0x40, s13, s24, $0xb8;
	[tilespmem:$0x1DB00] =	vst v63  }
0x7d: {  	_ =	swait.ge [sflag:s0], $0x1F40  }
0x7e: {  	[sflag:s0] =	ssyncset.done $0x0  }
0x7f: {  	s13 =	sadd.s32 $0x380, s12;
	[sflag:s0] =	ssyncadd.s32 $0xFFFFE0C0  }
0x80: {  	[tilespmem:s30], [sflag:$0x3] =	stream.indirect.gather [hbm4b:s1+s24], $0x40, s13, s24, $0xb8;
	[tilespmem:$0x1DB00] =	vst v63  }
0x81: {  	_ =	swait.ge [sflag:s6], $0x1F40  }
0x82: {  	[sflag:s6] =	ssyncset.done $0x0  }
.Ltmp0:
0x83: {  	s13 =	sadd.s32 $0x400, s12;
	[sflag:s6] =	ssyncadd.s32 $0xFFFFE0C0;
	(pc) =	sbr.rel @p0 .LBB2_2-.Ltmp0, $4  }
0x84: {  	[tilespmem:s2], [sflag:$0x4] =	stream.indirect.gather [hbm4b:s1+s24], $0x40, s13, s24, $0xb8;
	[tilespmem:$0x1DB00] =	vst v63  }
0x85: {  	_ =	swait.ge [sflag:s7], $0x1F40  }
0x86: {  	[sflag:s7] =	ssyncset.done $0x0  }
0x87: {  	s12 =	sadd.s32 $0x480, s12;
	[sflag:s7] =	ssyncadd.s32 $0xFFFFE0C0  }
0x88: {  	[tilespmem:s17], [sflag:$0x5] =	stream.indirect.gather [hbm4b:s1+s24], $0x40, s12, s24, $0xb8;
	[tilespmem:$0x1DB00] =	vst v63  }
0x89: {  	_ =	swait.ge [sflag:s20], $0x1F40  }
0x8a: {  	[sflag:s20] =	ssyncset.done $0x0  }
0x8b: {  	s11 =	simm.s32 $0x9D80;
	[sflag:s20] =	ssyncadd.s32 $0xFFFFE0C0  }
0x8c: {  	[spmem:s3] =	stream.indirect.scatter.add.f32 [tilespmem:s25], [sflag:$0x6], $0x40, s11, s24, $0xb8;
	[tilespmem:$0x1DB00] =	vst v63  }
0x8d: {  	_ =	swait.ge [sflag:s21], $0x1F40  }
0x8e: {  	[sflag:s21] =	ssyncset.done $0x0  }
0x8f: {  	s12 =	simm.s32 $0x9E00;
	[sflag:s21] =	ssyncadd.s32 $0xFFFFE0C0  }
0x90: {  	[spmem:s3] =	stream.indirect.scatter.add.f32 [tilespmem:s28], [sflag:$0x7], $0x40, s12, s24, $0xb8;
	[tilespmem:$0x1DB00] =	vst v63  }
0x91: {  	_ =	swait.ge [sflag:s22], $0x1F40  }
0x92: {  	[sflag:s22] =	ssyncset.done $0x0  }
0x93: {  	s13 =	simm.s32 $0x9E80;
	[sflag:s22] =	ssyncadd.s32 $0xFFFFE0C0  }
0x94: {  	[spmem:s3] =	stream.indirect.scatter.add.f32 [tilespmem:s30], [sflag:$0x8], $0x40, s13, s24, $0xb8;
	[tilespmem:$0x1DB00] =	vst v63  }
0x95: {  	_ =	swait.ge [sflag:s23], $0x1F40  }
0x96: {  	[sflag:s23] =	ssyncset.done $0x0  }
0x97: {  	s12 =	simm.s32 $0x9F00;
	[sflag:s23] =	ssyncadd.s32 $0xFFFFE0C0  }
0x98: {  	[spmem:s3] =	stream.indirect.scatter.add.f32 [tilespmem:s2], [sflag:$0x9], $0x40, s12, s24, $0xb8;
	[tilespmem:$0x1DB00] =	vst v63  }
0x99: {  	_ =	swait.ge [sflag:s26], $0x1F40  }
0x9a: {  	[sflag:s26] =	ssyncset.done $0x0  }
0x9b: {  	s13 =	simm.s32 $0x9F80;
	[sflag:s26] =	ssyncadd.s32 $0xFFFFE0C0  }
0x9c: {  	[spmem:s3] =	stream.indirect.scatter.add.f32 [tilespmem:s17], [sflag:$0xA], $0x40, s13, s24, $0xb8;
	[tilespmem:$0x1DB00] =	vst v63  }
0x9d: {  	_ =	swait.ge [sflag:s29], $0x1F40  }
0x9e: {  	[sflag:s29] =	ssyncset.done $0x0  }
0x9f: {  	[sflag:s29] =	ssyncadd.s32 $0xFFFFE0C0  }
0xa0: {  	_ =	swait.ge [sflag:s31], $0x1F40  }
0xa1: {  	[sflag:s31] =	ssyncset.done $0x0  }
0xa2: {  	[sflag:s31] =	ssyncadd.s32 $0xFFFFE0C0  }
0xa3: {  	_ =	swait.ge [sflag:s0], $0x1F40  }
0xa4: {  	[sflag:s0] =	ssyncset.done $0x0  }
0xa5: {  	[sflag:s0] =	ssyncadd.s32 $0xFFFFE0C0  }
0xa6: {  	_ =	swait.ge [sflag:s6], $0x1F40  }
0xa7: {  	[sflag:s6] =	ssyncset.done $0x0  }
0xa8: {  	[sflag:s6] =	ssyncadd.s32 $0xFFFFE0C0  }
0xa9: {  	_ =	swait.ge [sflag:s7], $0x1F40  }
0xaa: {  	[sflag:s7] =	ssyncset.done $0x0  }
0xab: {  	[sflag:s7] =	ssyncadd.s32 $0xFFFFE0C0  }
0xac: {  	[bflag:$0x0] =	sbarrier.arrive $0xFFFF  }
0xad: {  	[tilespmem:s25], [sflag:$0xB] =	stream.linear.gather [spmem:s9], $0x1F40, $0x38;
	[tilespmem:$0x1DB00] =	vst v63  }
0xae: {  	_ =	swait.ge [sflag:s8], $0x1F40  }
0xaf: {  	[sflag:s8] =	ssyncset.done $0x0  }
0xb0: {  	[sflag:s8] =	ssyncadd.s32 $0xFFFFE0C0  }
0xb1: {  	[hbm4b:s5+s24] =	stream.indirect.scatter [tilespmem:s25], [sflag:$0x1], $0x40, s18, s24, $0xb8;
	[tilespmem:$0x1DB00] =	vst v63  }
0xb2: {  	s12 =	rddreg [dreg:$0x9]  }
0xb3: {  	[tilespmem:s28], [sflag:$0xB] =	stream.linear.gather [spmem:s12], $0x1F40, $0x38;
	[tilespmem:$0x1DB00] =	vst v63  }
0xb4: {  	_ =	swait.ge [sflag:s8], $0x1F40  }
0xb5: {  	[sflag:s8] =	ssyncset.done $0x0  }
0xb6: {  	s13 =	simm.s32 $0x13CC0;
	[sflag:s8] =	ssyncadd.s32 $0xFFFFE0C0  }
0xb7: {  	[hbm4b:s5+s24] =	stream.indirect.scatter [tilespmem:s28], [sflag:$0x2], $0x40, s13, s24, $0xb8;
	[tilespmem:$0x1DB00] =	vst v63  }
0xb8: {  	s12 =	rddreg [dreg:$0xa]  }
0xb9: {  	[tilespmem:s30], [sflag:$0xB] =	stream.linear.gather [spmem:s12], $0x1F40, $0x38;
	[tilespmem:$0x1DB00] =	vst v63  }
0xba: {  	_ =	swait.ge [sflag:s8], $0x1F40  }
0xbb: {  	[sflag:s8] =	ssyncset.done $0x0  }
0xbc: {  	s13 =	simm.s32 $0x13D40;
	[sflag:s8] =	ssyncadd.s32 $0xFFFFE0C0  }
0xbd: {  	[hbm4b:s5+s24] =	stream.indirect.scatter [tilespmem:s30], [sflag:$0x3], $0x40, s13, s24, $0xb8;
	[tilespmem:$0x1DB00] =	vst v63  }
0xbe: {  	_ = 	snop  }
0xbf: {  	[tilespmem:s2], [sflag:$0xB] =	stream.linear.gather [spmem:s14], $0x1F40, $0x38;
	[tilespmem:$0x1DB00] =	vst v63  }
0xc0: {  	_ =	swait.ge [sflag:s8], $0x1F40  }
0xc1: {  	[sflag:s8] =	ssyncset.done $0x0  }
0xc2: {  	s12 =	simm.s32 $0x13DC0;
	[sflag:s8] =	ssyncadd.s32 $0xFFFFE0C0  }
0xc3: {  	[hbm4b:s5+s24] =	stream.indirect.scatter [tilespmem:s2], [sflag:$0x4], $0x40, s12, s24, $0xb8;
	[tilespmem:$0x1DB00] =	vst v63  }
0xc4: {  	_ = 	snop  }
0xc5: {  	[tilespmem:s17], [sflag:$0xB] =	stream.linear.gather [spmem:s15], $0x1F40, $0x38;
	[tilespmem:$0x1DB00] =	vst v63  }
0xc6: {  	_ =	swait.ge [sflag:s8], $0x1F40  }
0xc7: {  	[sflag:s8] =	ssyncset.done $0x0  }
0xc8: {  	s13 =	simm.s32 $0x13E40;
	[sflag:s8] =	ssyncadd.s32 $0xFFFFE0C0  }
0xc9: {  	[hbm4b:s5+s24] =	stream.indirect.scatter [tilespmem:s17], [sflag:$0x5], $0x40, s13, s24, $0xb8;
	[tilespmem:$0x1DB00] =	vst v63  }
0xca: {  	_ =	swait.ge [sflag:s20], $0x1F40  }
0xcb: {  	[sflag:s20] =	ssyncset.done $0x0  }
0xcc: {  	[sflag:s20] =	ssyncadd.s32 $0xFFFFE0C0  }
0xcd: {  	_ =	swait.ge [sflag:s21], $0x1F40  }
0xce: {  	[sflag:s21] =	ssyncset.done $0x0  }
0xcf: {  	[sflag:s21] =	ssyncadd.s32 $0xFFFFE0C0  }
0xd0: {  	_ =	swait.ge [sflag:s22], $0x1F40  }
0xd1: {  	[sflag:s22] =	ssyncset.done $0x0  }
0xd2: {  	s10 =	sadd.s32 $0x1, s10;
	[sflag:s22] =	ssyncadd.s32 $0xFFFFE0C0  }
0xd3: {  	p0 =	sne.s32 s10, s16;
	_ =	swait.ge [sflag:s23], $0x1F40  }
.Ltmp1:
0xd4: {  	[sflag:s23] =	ssyncset.done $0x0;
	(pc) =	sbr.rel @p0 .LBB2_1-.Ltmp1, $4  }
0xd5: {  	[sflag:s23] =	ssyncadd.s32 $0xFFFFE0C0  }
0xd6: {  	_ =	swait.ge [sflag:s26], $0x1F40  }
0xd7: {  	[sflag:s26] =	ssyncset.done $0x0  }
0xd8: {  	[sflag:s26] =	ssyncadd.s32 $0xFFFFE0C0  }
0xd9: {  	_ =	sfence.sel $0x180000  }
0xda: {  	[bflag:$0x0] =	sbarrier.arrive $0xFFFF  }
0xdb: {  	_ =	strace $0x9000004D  }
0xdc: {  	s0 =	stileid.u32;
	[bflag:$0x2] =	sbarrier.arrive $0xFFFF  }
0xdd: {  	p0 =	sne.s32 s0, $0x0;
	s0 =	rddreg [dreg:$0x3]  }
0xde: {  	s0 =	sadd.s32 @!p0 $0x100000, s0  }
0xdf: {  	[sflag:s0] =	ssyncadd.tile.s32 @!p0 $0x1;
	_ =	shalt  }
.Lfunc_end2:
_tile_overlayer_lowered:
.L_overlay_start_2:
0xe0: {  	(tag) =	ssettag $0x2  }
0xe1: {  	s0 =	rddreg [dreg:$0x0];
	s2 =	stileid.u32  }
0xe2: {  	s1 =	rddreg [dreg:$0x1];
	p0 =	sne.s32 s2, $0x0  }
0xe3: {  	s3 =	rddreg [dreg:$0x2];
	[bflag:$0x3] =	sbarrier.arrive $0xFFFF;
	s2 =	simm.s32 @!p0 $0x1C0B  }
0xe4: {  	[timem:s3], [sflag:s2] =	dma.local @!p0 [hbm:s0], s1  }
0xe5: {  	s0 =	simm.s32 @!p0 $0xB  }
0xe6: {  	_ =	swait.ge @!p0 [sflag:s0], s1  }
0xe7: {  	s1 =	ssub.s32 @!p0 $0x0, s1;
	[sflag:s0] =	ssyncset.done @!p0 $0x0  }
0xe8: {  	[sflag:s0] =	ssyncadd.s32 @!p0 s1  }
0xe9: {  	[bflag:$0x3] =	sbarrier.arrive $0xFFFF  }
0xea: {  	_ =	shalt  }

// kernel: kernel.8.cloned.1.call-start
scs
__scs_entry_jumppad:
0x0: {  	(pc) =	sbr.rel $0x88, $3  }
0x1: {  	(tag) =	ssettag $0x0;
	lr =	simm.s32 $0x1  }
0x2: {  	[smem:$0x3F95] =	sst lr;
	_ =	strace $0xD0000000  }
0x3: {  	_ = 	snop  }
0x4: {  	_ = 	snop  }
0x5: {  	_ = 	snop  }
0x6: {  	_ = 	snop  }
0x7: {  	_ = 	snop  }
__scs_overlays_trampoline_lowered:
0x8: {  	[smem:$0x3FA4] =	sst s0  }
0x9: {  	[smem:$0x3FA5] =	sst s1  }
0xa: {  	[smem:$0x3FA6] =	sst s2  }
0xb: {  	[smem:$0x3FA7] =	sst s3  }
0xc: {  	[smem:$0x3FA8] =	sst s4  }
0xd: {  	[smem:$0x3FA9] =	sst s5  }
0xe: {  	[smem:$0x3FAA] =	sst s6  }
0xf: {  	[smem:$0x3FAB] =	sst s7  }
0x10: {  	[smem:$0x3FAC] =	sst s8  }
0x11: {  	[smem:$0x3FAD] =	sst s9;
	s0 =	simm.s32 @!p0 $0x0  }
0x12: {  	s1 =	sld [smem:$0x3F93];
	s0 =	simm.s32 @p0 $0x1  }
0x13: {  	[smem:$0x3FAE] =	sst s0;
	s0 =	simm.s32 @!p1 $0x0  }
0x14: {  	s2 =	sld [smem:$0x3F92];
	s0 =	simm.s32 @p1 $0x1  }
0x15: {  	[smem:$0x3FAF] =	sst s0;
	s0 =	simm.s32 @!p2 $0x0  }
0x16: {  	s3 =	sld [smem:$0x3FDB];
	s0 =	simm.s32 @p2 $0x1  }
0x17: {  	s4 =	simm.s32 $0x1BF5;
	[smem:$0x3FB1] =	sst s0  }
0x18: {  	s0 =	sld [smem:$0x3F94];
	_ =	swait.ge [sflag:s4], $0x0  }
0x19: {  	s7 =	sld [smem:$0x3F95]  }
0x1a: {  	s8 =	sadd.s32 $0xFFFFE003, lr  }
0x1b: {  	s9 =	sadd.s32 $0xFFFFFEF7, lr;
	s5 =	simm.s32 $0xFFFFFFFF;
	p2 =	slt.u32 s8, $0xFFFFF086  }
0x1c: {  	p1 =	slt.u32 s9, $0xF7A;
	s5 =	simm.s32 @!p2 $0x0  }
0x1d: {  	s5 =	simm.s32 @p1 $0x1;
	p0 =	seq.s32 s7, s2  }
0x1e: {  	s7 =	smul.u32 @!p0 $0xF7A, s2;
	p2 =	seq.s32 @!p0 s5, $0x0  }
0x1f: {  	s9 =	smul.u32 $0xF7A, s1;
	s8 =	simm.s32 @!p0 $0x1BF5;
	p2 =	por !p2, p0  }
0x20: {  	[sflag:s8] =	ssyncset.s32 @!p0 $0xFFFFF086;
	s6 =	sadd.s32 @!p0 s3, s7;
	s7 =	simm.s32 @!p0 $0x108  }
0x21: {  	s3 =	sadd.s32 s3, s9;
	s6 =	sadd.s32 @!p0 $0x88, s6;
	s7 =	simm.s32 @p2 $0x1082  }
0x22: {  	[simem:s7], [sflag:s8] =	dma.local @!p0 [hbm:s6], $0xF7A  }
0x23: {  	s9 =	sor.u32 $0xD0000000, s2;
	s6 =	simm.s32 $0x108;
	_ =	swait.ge @!p0 [sflag:s8], $0x0  }
0x24: {  	s3 =	sadd.s32 $0x88, s3;
	s6 =	simm.s32 @!p1 $0x1082;
	[sflag:s4] =	ssyncset.s32 $0xFFFFF086  }
0x25: {  	[simem:s6], [sflag:s4] =	dma.local [hbm:s3], $0xF7A  }
0x26: {  	[smem:$0x3F95] =	sst s1;
	(tag) =	ssettag s2;
	_ =	strace s9  }
0x27: {  	s1 =	sld [smem:$0x3FA5]  }
0x28: {  	s2 =	sld [smem:$0x3FA6]  }
0x29: {  	s4 =	sld [smem:$0x3FA8]  }
0x2a: {  	p0 =	seq.s32 s5, $0x0;
	s5 =	sld [smem:$0x3FA9]  }
0x2b: {  	s6 =	sld [smem:$0x3FAA]  }
0x2c: {  	s7 =	sld [smem:$0x3FAB]  }
0x2d: {  	s3 =	simm.s32 $0x108;
	s8 =	sld [smem:$0x3FAC]  }
0x2e: {  	s3 =	simm.s32 @!p0 $0x1082;
	s9 =	sld [smem:$0x3FAD]  }
0x2f: {  	lr =	sadd.s32 s0, s3;
	s0 =	sld [smem:$0x3FA4]  }
0x30: {  	s3 =	sld [smem:$0x3FA7]  }
0x31: {  	[smem:$0x3FB0] =	sst s10  }
0x32: {  	s10 =	sld [smem:$0x3FAE];
	_ =	sdelay $0x3  }
0x33: {  	p0 =	seq.s32 s10, $0x1;
	s10 =	sld [smem:$0x3FB0];
	_ =	sdelay $0x3  }
0x34: {  	[smem:$0x3FB0] =	sst s10  }
0x35: {  	s10 =	sld [smem:$0x3FAF];
	_ =	sdelay $0x3  }
0x36: {  	p1 =	seq.s32 s10, $0x1;
	s10 =	sld [smem:$0x3FB0];
	_ =	sdelay $0x3  }
0x37: {  	[smem:$0x3FB0] =	sst s10  }
0x38: {  	s10 =	sld [smem:$0x3FB1]  }
0x39: {  	_ = 	snop;
	(pc) =	sbr.ind lr, $3  }
0x3a: {  	_ = 	snop  }
0x3b: {  	_ = 	snop  }
0x3c: {  	p2 =	seq.s32 s10, $0x1;
	s10 =	sld [smem:$0x3FB0]  }
0x3d: {  	_ =	shalt  }
0x3e: {  	_ =	shalt  }
0x3f: {  	_ =	shalt  }
0x40: {  	_ =	shalt  }
0x41: {  	_ =	shalt  }
0x42: {  	_ =	shalt  }
0x43: {  	_ =	shalt  }
0x44: {  	_ =	shalt  }
0x45: {  	_ =	shalt  }
0x46: {  	_ =	shalt  }
0x47: {  	_ =	shalt  }
0x48: {  	_ =	shalt  }
0x49: {  	_ =	shalt  }
0x4a: {  	_ =	shalt  }
0x4b: {  	_ =	shalt  }
0x4c: {  	_ =	shalt  }
0x4d: {  	_ =	shalt  }
0x4e: {  	_ =	shalt  }
0x4f: {  	_ =	shalt  }
0x50: {  	_ =	shalt  }
0x51: {  	_ =	shalt  }
0x52: {  	_ =	shalt  }
0x53: {  	_ =	shalt  }
0x54: {  	_ =	shalt  }
0x55: {  	_ =	shalt  }
0x56: {  	_ =	shalt  }
0x57: {  	_ =	shalt  }
0x58: {  	_ =	shalt  }
0x59: {  	_ =	shalt  }
0x5a: {  	_ =	shalt  }
0x5b: {  	_ =	shalt  }
0x5c: {  	_ =	shalt  }
0x5d: {  	_ =	shalt  }
0x5e: {  	_ =	shalt  }
0x5f: {  	_ =	shalt  }
0x60: {  	_ =	shalt  }
0x61: {  	_ =	shalt  }
0x62: {  	_ =	shalt  }
0x63: {  	_ =	shalt  }
0x64: {  	_ =	shalt  }
0x65: {  	_ =	shalt  }
0x66: {  	_ =	shalt  }
0x67: {  	_ =	shalt  }
0x68: {  	_ =	shalt  }
0x69: {  	_ =	shalt  }
0x6a: {  	_ =	shalt  }
0x6b: {  	_ =	shalt  }
0x6c: {  	_ =	shalt  }
0x6d: {  	_ =	shalt  }
0x6e: {  	_ =	shalt  }
0x6f: {  	_ =	shalt  }
0x70: {  	_ =	shalt  }
0x71: {  	_ =	shalt  }
0x72: {  	_ =	shalt  }
0x73: {  	_ =	shalt  }
0x74: {  	_ =	shalt  }
0x75: {  	_ =	shalt  }
0x76: {  	_ =	shalt  }
0x77: {  	_ =	shalt  }
0x78: {  	_ =	shalt  }
0x79: {  	_ =	shalt  }
0x7a: {  	_ =	shalt  }
0x7b: {  	_ =	shalt  }
0x7c: {  	_ =	shalt  }
0x7d: {  	_ =	shalt  }
0x7e: {  	_ =	shalt  }
0x7f: {  	_ =	shalt  }
0x80: {  	_ =	shalt  }
0x81: {  	_ =	shalt  }
0x82: {  	_ =	shalt  }
0x83: {  	_ =	shalt  }
0x84: {  	_ =	shalt  }
0x85: {  	_ =	shalt  }
0x86: {  	_ =	shalt  }
0x87: {  	_ =	shalt  }
.Lfunc_end0:
.L_simem_size_0:
called_computation_lowered:
.L_overlay_start_0:
0x88: {  	s2 =	sld [smem:$0x3FD9]  }
0x89: {  	s3 =	sld [smem:$0x3FFE];
	_ =	sdelay $0x1  }
0x8a: {  	s1 =	srdreg.scid  }
0x8b: {  	s0 =	sand.u32 $0x1, s1  }
0x8c: {  	s17 =	sshll.u32 s0, $0xA;
	s2 =	sadd.s32 s3, s2  }
0x8d: {  	s2 =	sadd.s32 s2, s17  }
0x8e: {  	[smem:$0x3FBC] =	sst s2  }
0x8f: {  	_ = 	snop  }
0x90: {  	s2 =	sld [smem:$0x3FD0];
	(tm) =	ssettm $0x1  }
0x91: {  	s18 =	sld [smem:$0x3FFB];
	_ =	sdelay $0x3  }
0x92: {  	_ =	strace s18  }
0x93: {  	s3 =	sld [smem:$0x3FFC];
	_ =	sdelay $0x3  }
0x94: {  	_ =	strace s3  }
0x95: {  	s3 =	sld [smem:$0x3FFD];
	_ =	sdelay $0x3  }
0x96: {  	_ =	strace s3  }
0x97: {  	_ =	strace $0x8FFFFFFF  }
0x98: {  	s19 =	sld [smem:$0x3FDB];
	_ =	sdelay $0x1  }
0x99: {  	s4 =	simm.s32 $_scs_section_size  }
0x9a: {  	s5 =	simm.s32 $_size__tile_overlayer_lowered;
	s6 =	simm.s32 $_tile_overlayer_lowered  }
0x9b: {  	s22 =	simm.s32 $0x1BFF;
	s21 =	sshll.u32 s6, $0x1;
	s3 =	sadd.s32 s4, s19  }
0x9c: {  	s7 =	simm.s32 $0x0;
	s20 =	sshll.u32 s5, $0x1;
	s5 =	sadd.s32 s21, s3  }
0x9d: {  	[timem:s7], [sflag:s22] =	dma.local [hbm:s5], s20  }
0x9e: {  	_ =	swait.ge [sflag:s22], s20  }
0x9f: {  	s4 =	ssub.s32 $0x0, s20;
	[sflag:s22] =	ssyncset.done $0x0  }
0xa0: {  	[sflag:s22] =	ssyncadd.s32 s4;
	_ =	sdelay $0x1  }
0xa1: {  	s23 =	simm.s32 $0x1B8B  }
0xa2: {  	_ =	swait.ge [sflag:s23], $0x1  }
0xa3: {  	[sflag:s23] =	ssyncset.done $0x0  }
0xa4: {  	s25 =	simm.s32 $0x1B8E;
	s24 =	sld [smem:$0x3FFE];
	[sflag:s23] =	ssyncadd.s32 $0xFFFFFFFF  }
0xa5: {  	s26 =	simm.s32 $execute0_lowered;
	[smem:$0x3FD2] =	sst s25  }
0xa6: {  	s5 =	sshll.u32 s26, $0x1;
	_ =	strace $0x80000046;
	[dreg:$0x1] =	wrdreg $0xFFFFFFFF  }
0xa7: {  	s28 =	simm.s32 $_size_execute0_lowered;
	s3 =	sadd.s32 s3, s5;
	[dreg:$0x0] =	wrdreg $0x0  }
0xa8: {  	s5 =	sshll.u32 s28, $0x1;
	[dreg:$0x2] =	wrdreg s3  }
0xa9: {  	[dreg:$0x3] =	wrdreg s5  }
0xaa: {  	[dreg:$0x4] =	wrdreg $0xC0  }
0xab: {  	_ =	task [dreg:s7], $0x5FFFF  }
0xac: {  	[dreg:$0x1] =	wrdreg $0xFFFFFFFF  }
0xad: {  	[dreg:$0x0] =	wrdreg $0x60  }
0xae: {  	[dreg:$0x2] =	wrdreg s24  }
0xaf: {  	[dreg:$0x3] =	wrdreg s2  }
0xb0: {  	[dreg:$0x4] =	wrdreg $0x57D00  }
0xb1: {  	[dreg:$0x5] =	wrdreg $0x9  }
0xb2: {  	_ =	task.clear_ibuf [dreg:s7], $0x6FFFF;
	_ =	strace $0x90000046  }
0xb3: {  	s29 =	simm.s32 $0x9;
	_ =	strace $0x80000048  }
0xb4: {  	_ =	swait.ge [sflag:s29], $0x1  }
0xb5: {  	[sflag:s29] =	ssyncadd.s32 $0xFFFFFFFF  }
0xb6: {  	_ =	strace $0x90000048  }
0xb7: {  	_ =	sfence  }
0xb8: {  	s30 =	sld [smem:$0x0];
	_ =	sdelay $0x2  }
0xb9: {  	s31 =	sshll.u32 s1, $0xD;
	s1 =	sshrl.u32 s1, $0x2  }
0xba: {  	s3 =	sand.u32 $0x4000, s31;
	s1 =	sadd.s32 s1, s30  }
0xbb: {  	s0 =	sor.u32 s3, s0;
	s1 =	sshll.u32 s1, $0x11  }
0xbc: {  	s0 =	sor.u32 s1, s0  }
0xbd: {  	s0 =	sadd.s32 $0x8F2B, s0  }
0xbe: {  	[sflag:s0] =	ssyncadd.remote.s32 $0x1  }
0xbf: {  	_ =	sfence.sel $0xFFFF  }
0xc0: {  	[dreg:$0x0] =	wrdreg $0xFFFFFFFF;
	(pc) =	sbr.abs _section_cstart, $3  }
0xc1: {  	[dreg:$0x1] =	wrdreg $0xFFFFFFFF  }
0xc2: {  	_ =	task.clear_ibuf [dreg:s7], $0x2FFFF;
	_ =	strace $0x9FFFFFFF  }
0xc3: {  	(tm) =	ssettm $0x7FFFFFFF  }
tec
execute0_lowered:
.L_overlay_start_1:
0x0: {  	(tag) =	ssettag $0x1  }
0x1: {  	s4 =	rddreg [dreg:$0x0]  }
0x2: {  	s7 =	rddreg [dreg:$0x1];
	s0 =	srdreg.scid  }
0x3: {  	s2 =	rddreg [dreg:$0x2];
	s1 =	stileid.u32;
	s3 =	simm.s32 $0x0  }
0x4: {  	s13 =	simm.s32 $0x7D;
	s14 =	simm.s32 $0x1;
	s15 =	simm.s32 $0x2  }
0x5: {  	s16 =	simm.s32 $0x3;
	s17 =	simm.s32 $0x4;
	s8 =	smul.u32 $0x5000, s1  }
0x6: {  	s18 =	simm.s32 $0x5;
	s19 =	simm.s32 $0x0;
	s9 =	smul.u32 $0x4E2, s1  }
0x7: {  	s5 =	sand.u32 $0x1, s0;
	s0 =	rddreg [dreg:$0x3];
	s28 =	smul.u32 $0x2710, s1  }
0x8: {  	[smem:$0x7FF] =	sst s3;
	s31 =	sshll.u32 s1, $0x6;
	s6 =	smul.u32 $0x50000, s5  }
0x9: {  	_ =	strace $0x80000047;
	s10 =	ssub.s32 $0x2, s5;
	s5 =	smul.u32 $0x27100, s5  }
0xa: {  	s9 =	sadd.s32 s9, s4;
	s11 =	sshrl.u32 s10, $0x1;
	s12 =	sadd.s32 s28, s2  }
0xb: {  	s6 =	sadd.s32 s8, s6;
	s10 =	ssub.s32 s10, s11;
	s29 =	sadd.s32 s28, s5  }
0xc: {  	s11 =	sor.u32 $0x1C06, s31;
	s12 =	sshrl.u32 s12, $0x3;
	s6 =	sshrl.u32 s6, $0x3  }
0xd: {  	s30 =	sshrl.u32 s29, $0x3;
	s8 =	smax.u32 s10, $0x1;
	s10 =	simm.s32 $0x5000  }
0xe: {  	s6 =	sadd.s32 s6, s4;
	s4 =	sadd.s32 $0x1BC00, s4;
	s7 =	sadd.s32 s7, s30  }
0xf: {  	s5 =	sadd.s32 $0x2C00, s6;
	s6 =	sadd.s32 $0x16C00, s9;
	s9 =	simm.s32 $0x6  }
.LBB2_1:
0x10: {  	[tilespmem:s3], [sflag:$0x6] =	stream.linear.gather [hbm4b:s5+s3], $0x5000, $0x38;
	[tilespmem:$0x7EE0] =	vst v63  }
0x11: {  	_ =	swait.ge [sflag:s9], $0x5000  }
0x12: {  	[sflag:s9] =	ssyncset.done $0x0  }
0x13: {  	[sflag:s9] =	ssyncadd.s32 $0xFFFFB000  }
0x14: {  	[tilespmem:s10], [sflag:$0x6] =	stream.linear.gather [hbm4b:s4+s3], $0x7D0, $0x38;
	[tilespmem:$0x7EE0] =	vst v63  }
0x15: {  	_ =	swait.ge [sflag:s9], $0x7D0  }
0x16: {  	[sflag:s9] =	ssyncset.done $0x0  }
0x17: {  	[sflag:s9] =	ssyncadd.s32 $0xFFFFF830  }
0x18: {  	[spmem:s12], [sflag:s11] =	dma.local [hbm:s6], $0x4E2  }
0x19: {  	_ =	swait.ge [sflag:s9], $0x4E2  }
0x1a: {  	[sflag:s9] =	ssyncset.done $0x0  }
0x1b: {  	[sflag:s9] =	ssyncadd.s32 $0xFFFFFB1E  }
0x1c: {  	s20 =	simm.s32 $0x0;
	[bflag:$0x0] =	sbarrier.arrive $0xFFFF  }
0x1d: {  	[spmem:s2] =	stream.indirect.scatter.add.f32 [tilespmem:s10], [sflag:$0x1], $0x10, s20, s13, $0xb8;
	[tilespmem:$0x7EE0] =	vst v63  }
0x1e: {  	s28 =	simm.s32 $0x80  }
0x1f: {  	[spmem:s2] =	stream.indirect.scatter.add.f32 [tilespmem:s10], [sflag:$0x2], $0x10, s28, s13, $0xb8;
	[tilespmem:$0x7EE0] =	vst v63  }
0x20: {  	s29 =	simm.s32 $0x100  }
0x21: {  	[spmem:s2] =	stream.indirect.scatter.add.f32 [tilespmem:s10], [sflag:$0x3], $0x10, s29, s13, $0xb8;
	[tilespmem:$0x7EE0] =	vst v63  }
0x22: {  	s30 =	simm.s32 $0x180  }
0x23: {  	[spmem:s2] =	stream.indirect.scatter.add.f32 [tilespmem:s10], [sflag:$0x4], $0x10, s30, s13, $0xb8;
	[tilespmem:$0x7EE0] =	vst v63  }
0x24: {  	s31 =	simm.s32 $0x200  }
0x25: {  	[spmem:s2] =	stream.indirect.scatter.add.f32 [tilespmem:s10], [sflag:$0x5], $0x10, s31, s13, $0xb8;
	[tilespmem:$0x7EE0] =	vst v63  }
0x26: {  	_ =	swait.ge [sflag:s14], $0x7D0  }
0x27: {  	[sflag:s14] =	ssyncset.done $0x0  }
0x28: {  	[sflag:s14] =	ssyncadd.s32 $0xFFFFF830  }
0x29: {  	_ =	swait.ge [sflag:s15], $0x7D0  }
0x2a: {  	[sflag:s15] =	ssyncset.done $0x0  }
0x2b: {  	[sflag:s15] =	ssyncadd.s32 $0xFFFFF830  }
0x2c: {  	_ =	swait.ge [sflag:s16], $0x7D0  }
0x2d: {  	[sflag:s16] =	ssyncset.done $0x0  }
0x2e: {  	[sflag:s16] =	ssyncadd.s32 $0xFFFFF830  }
0x2f: {  	_ =	swait.ge [sflag:s17], $0x7D0  }
0x30: {  	[sflag:s17] =	ssyncset.done $0x0  }
0x31: {  	[sflag:s17] =	ssyncadd.s32 $0xFFFFF830  }
0x32: {  	_ =	swait.ge [sflag:s18], $0x7D0  }
0x33: {  	s21 =	simm.s32 $0x1400;
	s20 =	simm.s32 $0xA00;
	[sflag:s18] =	ssyncset.done $0x0  }
.LBB2_2:
0x34: {  	s22 =	sshra.s32 s20, $0x2  }
0x35: {  	[sflag:s18] =	ssyncadd.s32 $0xFFFFF830;
	s20 =	smov.u32 s21;
	s23 =	sadd.s32 $0xA00, s21  }
0x36: {  	[spmem:s2] =	stream.indirect.scatter.add.f32 [tilespmem:s10], [sflag:$0x1], $0x10, s22, s13, $0xb8;
	[tilespmem:$0x7EE0] =	vst v63  }
0x37: {  	p0 =	sne.s32 s21, $0x13600;
	s21 =	sadd.s32 $0x80, s22  }
0x38: {  	[spmem:s2] =	stream.indirect.scatter.add.f32 [tilespmem:s10], [sflag:$0x2], $0x10, s21, s13, $0xb8;
	[tilespmem:$0x7EE0] =	vst v63  }
0x39: {  	s21 =	sadd.s32 $0x100, s22  }
0x3a: {  	[spmem:s2] =	stream.indirect.scatter.add.f32 [tilespmem:s10], [sflag:$0x3], $0x10, s21, s13, $0xb8;
	[tilespmem:$0x7EE0] =	vst v63  }
0x3b: {  	s21 =	sadd.s32 $0x180, s22  }
0x3c: {  	[spmem:s2] =	stream.indirect.scatter.add.f32 [tilespmem:s10], [sflag:$0x4], $0x10, s21, s13, $0xb8;
	[tilespmem:$0x7EE0] =	vst v63  }
0x3d: {  	s21 =	sadd.s32 $0x200, s22  }
0x3e: {  	[spmem:s2] =	stream.indirect.scatter.add.f32 [tilespmem:s10], [sflag:$0x5], $0x10, s21, s13, $0xb8;
	[tilespmem:$0x7EE0] =	vst v63  }
0x3f: {  	_ =	swait.ge [sflag:s14], $0x7D0  }
0x40: {  	[sflag:s14] =	ssyncset.done $0x0  }
0x41: {  	[sflag:s14] =	ssyncadd.s32 $0xFFFFF830  }
0x42: {  	_ =	swait.ge [sflag:s15], $0x7D0  }
0x43: {  	[sflag:s15] =	ssyncset.done $0x0  }
0x44: {  	[sflag:s15] =	ssyncadd.s32 $0xFFFFF830  }
0x45: {  	_ =	swait.ge [sflag:s16], $0x7D0  }
0x46: {  	[sflag:s16] =	ssyncset.done $0x0  }
0x47: {  	[sflag:s16] =	ssyncadd.s32 $0xFFFFF830  }
.Ltmp0:
0x48: {  	_ =	swait.ge [sflag:s17], $0x7D0;
	(pc) =	sbr.rel @p0 .LBB2_2-.Ltmp0, $4  }
0x49: {  	[sflag:s17] =	ssyncset.done $0x0  }
0x4a: {  	[sflag:s17] =	ssyncadd.s32 $0xFFFFF830  }
0x4b: {  	_ =	swait.ge [sflag:s18], $0x7D0  }
0x4c: {  	s21 =	smov.u32 s23;
	[sflag:s18] =	ssyncset.done $0x0  }
0x4d: {  	s20 =	sshra.s32 s20, $0x2;
	[sflag:s18] =	ssyncadd.s32 $0xFFFFF830  }
0x4e: {  	[spmem:s2] =	stream.indirect.scatter.add.f32 [tilespmem:s10], [sflag:$0x1], $0x10, s20, s13, $0xb8;
	[tilespmem:$0x7EE0] =	vst v63  }
0x4f: {  	s21 =	sadd.s32 $0x80, s20  }
0x50: {  	[spmem:s2] =	stream.indirect.scatter.add.f32 [tilespmem:s10], [sflag:$0x2], $0x10, s21, s13, $0xb8;
	[tilespmem:$0x7EE0] =	vst v63  }
0x51: {  	s30 =	sadd.s32 $0x100, s20  }
0x52: {  	[spmem:s2] =	stream.indirect.scatter.add.f32 [tilespmem:s10], [sflag:$0x3], $0x10, s30, s13, $0xb8;
	[tilespmem:$0x7EE0] =	vst v63  }
0x53: {  	s31 =	sadd.s32 $0x180, s20  }
0x54: {  	[spmem:s2] =	stream.indirect.scatter.add.f32 [tilespmem:s10], [sflag:$0x4], $0x10, s31, s13, $0xb8;
	[tilespmem:$0x7EE0] =	vst v63  }
0x55: {  	s20 =	sadd.s32 $0x200, s20  }
0x56: {  	[spmem:s2] =	stream.indirect.scatter.add.f32 [tilespmem:s10], [sflag:$0x5], $0x10, s20, s13, $0xb8;
	[tilespmem:$0x7EE0] =	vst v63  }
0x57: {  	_ =	swait.ge [sflag:s14], $0x7D0  }
0x58: {  	[sflag:s14] =	ssyncset.done $0x0  }
0x59: {  	[sflag:s14] =	ssyncadd.s32 $0xFFFFF830  }
0x5a: {  	_ =	swait.ge [sflag:s15], $0x7D0  }
0x5b: {  	[sflag:s15] =	ssyncset.done $0x0  }
0x5c: {  	[sflag:s15] =	ssyncadd.s32 $0xFFFFF830  }
0x5d: {  	_ =	swait.ge [sflag:s16], $0x7D0  }
0x5e: {  	[sflag:s16] =	ssyncset.done $0x0  }
0x5f: {  	[sflag:s16] =	ssyncadd.s32 $0xFFFFF830  }
0x60: {  	_ =	swait.ge [sflag:s17], $0x7D0  }
0x61: {  	[sflag:s17] =	ssyncset.done $0x0  }
0x62: {  	[sflag:s17] =	ssyncadd.s32 $0xFFFFF830  }
0x63: {  	_ =	swait.ge [sflag:s18], $0x7D0  }
0x64: {  	s19 =	sadd.s32 $0x1, s19;
	[sflag:s18] =	ssyncset.done $0x0  }
0x65: {  	p0 =	sne.s32 s19, s8;
	[sflag:s18] =	ssyncadd.s32 $0xFFFFF830  }
.Ltmp1:
0x66: {  	[bflag:$0x0] =	sbarrier.arrive $0xFFFF;
	(pc) =	sbr.rel @p0 .LBB2_1-.Ltmp1, $4  }
0x67: {  	[hbm:s7], [sflag:s11] =	dma.local [spmem:s12], $0x4E2  }
0x68: {  	_ =	swait.ge [sflag:s9], $0x4E2  }
0x69: {  	[sflag:s9] =	ssyncset.done $0x0  }
0x6a: {  	[sflag:s9] =	ssyncadd.s32 $0xFFFFFB1E  }
0x6b: {  	_ =	sfence.sel $0x180000  }
0x6c: {  	[bflag:$0x0] =	sbarrier.arrive $0xFFFF  }
0x6d: {  	p0 =	sne.s32 s1, $0x0;
	_ =	strace $0x90000047  }
0x6e: {  	s0 =	sadd.s32 @!p0 $0x100000, s0;
	[bflag:$0x2] =	sbarrier.arrive $0xFFFF  }
0x6f: {  	[sflag:s0] =	ssyncadd.tile.s32 @!p0 $0x1;
	_ =	shalt  }
.Lfunc_end2:
_tile_overlayer_lowered:
.L_overlay_start_2:
0x70: {  	(tag) =	ssettag $0x2  }
0x71: {  	s0 =	rddreg [dreg:$0x0];
	s2 =	stileid.u32  }
0x72: {  	s1 =	rddreg [dreg:$0x1];
	p0 =	sne.s32 s2, $0x0  }
0x73: {  	s3 =	rddreg [dreg:$0x2];
	[bflag:$0x3] =	sbarrier.arrive $0xFFFF;
	s2 =	simm.s32 @!p0 $0x1C06  }
0x74: {  	[timem:s3], [sflag:s2] =	dma.local @!p0 [hbm:s0], s1  }
0x75: {  	s0 =	simm.s32 @!p0 $0x6  }
0x76: {  	_ =	swait.ge @!p0 [sflag:s0], s1  }
0x77: {  	s1 =	ssub.s32 @!p0 $0x0, s1;
	[sflag:s0] =	ssyncset.done @!p0 $0x0  }
0x78: {  	[sflag:s0] =	ssyncadd.s32 @!p0 s1  }
0x79: {  	[bflag:$0x3] =	sbarrier.arrive $0xFFFF  }
0x7a: {  	_ =	shalt  }

</sc_bundles>
